<compile_context>
chip_gen: v7x
topology: tpu7x:2x2x1
jax: 0.10.2.dev20260603
libtpu: 0.0.44.dev20260713+nightly
codegen_flags: <defaults>
</compile_context>

<pallas_src>
import functools

import jax
import jax.numpy as jnp
from jax import lax
from jax.experimental import pallas as pl
from jax.experimental.pallas import tpu as pltpu
from jax.experimental.pallas import tpu_sc as plsc

N = 10000
NSRC = 10000
E = 160000
ECG = 160000
D = 256
DE = 16
DEO = 128
DU = 128
G = 8
H = 256

RB = 1000
NB = N // RB
EB = 2000
NEB = E // EB
CB = 128
TCH = E // CB
NW = 32
KMAX = (TCH + NW - 1) // NW
WA = DEO
SROWS = 632
NPAD = 16 * SROWS

_F32 = jnp.float32


def _k1_body(x_ref, b_ref, u_ref, wa_ref, wb_ref, wd_ref, be1_ref,
             pr_ref, pc_ref):
    x = x_ref[...]
    ue = jnp.dot(u_ref[...], wd_ref[...],
                 preferred_element_type=_F32) + be1_ref[...]
    b = b_ref[0, 0, :]
    oh = (b[:, None] == lax.broadcasted_iota(jnp.int32, (RB, G), 1)
          ).astype(_F32)
    pr_ref[...] = (jnp.dot(x, wa_ref[...], preferred_element_type=_F32)
                   + jnp.dot(oh, ue, preferred_element_type=_F32))
    pc_ref[...] = jnp.dot(x, wb_ref[...], preferred_element_type=_F32)


def _run_k1(x, batch3, u, we1a, we1b, we1d, be1r):
    return pl.pallas_call(
        _k1_body,
        grid=(NB,),
        in_specs=[
            pl.BlockSpec((RB, D), lambda i: (i, 0)),
            pl.BlockSpec((1, 1, RB), lambda i: (i, 0, 0)),
            pl.BlockSpec((G, DU), lambda i: (0, 0)),
            pl.BlockSpec((D, H), lambda i: (0, 0)),
            pl.BlockSpec((D, H), lambda i: (0, 0)),
            pl.BlockSpec((DU, H), lambda i: (0, 0)),
            pl.BlockSpec((1, H), lambda i: (0, 0)),
        ],
        out_specs=(pl.BlockSpec((RB, H), lambda i: (i, 0)),
                   pl.BlockSpec((RB, H), lambda i: (i, 0))),
        out_shape=(jax.ShapeDtypeStruct((N, H), _F32),
                   jax.ShapeDtypeStruct((N, H), _F32)),
        interpret=False,
    )(x, batch3, u, we1a, we1b, we1d, be1r)


_SC_MESH = plsc.VectorSubcoreMesh(
    core_axis_name="c", subcore_axis_name="s", num_cores=2, num_subcores=16)


@functools.partial(
    pl.kernel,
    mesh=_SC_MESH,
    out_type=(
        jax.ShapeDtypeStruct((ECG, D), _F32),
        jax.ShapeDtypeStruct((ECG, D), _F32),
    ),
    scratch_types=[
        pltpu.VMEM((CB,), jnp.int32),
        pltpu.VMEM((CB,), jnp.int32),
        pltpu.VMEM((CB, D), _F32),
        pltpu.VMEM((CB, D), _F32),
        pltpu.SemaphoreType.DMA,
        pltpu.SemaphoreType.DMA,
    ],
)
def _sc_gather_attn(x_hbm, xsrc_hbm, dst_hbm, src_hbm, xd_hbm, xs_hbm,
                    ia, ib, bufa, bufb, sema, semb):
    wid = lax.axis_index("s") * 2 + lax.axis_index("c")

    def attn_chunk(k, c):
        t = wid + NW * k

        @pl.when(t < TCH)
        def _():
            pltpu.sync_copy(dst_hbm.at[t], ia)
            pltpu.sync_copy(src_hbm.at[t], ib)
            cpa = pltpu.async_copy(x_hbm.at[ia], bufa, sema)
            cpb = pltpu.async_copy(xsrc_hbm.at[ib], bufb, semb)
            cpa.wait()
            cpb.wait()
            pltpu.sync_copy(bufa, xd_hbm.at[pl.ds(t * CB, CB)])
            pltpu.sync_copy(bufb, xs_hbm.at[pl.ds(t * CB, CB)])
        return c

    lax.fori_loop(0, KMAX, attn_chunk, 0)


@functools.partial(
    pl.kernel,
    mesh=_SC_MESH,
    out_type=jax.ShapeDtypeStruct((E, D), _F32),
    scratch_types=[
        pltpu.VMEM((CB,), jnp.int32),
        pltpu.VMEM((CB,), jnp.int32),
        pltpu.VMEM((CB, D), _F32),
        pltpu.VMEM((CB, D), _F32),
        pltpu.SemaphoreType.DMA,
        pltpu.SemaphoreType.DMA,
    ],
)
def _sc_gather_edge(pr_hbm, pc_hbm, row_hbm, col_hbm, gs_hbm,
                    ia, ib, bufa, bufb, sema, semb):
    wid = lax.axis_index("s") * 2 + lax.axis_index("c")

    def edge_chunk(k, c):
        t = wid + NW * k

        @pl.when(t < TCH)
        def _():
            pltpu.sync_copy(row_hbm.at[t], ia)
            pltpu.sync_copy(col_hbm.at[t], ib)
            cpa = pltpu.async_copy(pr_hbm.at[ia], bufa, sema)
            cpb = pltpu.async_copy(pc_hbm.at[ib], bufb, semb)
            cpa.wait()
            cpb.wait()

            def addrow(i, c2):
                for cc in range(D // 16):
                    sl = pl.ds(cc * 16, 16)
                    bufa[i, sl] = bufa[i, sl] + bufb[i, sl]
                return c2

            lax.fori_loop(0, CB, addrow, 0)
            pltpu.sync_copy(bufa, gs_hbm.at[pl.ds(t * CB, CB)])
        return c

    lax.fori_loop(0, KMAX, edge_chunk, 0)


def _att_body(xd_ref, xs_ref, w0_ref, w1_ref, wd_ref):
    xd = xd_ref[...]
    xs = xs_ref[...]
    dot = jnp.sum(xd * xs, axis=1, keepdims=True)
    n2d = jnp.sum(xd * xd, axis=1, keepdims=True)
    n2s = jnp.sum(xs * xs, axis=1, keepdims=True)
    ex = jnp.exp(dot / (jnp.sqrt(n2d) * jnp.sqrt(n2s) + 1e-8))
    onecol = (lax.broadcasted_iota(jnp.int32, (EB, WA), 1) == 0
              ).astype(_F32)
    w0_ref[...] = ex * xs[:, :DEO]
    w1_ref[...] = ex * xs[:, DEO:]
    wd_ref[...] = ex * onecol


def _run_att(xd, xs):
    return pl.pallas_call(
        _att_body,
        grid=(NEB,),
        in_specs=[pl.BlockSpec((EB, D), lambda i: (i, 0)),
                  pl.BlockSpec((EB, D), lambda i: (i, 0))],
        out_specs=(pl.BlockSpec((EB, WA), lambda i: (i, 0)),
                   pl.BlockSpec((EB, WA), lambda i: (i, 0)),
                   pl.BlockSpec((EB, WA), lambda i: (i, 0))),
        out_shape=(jax.ShapeDtypeStruct((ECG, WA), _F32),
                   jax.ShapeDtypeStruct((ECG, WA), _F32),
                   jax.ShapeDtypeStruct((ECG, WA), _F32)),
        interpret=False,
    )(xd, xs)


def _edge_body(gs_ref, ea_ref, wc_ref, w2_ref, be2_ref, eop_ref):
    h = jnp.maximum(
        gs_ref[...] + jnp.dot(ea_ref[...], wc_ref[...],
                              preferred_element_type=_F32), 0.0)
    eop_ref[...] = (jnp.dot(h, w2_ref[...], preferred_element_type=_F32)
                    + be2_ref[...])


def _run_edge(gs, edge_attr, we1c, we2, be2r):
    return pl.pallas_call(
        _edge_body,
        grid=(NEB,),
        in_specs=[
            pl.BlockSpec((EB, D), lambda i: (i, 0)),
            pl.BlockSpec((EB, DE), lambda i: (i, 0)),
            pl.BlockSpec((DE, H), lambda i: (0, 0)),
            pl.BlockSpec((H, DEO), lambda i: (0, 0)),
            pl.BlockSpec((1, DEO), lambda i: (0, 0)),
        ],
        out_specs=pl.BlockSpec((EB, WA), lambda i: (i, 0)),
        out_shape=jax.ShapeDtypeStruct((E, WA), _F32),
        interpret=False,
    )(gs, edge_attr, we1c, we2, be2r)


@functools.partial(
    pl.kernel,
    mesh=_SC_MESH,
    out_type=(
        jax.ShapeDtypeStruct((2 * NPAD, WA), _F32),
        jax.ShapeDtypeStruct((2 * NPAD, WA), _F32),
        jax.ShapeDtypeStruct((2 * NPAD, WA), _F32),
    ),
    scratch_types=[
        pltpu.VMEM((CB,), jnp.int32),
        pltpu.VMEM((CB, WA), _F32),
        pltpu.VMEM_SHARED((NPAD, WA), _F32),
        pltpu.SemaphoreType.DMA,
    ],
)
def _sc_scatter_attn(w0_hbm, w1_hbm, wd_hbm, dst_hbm, z_hbm,
                     pa_hbm, pb_hbm, pd_hbm, idxb, wbuf, acc, sem):
    cid = lax.axis_index("c")
    sid = lax.axis_index("s")
    wid = sid * 2 + cid
    r0 = sid * SROWS

    def phase(w_hbm, idx_hbm, out_hbm):
        pltpu.sync_copy(z_hbm.at[pl.ds(r0, SROWS)], acc.at[pl.ds(r0, SROWS)])
        plsc.subcore_barrier()

        def chunk(k, c):
            t = wid + NW * k

            @pl.when(t < TCH)
            def _():
                pltpu.sync_copy(idx_hbm.at[t], idxb)
                pltpu.sync_copy(w_hbm.at[t], wbuf)
                pltpu.sync_copy(wbuf, acc.at[idxb], add=True)
            return c

        lax.fori_loop(0, KMAX, chunk, 0)
        plsc.subcore_barrier()
        pltpu.sync_copy(acc.at[pl.ds(r0, SROWS)],
                        out_hbm.at[pl.ds(cid * NPAD + r0, SROWS)])

    phase(w0_hbm, dst_hbm, pa_hbm)
    phase(w1_hbm, dst_hbm, pb_hbm)
    phase(wd_hbm, dst_hbm, pd_hbm)


@functools.partial(
    pl.kernel,
    mesh=_SC_MESH,
    out_type=jax.ShapeDtypeStruct((2 * NPAD, WA), _F32),
    scratch_types=[
        pltpu.VMEM((CB,), jnp.int32),
        pltpu.VMEM((CB, WA), _F32),
        pltpu.VMEM_SHARED((NPAD, WA), _F32),
        pltpu.SemaphoreType.DMA,
    ],
)
def _sc_scatter_edge(eop_hbm, col_hbm, z_hbm, pc_hbm, idxb, wbuf, acc, sem):
    cid = lax.axis_index("c")
    sid = lax.axis_index("s")
    wid = sid * 2 + cid
    r0 = sid * SROWS

    pltpu.sync_copy(z_hbm.at[pl.ds(r0, SROWS)], acc.at[pl.ds(r0, SROWS)])
    plsc.subcore_barrier()

    def chunk(k, c):
        t = wid + NW * k

        @pl.when(t < TCH)
        def _():
            pltpu.sync_copy(col_hbm.at[t], idxb)
            pltpu.sync_copy(eop_hbm.at[t], wbuf)
            pltpu.sync_copy(wbuf, acc.at[idxb], add=True)
        return c

    lax.fori_loop(0, KMAX, chunk, 0)
    plsc.subcore_barrier()
    pltpu.sync_copy(acc.at[pl.ds(r0, SROWS)],
                    pc_hbm.at[pl.ds(cid * NPAD + r0, SROWS)])


def _node_body(x_ref, pa0_ref, pa1_ref, pb0_ref, pb1_ref, pd0_ref, pd1_ref,
               pc0_ref, pc1_ref, b_ref, u_ref, wn1a_ref, wn1b0_ref,
               wn1b1_ref, wn1c_ref, wn1d_ref, bn1_ref, wn2_ref, bn2_ref,
               wg1_ref, bg1_ref, wg2_ref, bg2_ref,
               xnew_ref, gsum_ref, cnt_ref, unew_ref):
    i = pl.program_id(0)
    agg = pc0_ref[...] + pc1_ref[...]
    r = 1.0 / (pd0_ref[:, 0:1] + pd1_ref[:, 0:1] + 1e-16)
    a0 = (pa0_ref[...] + pa1_ref[...]) * r
    a1 = (pb0_ref[...] + pb1_ref[...]) * r
    b = b_ref[0, 0, :]
    oh = (b[:, None] == lax.broadcasted_iota(jnp.int32, (RB, G), 1)
          ).astype(_F32)
    un = jnp.dot(u_ref[...], wn1d_ref[...], preferred_element_type=_F32)
    pre = (jnp.dot(x_ref[...], wn1a_ref[...], preferred_element_type=_F32)
           + jnp.dot(a0, wn1b0_ref[...], preferred_element_type=_F32)
           + jnp.dot(a1, wn1b1_ref[...], preferred_element_type=_F32)
           + jnp.dot(agg, wn1c_ref[...], preferred_element_type=_F32)
           + jnp.dot(oh, un, preferred_element_type=_F32)
           + bn1_ref[...])
    xn = (jnp.dot(jnp.maximum(pre, 0.0), wn2_ref[...],
                  preferred_element_type=_F32) + bn2_ref[...])
    xnew_ref[...] = xn

    @pl.when(i == 0)
    def _():
        gsum_ref[...] = jnp.zeros_like(gsum_ref)
        cnt_ref[...] = jnp.zeros_like(cnt_ref)
        unew_ref[...] = jnp.zeros_like(unew_ref)

    gsum_ref[...] += lax.dot_general(
        oh, xn, (((0,), (0,)), ((), ())), preferred_element_type=_F32)
    cnt_ref[...] += jnp.broadcast_to(jnp.sum(oh, axis=0)[:, None], (G, DEO))

    @pl.when(i == NB - 1)
    def _():
        mean = gsum_ref[...] / jnp.maximum(cnt_ref[:, 0:1], 1.0)
        gin = jnp.concatenate([u_ref[...], mean], axis=1)
        gh = jnp.maximum(
            jnp.dot(gin, wg1_ref[...], preferred_element_type=_F32)
            + bg1_ref[...], 0.0)
        unew_ref[...] = (jnp.dot(gh, wg2_ref[...],
                                 preferred_element_type=_F32) + bg2_ref[...])


def _run_node(x, pa0, pa1, pb0, pb1, pd0, pd1, pc0, pc1, batch3, u, wn1a,
              wn1b0, wn1b1, wn1c, wn1d, bn1r, wn2, bn2r, wg1, bg1r, wg2,
              bg2r):
    full = lambda s: pl.BlockSpec(s, lambda i: tuple(0 for _ in s))
    return pl.pallas_call(
        _node_body,
        grid=(NB,),
        in_specs=[
            pl.BlockSpec((RB, D), lambda i: (i, 0)),
            pl.BlockSpec((RB, WA), lambda i: (i, 0)),
            pl.BlockSpec((RB, WA), lambda i: (i, 0)),
            pl.BlockSpec((RB, WA), lambda i: (i, 0)),
            pl.BlockSpec((RB, WA), lambda i: (i, 0)),
            pl.BlockSpec((RB, WA), lambda i: (i, 0)),
            pl.BlockSpec((RB, WA), lambda i: (i, 0)),
            pl.BlockSpec((RB, WA), lambda i: (i, 0)),
            pl.BlockSpec((RB, WA), lambda i: (i, 0)),
            pl.BlockSpec((1, 1, RB), lambda i: (i, 0, 0)),
            full((G, DU)),
            full((D, H)),
            full((DEO, H)),
            full((DEO, H)),
            full((DEO, H)),
            full((DU, H)),
            full((1, H)),
            full((H, D)),
            full((1, D)),
            full((DU + D, H)),
            full((1, H)),
            full((H, DU)),
            full((1, DU)),
        ],
        out_specs=(pl.BlockSpec((RB, D), lambda i: (i, 0)),
                   full((G, D)),
                   full((G, DEO)),
                   full((G, DU))),
        out_shape=(jax.ShapeDtypeStruct((N, D), _F32),
                   jax.ShapeDtypeStruct((G, D), _F32),
                   jax.ShapeDtypeStruct((G, DEO), _F32),
                   jax.ShapeDtypeStruct((G, DU), _F32)),
        interpret=False,
    )(x, pa0, pa1, pb0, pb1, pd0, pd1, pc0, pc1, batch3, u, wn1a, wn1b0,
      wn1b1, wn1c, wn1d, bn1r, wn2, bn2r, wg1, bg1r, wg2, bg2r)


def kernel(x, x_src, edge_index, cg_edge_index, edge_attr, u, batch,
           batch_src, We1, be1, We2, be2, Wn1, bn1, Wn2, bn2,
           Wg1, bg1, Wg2, bg2):
    ei = edge_index.astype(jnp.int32)
    cg = cg_edge_index.astype(jnp.int32)
    row2 = ei[0].reshape(TCH, CB)
    col2 = ei[1].reshape(TCH, CB)
    src2 = cg[0].reshape(TCH, CB)
    dst2 = cg[1].reshape(TCH, CB)
    batch3 = batch.astype(jnp.int32).reshape(NB, 1, RB)

    we1a = We1[:D]
    we1b = We1[D:2 * D]
    we1c = We1[2 * D:2 * D + DE]
    we1d = We1[2 * D + DE:]
    wn1a = Wn1[:D]
    wn1b0 = Wn1[D:D + DEO]
    wn1b1 = Wn1[D + DEO:2 * D]
    wn1c = Wn1[2 * D:2 * D + DEO]
    wn1d = Wn1[2 * D + DEO:]

    zeros = jnp.zeros((NPAD, WA), _F32)
    xd, xs = _sc_gather_attn(x, x_src, dst2, src2)
    pr, pc = _run_k1(x, batch3, u, we1a, we1b, we1d, be1.reshape(1, H))
    w0, w1, wd = _run_att(xd, xs)
    gs = _sc_gather_edge(pr, pc, row2, col2)
    eop = _run_edge(gs, edge_attr, we1c, We2, be2.reshape(1, DEO))
    pa, pb, pd = _sc_scatter_attn(
        w0.reshape(TCH, CB, WA), w1.reshape(TCH, CB, WA),
        wd.reshape(TCH, CB, WA), dst2, zeros)
    pcagg = _sc_scatter_edge(eop.reshape(TCH, CB, WA), col2, zeros)
    xnew, _gsum, _cnt, unew = _run_node(
        x, pa[:N], pa[NPAD:NPAD + N], pb[:N], pb[NPAD:NPAD + N],
        pd[:N], pd[NPAD:NPAD + N], pcagg[:N], pcagg[NPAD:NPAD + N],
        batch3, u, wn1a, wn1b0, wn1b1, wn1c, wn1d, bn1.reshape(1, H),
        Wn2, bn2.reshape(1, D), Wg1, bg1.reshape(1, H),
        Wg2, bg2.reshape(1, DU))
    return (xnew, eop, unew)

# --- scband reference (transcript-rebuilt; emitter-appended) ---
"""Pipeline reference for scband-cosine-attention-layer-24472723652627 (READ-ONLY COPY).

The authoritative reference and input builder live on the scoring server;
editing this copy changes nothing except your own understanding.
"""

import jax, jax.numpy as jnp
import numpy as np

N = 10000
N_SRC = 10000
E = 160000
E_CG = 160000
D = 256
D_EDGE_IN = 16
D_EDGE_OUT = 128
D_U = 128
G = 8
H = 256


def _glorot(key, shape):
    return jax.random.normal(key, shape, dtype=jnp.float32) / jnp.sqrt(shape[0])


def setup_inputs(seed: int = 0):
    key = jax.random.key(seed)
    ks = jax.random.split(key, 20)
    x = jax.random.normal(ks[0], (N, D), dtype=jnp.float32)
    x_src = jax.random.normal(ks[1], (N_SRC, D), dtype=jnp.float32)
    edge_index = jax.random.randint(ks[2], (2, E), 0, N)
    cg_edge_index = jax.random.randint(ks[3], (2, E_CG), 0, N)
    edge_attr = jax.random.normal(ks[4], (E, D_EDGE_IN), dtype=jnp.float32)
    u = jax.random.normal(ks[5], (G, D_U), dtype=jnp.float32)
    batch = jnp.sort(jax.random.randint(ks[6], (N,), 0, G))
    batch_src = jnp.sort(jax.random.randint(ks[7], (N_SRC,), 0, G))
    We1 = _glorot(ks[8], (2 * D + D_EDGE_IN + D_U, H))
    be1 = jnp.zeros((H,), dtype=jnp.float32)
    We2 = _glorot(ks[9], (H, D_EDGE_OUT))
    be2 = jnp.zeros((D_EDGE_OUT,), dtype=jnp.float32)
    Wn1 = _glorot(ks[10], (2 * D + D_EDGE_OUT + D_U, H))
    bn1 = jnp.zeros((H,), dtype=jnp.float32)
    Wn2 = _glorot(ks[11], (H, D))
    bn2 = jnp.zeros((D,), dtype=jnp.float32)
    Wg1 = _glorot(ks[12], (D_U + D, H))
    bg1 = jnp.zeros((H,), dtype=jnp.float32)
    Wg2 = _glorot(ks[13], (H, D_U))
    bg2 = jnp.zeros((D_U,), dtype=jnp.float32)
    return {
        'x': x, 'x_src': x_src, 'edge_index': edge_index,
        'cg_edge_index': cg_edge_index, 'edge_attr': edge_attr, 'u': u,
        'batch': batch, 'batch_src': batch_src,
        'We1': We1, 'be1': be1, 'We2': We2, 'be2': be2,
        'Wn1': Wn1, 'bn1': bn1, 'Wn2': Wn2, 'bn2': bn2,
        'Wg1': Wg1, 'bg1': bg1, 'Wg2': Wg2, 'bg2': bg2,
    }


def reference(x, x_src, edge_index, cg_edge_index, edge_attr, u, batch,
              batch_src, We1, be1, We2, be2, Wn1, bn1, Wn2, bn2,
              Wg1, bg1, Wg2, bg2):
    row, col = edge_index[0], edge_index[1]
    # edge model: MLP over [x[row], x[col], edge_attr, u[batch[row]]]
    e_in = jnp.concatenate([x[row], x[col], edge_attr, u[batch[row]]], axis=-1)
    e_h = jax.nn.relu(e_in @ We1 + be1)
    edge_attr_new = e_h @ We2 + be2
    # attention function: cosine similarity + segment softmax over cross-graph edges
    src, dst = cg_edge_index[0], cg_edge_index[1]
    xd = x[dst]
    xs = x_src[src]
    cos = jnp.sum(xd * xs, axis=-1) / (
        jnp.linalg.norm(xd, axis=-1) * jnp.linalg.norm(xs, axis=-1) + 1e-8)
    m = jax.ops.segment_max(cos, dst, num_segments=N)
    m = jnp.where(jnp.isfinite(m), m, 0.0)
    ex = jnp.exp(cos - m[dst])
    denom = jax.ops.segment_sum(ex, dst, num_segments=N)
    attn = ex / (denom[dst] + 1e-16)
    a = jax.ops.segment_sum(attn[:, None] * xs, dst, num_segments=N)
    # node model: scatter-add edge features to dst nodes, then MLP
    agg = jax.ops.segment_sum(edge_attr_new, col, num_segments=N)
    n_in = jnp.concatenate([x, a, agg, u[batch]], axis=-1)
    n_h = jax.nn.relu(n_in @ Wn1 + bn1)
    x_new = n_h @ Wn2 + bn2
    # global model: per-graph mean of node features, then MLP
    counts = jax.ops.segment_sum(jnp.ones((N,), dtype=jnp.float32), batch,
                                 num_segments=G)
    mean_x = jax.ops.segment_sum(x_new, batch, num_segments=G) / \
        jnp.clip(counts, 1.0)[:, None]
    g_in = jnp.concatenate([u, mean_x], axis=-1)
    g_h = jax.nn.relu(g_in @ Wg1 + bg1)
    u_new = g_h @ Wg2 + bg2
    return (x_new, edge_attr_new, u_new)

if __name__ == "__main__":
    import jax
    _d = setup_inputs()
    print(jax.jit(kernel)(*tuple(_d.values())))

</pallas_src>

<mosaic_0001>
#map = affine_map<(d0, d1) -> (0, 0)>
module attributes {stable_mosaic.version = 14 : i64} {
  func.func @_sc_gather_attn(%arg0: i32, %arg1: i32, %arg2: memref<10000x256xf32, #tpu.memory_space<hbm>>, %arg3: memref<10000x256xf32, #tpu.memory_space<hbm>>, %arg4: memref<1250x128xi32, #tpu.memory_space<hbm>>, %arg5: memref<1250x128xi32, #tpu.memory_space<hbm>>, %arg6: memref<160000x256xf32, #tpu.memory_space<hbm>>, %arg7: memref<160000x256xf32, #tpu.memory_space<hbm>>, %arg8: memref<128xi32, #tpu.memory_space<vmem>>, %arg9: memref<128xi32, #tpu.memory_space<vmem>>, %arg10: memref<128x256xf32, #tpu.memory_space<vmem>>, %arg11: memref<128x256xf32, #tpu.memory_space<vmem>>, %arg12: memref<!tpu.dma_semaphore, #tpu.memory_space<semaphore_mem>>, %arg13: memref<!tpu.dma_semaphore, #tpu.memory_space<semaphore_mem>>) attributes {dimension_semantics = [#tpu.dimension_semantics<core_parallel>, #tpu.dimension_semantics<subcore_parallel>], iteration_bounds = array<i64: 2, 16>, scalar_prefetch = 0 : i64, scratch_operands = 6 : i64, tpu.core_type = #tpu.core_type<sc_vector_subcore>, window_params = [{transform_indices = #map}, {transform_indices = #map}, {transform_indices = #map}, {transform_indices = #map}, {transform_indices = #map}, {transform_indices = #map}]} {
    %mul3A = arith.constant 2 : i32
    %mul3A_0 = arith.muli %arg1, %mul3A : i32
    %add3A = arith.addi %mul3A_0, %arg0 : i32
    %scan3A = arith.constant 0 : i32
    %scan3A_1 = arith.constant 0 : i32
    %scan3A_2 = arith.constant 40 : i32
    %scan3A_3 = arith.addi %scan3A_1, %scan3A_2 : i32
    %scan3A_4 = arith.constant 1 : i32
    scf.for %scan3A_6 = %scan3A_1 to %scan3A_3 step %scan3A_4  : i32 {
      %mul3A_7 = arith.constant 32 : i32
      %mul3A_8 = arith.muli %mul3A_7, %scan3A_6 : i32
      %add3A_9 = arith.addi %add3A, %mul3A_8 : i32
      %lt3A = arith.constant 1250 : i32
      %lt3A_10 = arith.cmpi slt, %add3A_9, %lt3A : i32
      %convert_element_type3A = arith.extui %lt3A_10 : i1 to i32
      %cond3A = arith.constant 0 : i32
      %cond3A_11 = arith.cmpi ne, %convert_element_type3A, %cond3A : i32
      scf.if %cond3A_11 {
        "tpu.region"() ({
          %run_scoped3A = tpu.sem_alloc : memref<!tpu.dma_semaphore, #tpu.memory_space<semaphore_mem>>
          %dma_start3A_26 = arith.constant 0 : i32
          %dma_start3A_27 = tpu.memref_slice %arg4[%add3A_9, %dma_start3A_26] : memref<1250x128xi32, #tpu.memory_space<hbm>> -> memref<1x128xi32, #tpu.memory_space<hbm>>
          %dma_start3A_28 = tpu.memref_squeeze %dma_start3A_27 : memref<1x128xi32, #tpu.memory_space<hbm>> -> memref<128xi32, #tpu.memory_space<hbm>>
          %dma_start3A_29 = arith.constant 0 : i32
          %dma_start3A_30 = tpu.memref_slice %arg4[%add3A_9, %dma_start3A_29] : memref<1250x128xi32, #tpu.memory_space<hbm>> -> memref<1x128xi32, #tpu.memory_space<hbm>>
          %dma_start3A_31 = tpu.memref_squeeze %dma_start3A_30 : memref<1x128xi32, #tpu.memory_space<hbm>> -> memref<128xi32, #tpu.memory_space<hbm>>
          tpu.enqueue_dma source(%dma_start3A_31 : memref<128xi32, #tpu.memory_space<hbm>>) target(%arg8 : memref<128xi32, #tpu.memory_space<vmem>>) target_semaphore(%run_scoped3A : memref<!tpu.dma_semaphore, #tpu.memory_space<semaphore_mem>>)
          %dma_wait3A_32 = arith.constant 0 : i32
          %dma_wait3A_33 = tpu.memref_slice %arg4[%add3A_9, %dma_wait3A_32] : memref<1250x128xi32, #tpu.memory_space<hbm>> -> memref<1x128xi32, #tpu.memory_space<hbm>>
          %dma_wait3A_34 = tpu.memref_squeeze %dma_wait3A_33 : memref<1x128xi32, #tpu.memory_space<hbm>> -> memref<128xi32, #tpu.memory_space<hbm>>
          %dma_wait3A_35 = arith.constant 0 : i32
          %dma_wait3A_36 = tpu.memref_slice %arg4[%add3A_9, %dma_wait3A_35] : memref<1250x128xi32, #tpu.memory_space<hbm>> -> memref<1x128xi32, #tpu.memory_space<hbm>>
          %dma_wait3A_37 = tpu.memref_squeeze %dma_wait3A_36 : memref<1x128xi32, #tpu.memory_space<hbm>> -> memref<128xi32, #tpu.memory_space<hbm>>
          tpu.wait_dma2 semaphore(%run_scoped3A : memref<!tpu.dma_semaphore, #tpu.memory_space<semaphore_mem>>) src(%dma_wait3A_37 : memref<128xi32, #tpu.memory_space<hbm>>) dst(%arg8 : memref<128xi32, #tpu.memory_space<vmem>>)
          tpu.yield
        }) : () -> ()
        "tpu.region"() ({
          %run_scoped3A = tpu.sem_alloc : memref<!tpu.dma_semaphore, #tpu.memory_space<semaphore_mem>>
          %dma_start3A_26 = arith.constant 0 : i32
          %dma_start3A_27 = tpu.memref_slice %arg5[%add3A_9, %dma_start3A_26] : memref<1250x128xi32, #tpu.memory_space<hbm>> -> memref<1x128xi32, #tpu.memory_space<hbm>>
          %dma_start3A_28 = tpu.memref_squeeze %dma_start3A_27 : memref<1x128xi32, #tpu.memory_space<hbm>> -> memref<128xi32, #tpu.memory_space<hbm>>
          %dma_start3A_29 = arith.constant 0 : i32
          %dma_start3A_30 = tpu.memref_slice %arg5[%add3A_9, %dma_start3A_29] : memref<1250x128xi32, #tpu.memory_space<hbm>> -> memref<1x128xi32, #tpu.memory_space<hbm>>
          %dma_start3A_31 = tpu.memref_squeeze %dma_start3A_30 : memref<1x128xi32, #tpu.memory_space<hbm>> -> memref<128xi32, #tpu.memory_space<hbm>>
          tpu.enqueue_dma source(%dma_start3A_31 : memref<128xi32, #tpu.memory_space<hbm>>) target(%arg9 : memref<128xi32, #tpu.memory_space<vmem>>) target_semaphore(%run_scoped3A : memref<!tpu.dma_semaphore, #tpu.memory_space<semaphore_mem>>)
          %dma_wait3A_32 = arith.constant 0 : i32
          %dma_wait3A_33 = tpu.memref_slice %arg5[%add3A_9, %dma_wait3A_32] : memref<1250x128xi32, #tpu.memory_space<hbm>> -> memref<1x128xi32, #tpu.memory_space<hbm>>
          %dma_wait3A_34 = tpu.memref_squeeze %dma_wait3A_33 : memref<1x128xi32, #tpu.memory_space<hbm>> -> memref<128xi32, #tpu.memory_space<hbm>>
          %dma_wait3A_35 = arith.constant 0 : i32
          %dma_wait3A_36 = tpu.memref_slice %arg5[%add3A_9, %dma_wait3A_35] : memref<1250x128xi32, #tpu.memory_space<hbm>> -> memref<1x128xi32, #tpu.memory_space<hbm>>
          %dma_wait3A_37 = tpu.memref_squeeze %dma_wait3A_36 : memref<1x128xi32, #tpu.memory_space<hbm>> -> memref<128xi32, #tpu.memory_space<hbm>>
          tpu.wait_dma2 semaphore(%run_scoped3A : memref<!tpu.dma_semaphore, #tpu.memory_space<semaphore_mem>>) src(%dma_wait3A_37 : memref<128xi32, #tpu.memory_space<hbm>>) dst(%arg9 : memref<128xi32, #tpu.memory_space<vmem>>)
          tpu.yield
        }) : () -> ()
        %dma_start3A = arith.constant 0 : i32
        %dma_start3A_12 = arith.constant 0 : i32
        %dma_start3A_13 = tpu.memref_slice %arg2[%dma_start3A, %dma_start3A_12] : memref<10000x256xf32, #tpu.memory_space<hbm>> -> memref<10000x256xf32, #tpu.memory_space<hbm>>
        tpu.enqueue_indirect_dma source(%dma_start3A_13 : memref<10000x256xf32, #tpu.memory_space<hbm>>) target(%arg10 : memref<128x256xf32, #tpu.memory_space<vmem>>) offsets(%arg8 : memref<128xi32, #tpu.memory_space<vmem>>) semaphore(%arg12 : memref<!tpu.dma_semaphore, #tpu.memory_space<semaphore_mem>>)
        %dma_start3A_14 = arith.constant 0 : i32
        %dma_start3A_15 = arith.constant 0 : i32
        %dma_start3A_16 = tpu.memref_slice %arg3[%dma_start3A_14, %dma_start3A_15] : memref<10000x256xf32, #tpu.memory_space<hbm>> -> memref<10000x256xf32, #tpu.memory_space<hbm>>
        tpu.enqueue_indirect_dma source(%dma_start3A_16 : memref<10000x256xf32, #tpu.memory_space<hbm>>) target(%arg11 : memref<128x256xf32, #tpu.memory_space<vmem>>) offsets(%arg9 : memref<128xi32, #tpu.memory_space<vmem>>) semaphore(%arg13 : memref<!tpu.dma_semaphore, #tpu.memory_space<semaphore_mem>>)
        %dma_wait3A = arith.constant 0 : i32
        %dma_wait3A_17 = arith.constant 0 : i32
        %dma_wait3A_18 = tpu.memref_slice %arg2[%dma_wait3A, %dma_wait3A_17] : memref<10000x256xf32, #tpu.memory_space<hbm>> -> memref<10000x256xf32, #tpu.memory_space<hbm>>
        tpu.wait_indirect_dma semaphore(%arg12 : memref<!tpu.dma_semaphore, #tpu.memory_space<semaphore_mem>>) src(%dma_wait3A_18 : memref<10000x256xf32, #tpu.memory_space<hbm>>) dst(%arg10 : memref<128x256xf32, #tpu.memory_space<vmem>>)
        %dma_wait3A_19 = arith.constant 0 : i32
        %dma_wait3A_20 = arith.constant 0 : i32
        %dma_wait3A_21 = tpu.memref_slice %arg3[%dma_wait3A_19, %dma_wait3A_20] : memref<10000x256xf32, #tpu.memory_space<hbm>> -> memref<10000x256xf32, #tpu.memory_space<hbm>>
        tpu.wait_indirect_dma semaphore(%arg13 : memref<!tpu.dma_semaphore, #tpu.memory_space<semaphore_mem>>) src(%dma_wait3A_21 : memref<10000x256xf32, #tpu.memory_space<hbm>>) dst(%arg11 : memref<128x256xf32, #tpu.memory_space<vmem>>)
        %mul3A_22 = arith.constant 128 : i32
        %mul3A_23 = arith.muli %add3A_9, %mul3A_22 : i32
        "tpu.region"() ({
          %run_scoped3A = tpu.sem_alloc : memref<!tpu.dma_semaphore, #tpu.memory_space<semaphore_mem>>
          %dma_start3A_26 = arith.constant 0 : i32
          %dma_start3A_27 = tpu.memref_slice %arg6[%mul3A_23, %dma_start3A_26] : memref<160000x256xf32, #tpu.memory_space<hbm>> -> memref<128x256xf32, #tpu.memory_space<hbm>>
          %dma_start3A_28 = arith.constant 0 : i32
          %dma_start3A_29 = tpu.memref_slice %arg6[%mul3A_23, %dma_start3A_28] : memref<160000x256xf32, #tpu.memory_space<hbm>> -> memref<128x256xf32, #tpu.memory_space<hbm>>
          tpu.enqueue_dma source(%arg10 : memref<128x256xf32, #tpu.memory_space<vmem>>) target(%dma_start3A_29 : memref<128x256xf32, #tpu.memory_space<hbm>>) target_semaphore(%run_scoped3A : memref<!tpu.dma_semaphore, #tpu.memory_space<semaphore_mem>>)
          %dma_wait3A_30 = arith.constant 0 : i32
          %dma_wait3A_31 = tpu.memref_slice %arg6[%mul3A_23, %dma_wait3A_30] : memref<160000x256xf32, #tpu.memory_space<hbm>> -> memref<128x256xf32, #tpu.memory_space<hbm>>
          %dma_wait3A_32 = arith.constant 0 : i32
          %dma_wait3A_33 = tpu.memref_slice %arg6[%mul3A_23, %dma_wait3A_32] : memref<160000x256xf32, #tpu.memory_space<hbm>> -> memref<128x256xf32, #tpu.memory_space<hbm>>
          tpu.wait_dma2 semaphore(%run_scoped3A : memref<!tpu.dma_semaphore, #tpu.memory_space<semaphore_mem>>) src(%arg10 : memref<128x256xf32, #tpu.memory_space<vmem>>) dst(%dma_wait3A_33 : memref<128x256xf32, #tpu.memory_space<hbm>>)
          tpu.yield
        }) : () -> ()
        %mul3A_24 = arith.constant 128 : i32
        %mul3A_25 = arith.muli %add3A_9, %mul3A_24 : i32
        "tpu.region"() ({
          %run_scoped3A = tpu.sem_alloc : memref<!tpu.dma_semaphore, #tpu.memory_space<semaphore_mem>>
          %dma_start3A_26 = arith.constant 0 : i32
          %dma_start3A_27 = tpu.memref_slice %arg7[%mul3A_25, %dma_start3A_26] : memref<160000x256xf32, #tpu.memory_space<hbm>> -> memref<128x256xf32, #tpu.memory_space<hbm>>
          %dma_start3A_28 = arith.constant 0 : i32
          %dma_start3A_29 = tpu.memref_slice %arg7[%mul3A_25, %dma_start3A_28] : memref<160000x256xf32, #tpu.memory_space<hbm>> -> memref<128x256xf32, #tpu.memory_space<hbm>>
          tpu.enqueue_dma source(%arg11 : memref<128x256xf32, #tpu.memory_space<vmem>>) target(%dma_start3A_29 : memref<128x256xf32, #tpu.memory_space<hbm>>) target_semaphore(%run_scoped3A : memref<!tpu.dma_semaphore, #tpu.memory_space<semaphore_mem>>)
          %dma_wait3A_30 = arith.constant 0 : i32
          %dma_wait3A_31 = tpu.memref_slice %arg7[%mul3A_25, %dma_wait3A_30] : memref<160000x256xf32, #tpu.memory_space<hbm>> -> memref<128x256xf32, #tpu.memory_space<hbm>>
          %dma_wait3A_32 = arith.constant 0 : i32
          %dma_wait3A_33 = tpu.memref_slice %arg7[%mul3A_25, %dma_wait3A_32] : memref<160000x256xf32, #tpu.memory_space<hbm>> -> memref<128x256xf32, #tpu.memory_space<hbm>>
          tpu.wait_dma2 semaphore(%run_scoped3A : memref<!tpu.dma_semaphore, #tpu.memory_space<semaphore_mem>>) src(%arg11 : memref<128x256xf32, #tpu.memory_space<vmem>>) dst(%dma_wait3A_33 : memref<128x256xf32, #tpu.memory_space<hbm>>)
          tpu.yield
        }) : () -> ()
      } else {
      }
    }
    %scan3A_5 = arith.constant 40 : i32
    return
  }
}

#map = affine_map<(d0, d1) -> (0, 0, 0)>
#map1 = affine_map<(d0, d1) -> (0, 0)>
module attributes {stable_mosaic.version = 14 : i64} {
  func.func @_sc_scatter_attn(%arg0: i32, %arg1: i32, %arg2: memref<1250x128x128xf32, #tpu.memory_space<hbm>>, %arg3: memref<1250x128x128xf32, #tpu.memory_space<hbm>>, %arg4: memref<1250x128x128xf32, #tpu.memory_space<hbm>>, %arg5: memref<1250x128xi32, #tpu.memory_space<hbm>>, %arg6: memref<10112x128xf32, #tpu.memory_space<hbm>>, %arg7: memref<20224x128xf32, #tpu.memory_space<hbm>>, %arg8: memref<20224x128xf32, #tpu.memory_space<hbm>>, %arg9: memref<20224x128xf32, #tpu.memory_space<hbm>>, %arg10: memref<128xi32, #tpu.memory_space<vmem>>, %arg11: memref<128x128xf32, #tpu.memory_space<vmem>>, %arg12: memref<10112x128xf32, #tpu.memory_space<vmem_shared>>, %arg13: memref<!tpu.dma_semaphore, #tpu.memory_space<semaphore_mem>>) attributes {dimension_semantics = [#tpu.dimension_semantics<core_parallel>, #tpu.dimension_semantics<subcore_parallel>], iteration_bounds = array<i64: 2, 16>, scalar_prefetch = 0 : i64, scratch_operands = 4 : i64, tpu.core_type = #tpu.core_type<sc_vector_subcore>, window_params = [{transform_indices = #map}, {transform_indices = #map}, {transform_indices = #map}, {transform_indices = #map1}, {transform_indices = #map1}, {transform_indices = #map1}, {transform_indices = #map1}, {transform_indices = #map1}]} {
    %mul3A = arith.constant 2 : i32
    %mul3A_0 = arith.muli %arg1, %mul3A : i32
    %add3A = arith.addi %mul3A_0, %arg0 : i32
    %mul3A_1 = arith.constant 632 : i32
    %mul3A_2 = arith.muli %arg1, %mul3A_1 : i32
    "tpu.region"() ({
      %run_scoped3A = tpu.sem_alloc : memref<!tpu.dma_semaphore, #tpu.memory_space<semaphore_mem>>
      %dma_start3A = arith.constant 0 : i32
      %dma_start3A_34 = tpu.memref_slice %arg12[%mul3A_2, %dma_start3A] : memref<10112x128xf32, #tpu.memory_space<vmem_shared>> -> memref<632x128xf32, #tpu.memory_space<vmem_shared>>
      %dma_start3A_35 = arith.constant 0 : i32
      %dma_start3A_36 = tpu.memref_slice %arg6[%mul3A_2, %dma_start3A_35] : memref<10112x128xf32, #tpu.memory_space<hbm>> -> memref<632x128xf32, #tpu.memory_space<hbm>>
      tpu.enqueue_dma source(%dma_start3A_36 : memref<632x128xf32, #tpu.memory_space<hbm>>) target(%dma_start3A_34 : memref<632x128xf32, #tpu.memory_space<vmem_shared>>) target_semaphore(%run_scoped3A : memref<!tpu.dma_semaphore, #tpu.memory_space<semaphore_mem>>)
      %dma_wait3A = arith.constant 0 : i32
      %dma_wait3A_37 = tpu.memref_slice %arg12[%mul3A_2, %dma_wait3A] : memref<10112x128xf32, #tpu.memory_space<vmem_shared>> -> memref<632x128xf32, #tpu.memory_space<vmem_shared>>
      %dma_wait3A_38 = arith.constant 0 : i32
      %dma_wait3A_39 = tpu.memref_slice %arg6[%mul3A_2, %dma_wait3A_38] : memref<10112x128xf32, #tpu.memory_space<hbm>> -> memref<632x128xf32, #tpu.memory_space<hbm>>
      tpu.wait_dma2 semaphore(%run_scoped3A : memref<!tpu.dma_semaphore, #tpu.memory_space<semaphore_mem>>) src(%dma_wait3A_39 : memref<632x128xf32, #tpu.memory_space<hbm>>) dst(%dma_wait3A_37 : memref<632x128xf32, #tpu.memory_space<vmem_shared>>)
      tpu.yield
    }) : () -> ()
    %barrier3A = arith.constant 0 : index
    tpu.barrier barrier_id(%barrier3A)
    %scan3A = arith.constant 0 : i32
    %scan3A_3 = arith.constant 0 : i32
    %scan3A_4 = arith.constant 40 : i32
    %scan3A_5 = arith.addi %scan3A_3, %scan3A_4 : i32
    %scan3A_6 = arith.constant 1 : i32
    scf.for %scan3A_34 = %scan3A_3 to %scan3A_5 step %scan3A_6  : i32 {
      %mul3A_35 = arith.constant 32 : i32
      %mul3A_36 = arith.muli %mul3A_35, %scan3A_34 : i32
      %add3A_37 = arith.addi %add3A, %mul3A_36 : i32
      %lt3A = arith.constant 1250 : i32
      %lt3A_38 = arith.cmpi slt, %add3A_37, %lt3A : i32
      %convert_element_type3A = arith.extui %lt3A_38 : i1 to i32
      %cond3A = arith.constant 0 : i32
      %cond3A_39 = arith.cmpi ne, %convert_element_type3A, %cond3A : i32
      scf.if %cond3A_39 {
        "tpu.region"() ({
          %run_scoped3A = tpu.sem_alloc : memref<!tpu.dma_semaphore, #tpu.memory_space<semaphore_mem>>
          %dma_start3A = arith.constant 0 : i32
          %dma_start3A_40 = tpu.memref_slice %arg5[%add3A_37, %dma_start3A] : memref<1250x128xi32, #tpu.memory_space<hbm>> -> memref<1x128xi32, #tpu.memory_space<hbm>>
          %dma_start3A_41 = tpu.memref_squeeze %dma_start3A_40 : memref<1x128xi32, #tpu.memory_space<hbm>> -> memref<128xi32, #tpu.memory_space<hbm>>
          %dma_start3A_42 = arith.constant 0 : i32
          %dma_start3A_43 = tpu.memref_slice %arg5[%add3A_37, %dma_start3A_42] : memref<1250x128xi32, #tpu.memory_space<hbm>> -> memref<1x128xi32, #tpu.memory_space<hbm>>
          %dma_start3A_44 = tpu.memref_squeeze %dma_start3A_43 : memref<1x128xi32, #tpu.memory_space<hbm>> -> memref<128xi32, #tpu.memory_space<hbm>>
          tpu.enqueue_dma source(%dma_start3A_44 : memref<128xi32, #tpu.memory_space<hbm>>) target(%arg10 : memref<128xi32, #tpu.memory_space<vmem>>) target_semaphore(%run_scoped3A : memref<!tpu.dma_semaphore, #tpu.memory_space<semaphore_mem>>)
          %dma_wait3A = arith.constant 0 : i32
          %dma_wait3A_45 = tpu.memref_slice %arg5[%add3A_37, %dma_wait3A] : memref<1250x128xi32, #tpu.memory_space<hbm>> -> memref<1x128xi32, #tpu.memory_space<hbm>>
          %dma_wait3A_46 = tpu.memref_squeeze %dma_wait3A_45 : memref<1x128xi32, #tpu.memory_space<hbm>> -> memref<128xi32, #tpu.memory_space<hbm>>
          %dma_wait3A_47 = arith.constant 0 : i32
          %dma_wait3A_48 = tpu.memref_slice %arg5[%add3A_37, %dma_wait3A_47] : memref<1250x128xi32, #tpu.memory_space<hbm>> -> memref<1x128xi32, #tpu.memory_space<hbm>>
          %dma_wait3A_49 = tpu.memref_squeeze %dma_wait3A_48 : memref<1x128xi32, #tpu.memory_space<hbm>> -> memref<128xi32, #tpu.memory_space<hbm>>
          tpu.wait_dma2 semaphore(%run_scoped3A : memref<!tpu.dma_semaphore, #tpu.memory_space<semaphore_mem>>) src(%dma_wait3A_49 : memref<128xi32, #tpu.memory_space<hbm>>) dst(%arg10 : memref<128xi32, #tpu.memory_space<vmem>>)
          tpu.yield
        }) : () -> ()
        "tpu.region"() ({
          %run_scoped3A = tpu.sem_alloc : memref<!tpu.dma_semaphore, #tpu.memory_space<semaphore_mem>>
          %dma_start3A = arith.constant 0 : i32
          %dma_start3A_40 = arith.constant 0 : i32
          %dma_start3A_41 = tpu.memref_slice %arg2[%add3A_37, %dma_start3A, %dma_start3A_40] : memref<1250x128x128xf32, #tpu.memory_space<hbm>> -> memref<1x128x128xf32, #tpu.memory_space<hbm>>
          %dma_start3A_42 = tpu.memref_squeeze %dma_start3A_41 : memref<1x128x128xf32, #tpu.memory_space<hbm>> -> memref<128x128xf32, #tpu.memory_space<hbm>>
          %dma_start3A_43 = arith.constant 0 : i32
          %dma_start3A_44 = arith.constant 0 : i32
          %dma_start3A_45 = tpu.memref_slice %arg2[%add3A_37, %dma_start3A_43, %dma_start3A_44] : memref<1250x128x128xf32, #tpu.memory_space<hbm>> -> memref<1x128x128xf32, #tpu.memory_space<hbm>>
          %dma_start3A_46 = tpu.memref_squeeze %dma_start3A_45 : memref<1x128x128xf32, #tpu.memory_space<hbm>> -> memref<128x128xf32, #tpu.memory_space<hbm>>
          tpu.enqueue_dma source(%dma_start3A_46 : memref<128x128xf32, #tpu.memory_space<hbm>>) target(%arg11 : memref<128x128xf32, #tpu.memory_space<vmem>>) target_semaphore(%run_scoped3A : memref<!tpu.dma_semaphore, #tpu.memory_space<semaphore_mem>>)
          %dma_wait3A = arith.constant 0 : i32
          %dma_wait3A_47 = arith.constant 0 : i32
          %dma_wait3A_48 = tpu.memref_slice %arg2[%add3A_37, %dma_wait3A, %dma_wait3A_47] : memref<1250x128x128xf32, #tpu.memory_space<hbm>> -> memref<1x128x128xf32, #tpu.memory_space<hbm>>
          %dma_wait3A_49 = tpu.memref_squeeze %dma_wait3A_48 : memref<1x128x128xf32, #tpu.memory_space<hbm>> -> memref<128x128xf32, #tpu.memory_space<hbm>>
          %dma_wait3A_50 = arith.constant 0 : i32
          %dma_wait3A_51 = arith.constant 0 : i32
          %dma_wait3A_52 = tpu.memref_slice %arg2[%add3A_37, %dma_wait3A_50, %dma_wait3A_51] : memref<1250x128x128xf32, #tpu.memory_space<hbm>> -> memref<1x128x128xf32, #tpu.memory_space<hbm>>
          %dma_wait3A_53 = tpu.memref_squeeze %dma_wait3A_52 : memref<1x128x128xf32, #tpu.memory_space<hbm>> -> memref<128x128xf32, #tpu.memory_space<hbm>>
          tpu.wait_dma2 semaphore(%run_scoped3A : memref<!tpu.dma_semaphore, #tpu.memory_space<semaphore_mem>>) src(%dma_wait3A_53 : memref<128x128xf32, #tpu.memory_space<hbm>>) dst(%arg11 : memref<128x128xf32, #tpu.memory_space<vmem>>)
          tpu.yield
        }) : () -> ()
        "tpu.region"() ({
          %run_scoped3A = tpu.sem_alloc : memref<!tpu.dma_semaphore, #tpu.memory_space<semaphore_mem>>
          %dma_start3A = arith.constant 0 : i32
          %dma_start3A_40 = arith.constant 0 : i32
          %dma_start3A_41 = tpu.memref_slice %arg12[%dma_start3A, %dma_start3A_40] : memref<10112x128xf32, #tpu.memory_space<vmem_shared>> -> memref<10112x128xf32, #tpu.memory_space<vmem_shared>>
          tpu.enqueue_indirect_dma source(%arg11 : memref<128x128xf32, #tpu.memory_space<vmem>>) target(%dma_start3A_41 : memref<10112x128xf32, #tpu.memory_space<vmem_shared>>) offsets(%arg10 : memref<128xi32, #tpu.memory_space<vmem>>) semaphore(%run_scoped3A : memref<!tpu.dma_semaphore, #tpu.memory_space<semaphore_mem>>) {add = true}
          %dma_wait3A = arith.constant 0 : i32
          %dma_wait3A_42 = arith.constant 0 : i32
          %dma_wait3A_43 = tpu.memref_slice %arg12[%dma_wait3A, %dma_wait3A_42] : memref<10112x128xf32, #tpu.memory_space<vmem_shared>> -> memref<10112x128xf32, #tpu.memory_space<vmem_shared>>
          tpu.wait_indirect_dma semaphore(%run_scoped3A : memref<!tpu.dma_semaphore, #tpu.memory_space<semaphore_mem>>) src(%arg11 : memref<128x128xf32, #tpu.memory_space<vmem>>) dst(%dma_wait3A_43 : memref<10112x128xf32, #tpu.memory_space<vmem_shared>>)
          tpu.yield
        }) : () -> ()
      } else {
      }
    }
    %scan3A_7 = arith.constant 40 : i32
    %barrier3A_8 = arith.constant 0 : index
    tpu.barrier barrier_id(%barrier3A_8)
    %mul3A_9 = arith.constant 10112 : i32
    %mul3A_10 = arith.muli %arg0, %mul3A_9 : i32
    %add3A_11 = arith.addi %mul3A_10, %mul3A_2 : i32
    "tpu.region"() ({
      %run_scoped3A = tpu.sem_alloc : memref<!tpu.dma_semaphore, #tpu.memory_space<semaphore_mem>>
      %dma_start3A = arith.constant 0 : i32
      %dma_start3A_34 = tpu.memref_slice %arg7[%add3A_11, %dma_start3A] : memref<20224x128xf32, #tpu.memory_space<hbm>> -> memref<632x128xf32, #tpu.memory_space<hbm>>
      %dma_start3A_35 = arith.constant 0 : i32
      %dma_start3A_36 = tpu.memref_slice %arg12[%mul3A_2, %dma_start3A_35] : memref<10112x128xf32, #tpu.memory_space<vmem_shared>> -> memref<632x128xf32, #tpu.memory_space<vmem_shared>>
      tpu.enqueue_dma source(%dma_start3A_36 : memref<632x128xf32, #tpu.memory_space<vmem_shared>>) target(%dma_start3A_34 : memref<632x128xf32, #tpu.memory_space<hbm>>) target_semaphore(%run_scoped3A : memref<!tpu.dma_semaphore, #tpu.memory_space<semaphore_mem>>)
      %dma_wait3A = arith.constant 0 : i32
      %dma_wait3A_37 = tpu.memref_slice %arg7[%add3A_11, %dma_wait3A] : memref<20224x128xf32, #tpu.memory_space<hbm>> -> memref<632x128xf32, #tpu.memory_space<hbm>>
      %dma_wait3A_38 = arith.constant 0 : i32
      %dma_wait3A_39 = tpu.memref_slice %arg12[%mul3A_2, %dma_wait3A_38] : memref<10112x128xf32, #tpu.memory_space<vmem_shared>> -> memref<632x128xf32, #tpu.memory_space<vmem_shared>>
      tpu.wait_dma2 semaphore(%run_scoped3A : memref<!tpu.dma_semaphore, #tpu.memory_space<semaphore_mem>>) src(%dma_wait3A_39 : memref<632x128xf32, #tpu.memory_space<vmem_shared>>) dst(%dma_wait3A_37 : memref<632x128xf32, #tpu.memory_space<hbm>>)
      tpu.yield
    }) : () -> ()
    "tpu.region"() ({
      %run_scoped3A = tpu.sem_alloc : memref<!tpu.dma_semaphore, #tpu.memory_space<semaphore_mem>>
      %dma_start3A = arith.constant 0 : i32
      %dma_start3A_34 = tpu.memref_slice %arg12[%mul3A_2, %dma_start3A] : memref<10112x128xf32, #tpu.memory_space<vmem_shared>> -> memref<632x128xf32, #tpu.memory_space<vmem_shared>>
      %dma_start3A_35 = arith.constant 0 : i32
      %dma_start3A_36 = tpu.memref_slice %arg6[%mul3A_2, %dma_start3A_35] : memref<10112x128xf32, #tpu.memory_space<hbm>> -> memref<632x128xf32, #tpu.memory_space<hbm>>
      tpu.enqueue_dma source(%dma_start3A_36 : memref<632x128xf32, #tpu.memory_space<hbm>>) target(%dma_start3A_34 : memref<632x128xf32, #tpu.memory_space<vmem_shared>>) target_semaphore(%run_scoped3A : memref<!tpu.dma_semaphore, #tpu.memory_space<semaphore_mem>>)
      %dma_wait3A = arith.constant 0 : i32
      %dma_wait3A_37 = tpu.memref_slice %arg12[%mul3A_2, %dma_wait3A] : memref<10112x128xf32, #tpu.memory_space<vmem_shared>> -> memref<632x128xf32, #tpu.memory_space<vmem_shared>>
      %dma_wait3A_38 = arith.constant 0 : i32
      %dma_wait3A_39 = tpu.memref_slice %arg6[%mul3A_2, %dma_wait3A_38] : memref<10112x128xf32, #tpu.memory_space<hbm>> -> memref<632x128xf32, #tpu.memory_space<hbm>>
      tpu.wait_dma2 semaphore(%run_scoped3A : memref<!tpu.dma_semaphore, #tpu.memory_space<semaphore_mem>>) src(%dma_wait3A_39 : memref<632x128xf32, #tpu.memory_space<hbm>>) dst(%dma_wait3A_37 : memref<632x128xf32, #tpu.memory_space<vmem_shared>>)
      tpu.yield
    }) : () -> ()
    %barrier3A_12 = arith.constant 0 : index
    tpu.barrier barrier_id(%barrier3A_12)
    %scan3A_13 = arith.constant 0 : i32
    %scan3A_14 = arith.constant 0 : i32
    %scan3A_15 = arith.constant 40 : i32
    %scan3A_16 = arith.addi %scan3A_14, %scan3A_15 : i32
    %scan3A_17 = arith.constant 1 : i32
    scf.for %scan3A_34 = %scan3A_14 to %scan3A_16 step %scan3A_17  : i32 {
      %mul3A_35 = arith.constant 32 : i32
      %mul3A_36 = arith.muli %mul3A_35, %scan3A_34 : i32
      %add3A_37 = arith.addi %add3A, %mul3A_36 : i32
      %lt3A = arith.constant 1250 : i32
      %lt3A_38 = arith.cmpi slt, %add3A_37, %lt3A : i32
      %convert_element_type3A = arith.extui %lt3A_38 : i1 to i32
      %cond3A = arith.constant 0 : i32
      %cond3A_39 = arith.cmpi ne, %convert_element_type3A, %cond3A : i32
      scf.if %cond3A_39 {
        "tpu.region"() ({
          %run_scoped3A = tpu.sem_alloc : memref<!tpu.dma_semaphore, #tpu.memory_space<semaphore_mem>>
          %dma_start3A = arith.constant 0 : i32
          %dma_start3A_40 = tpu.memref_slice %arg5[%add3A_37, %dma_start3A] : memref<1250x128xi32, #tpu.memory_space<hbm>> -> memref<1x128xi32, #tpu.memory_space<hbm>>
          %dma_start3A_41 = tpu.memref_squeeze %dma_start3A_40 : memref<1x128xi32, #tpu.memory_space<hbm>> -> memref<128xi32, #tpu.memory_space<hbm>>
          %dma_start3A_42 = arith.constant 0 : i32
          %dma_start3A_43 = tpu.memref_slice %arg5[%add3A_37, %dma_start3A_42] : memref<1250x128xi32, #tpu.memory_space<hbm>> -> memref<1x128xi32, #tpu.memory_space<hbm>>
          %dma_start3A_44 = tpu.memref_squeeze %dma_start3A_43 : memref<1x128xi32, #tpu.memory_space<hbm>> -> memref<128xi32, #tpu.memory_space<hbm>>
          tpu.enqueue_dma source(%dma_start3A_44 : memref<128xi32, #tpu.memory_space<hbm>>) target(%arg10 : memref<128xi32, #tpu.memory_space<vmem>>) target_semaphore(%run_scoped3A : memref<!tpu.dma_semaphore, #tpu.memory_space<semaphore_mem>>)
          %dma_wait3A = arith.constant 0 : i32
          %dma_wait3A_45 = tpu.memref_slice %arg5[%add3A_37, %dma_wait3A] : memref<1250x128xi32, #tpu.memory_space<hbm>> -> memref<1x128xi32, #tpu.memory_space<hbm>>
          %dma_wait3A_46 = tpu.memref_squeeze %dma_wait3A_45 : memref<1x128xi32, #tpu.memory_space<hbm>> -> memref<128xi32, #tpu.memory_space<hbm>>
          %dma_wait3A_47 = arith.constant 0 : i32
          %dma_wait3A_48 = tpu.memref_slice %arg5[%add3A_37, %dma_wait3A_47] : memref<1250x128xi32, #tpu.memory_space<hbm>> -> memref<1x128xi32, #tpu.memory_space<hbm>>
          %dma_wait3A_49 = tpu.memref_squeeze %dma_wait3A_48 : memref<1x128xi32, #tpu.memory_space<hbm>> -> memref<128xi32, #tpu.memory_space<hbm>>
          tpu.wait_dma2 semaphore(%run_scoped3A : memref<!tpu.dma_semaphore, #tpu.memory_space<semaphore_mem>>) src(%dma_wait3A_49 : memref<128xi32, #tpu.memory_space<hbm>>) dst(%arg10 : memref<128xi32, #tpu.memory_space<vmem>>)
          tpu.yield
        }) : () -> ()
        "tpu.region"() ({
          %run_scoped3A = tpu.sem_alloc : memref<!tpu.dma_semaphore, #tpu.memory_space<semaphore_mem>>
          %dma_start3A = arith.constant 0 : i32
          %dma_start3A_40 = arith.constant 0 : i32
          %dma_start3A_41 = tpu.memref_slice %arg3[%add3A_37, %dma_start3A, %dma_start3A_40] : memref<1250x128x128xf32, #tpu.memory_space<hbm>> -> memref<1x128x128xf32, #tpu.memory_space<hbm>>
          %dma_start3A_42 = tpu.memref_squeeze %dma_start3A_41 : memref<1x128x128xf32, #tpu.memory_space<hbm>> -> memref<128x128xf32, #tpu.memory_space<hbm>>
          %dma_start3A_43 = arith.constant 0 : i32
          %dma_start3A_44 = arith.constant 0 : i32
          %dma_start3A_45 = tpu.memref_slice %arg3[%add3A_37, %dma_start3A_43, %dma_start3A_44] : memref<1250x128x128xf32, #tpu.memory_space<hbm>> -> memref<1x128x128xf32, #tpu.memory_space<hbm>>
          %dma_start3A_46 = tpu.memref_squeeze %dma_start3A_45 : memref<1x128x128xf32, #tpu.memory_space<hbm>> -> memref<128x128xf32, #tpu.memory_space<hbm>>
          tpu.enqueue_dma source(%dma_start3A_46 : memref<128x128xf32, #tpu.memory_space<hbm>>) target(%arg11 : memref<128x128xf32, #tpu.memory_space<vmem>>) target_semaphore(%run_scoped3A : memref<!tpu.dma_semaphore, #tpu.memory_space<semaphore_mem>>)
          %dma_wait3A = arith.constant 0 : i32
          %dma_wait3A_47 = arith.constant 0 : i32
          %dma_wait3A_48 = tpu.memref_slice %arg3[%add3A_37, %dma_wait3A, %dma_wait3A_47] : memref<1250x128x128xf32, #tpu.memory_space<hbm>> -> memref<1x128x128xf32, #tpu.memory_space<hbm>>
          %dma_wait3A_49 = tpu.memref_squeeze %dma_wait3A_48 : memref<1x128x128xf32, #tpu.memory_space<hbm>> -> memref<128x128xf32, #tpu.memory_space<hbm>>
          %dma_wait3A_50 = arith.constant 0 : i32
          %dma_wait3A_51 = arith.constant 0 : i32
          %dma_wait3A_52 = tpu.memref_slice %arg3[%add3A_37, %dma_wait3A_50, %dma_wait3A_51] : memref<1250x128x128xf32, #tpu.memory_space<hbm>> -> memref<1x128x128xf32, #tpu.memory_space<hbm>>
          %dma_wait3A_53 = tpu.memref_squeeze %dma_wait3A_52 : memref<1x128x128xf32, #tpu.memory_space<hbm>> -> memref<128x128xf32, #tpu.memory_space<hbm>>
          tpu.wait_dma2 semaphore(%run_scoped3A : memref<!tpu.dma_semaphore, #tpu.memory_space<semaphore_mem>>) src(%dma_wait3A_53 : memref<128x128xf32, #tpu.memory_space<hbm>>) dst(%arg11 : memref<128x128xf32, #tpu.memory_space<vmem>>)
          tpu.yield
        }) : () -> ()
        "tpu.region"() ({
          %run_scoped3A = tpu.sem_alloc : memref<!tpu.dma_semaphore, #tpu.memory_space<semaphore_mem>>
          %dma_start3A = arith.constant 0 : i32
          %dma_start3A_40 = arith.constant 0 : i32
          %dma_start3A_41 = tpu.memref_slice %arg12[%dma_start3A, %dma_start3A_40] : memref<10112x128xf32, #tpu.memory_space<vmem_shared>> -> memref<10112x128xf32, #tpu.memory_space<vmem_shared>>
          tpu.enqueue_indirect_dma source(%arg11 : memref<128x128xf32, #tpu.memory_space<vmem>>) target(%dma_start3A_41 : memref<10112x128xf32, #tpu.memory_space<vmem_shared>>) offsets(%arg10 : memref<128xi32, #tpu.memory_space<vmem>>) semaphore(%run_scoped3A : memref<!tpu.dma_semaphore, #tpu.memory_space<semaphore_mem>>) {add = true}
          %dma_wait3A = arith.constant 0 : i32
          %dma_wait3A_42 = arith.constant 0 : i32
          %dma_wait3A_43 = tpu.memref_slice %arg12[%dma_wait3A, %dma_wait3A_42] : memref<10112x128xf32, #tpu.memory_space<vmem_shared>> -> memref<10112x128xf32, #tpu.memory_space<vmem_shared>>
          tpu.wait_indirect_dma semaphore(%run_scoped3A : memref<!tpu.dma_semaphore, #tpu.memory_space<semaphore_mem>>) src(%arg11 : memref<128x128xf32, #tpu.memory_space<vmem>>) dst(%dma_wait3A_43 : memref<10112x128xf32, #tpu.memory_space<vmem_shared>>)
          tpu.yield
        }) : () -> ()
      } else {
      }
    }
    %scan3A_18 = arith.constant 40 : i32
    %barrier3A_19 = arith.constant 0 : index
    tpu.barrier barrier_id(%barrier3A_19)
    %mul3A_20 = arith.constant 10112 : i32
    %mul3A_21 = arith.muli %arg0, %mul3A_20 : i32
    %add3A_22 = arith.addi %mul3A_21, %mul3A_2 : i32
    "tpu.region"() ({
      %run_scoped3A = tpu.sem_alloc : memref<!tpu.dma_semaphore, #tpu.memory_space<semaphore_mem>>
      %dma_start3A = arith.constant 0 : i32
      %dma_start3A_34 = tpu.memref_slice %arg8[%add3A_22, %dma_start3A] : memref<20224x128xf32, #tpu.memory_space<hbm>> -> memref<632x128xf32, #tpu.memory_space<hbm>>
      %dma_start3A_35 = arith.constant 0 : i32
      %dma_start3A_36 = tpu.memref_slice %arg12[%mul3A_2, %dma_start3A_35] : memref<10112x128xf32, #tpu.memory_space<vmem_shared>> -> memref<632x128xf32, #tpu.memory_space<vmem_shared>>
      tpu.enqueue_dma source(%dma_start3A_36 : memref<632x128xf32, #tpu.memory_space<vmem_shared>>) target(%dma_start3A_34 : memref<632x128xf32, #tpu.memory_space<hbm>>) target_semaphore(%run_scoped3A : memref<!tpu.dma_semaphore, #tpu.memory_space<semaphore_mem>>)
      %dma_wait3A = arith.constant 0 : i32
      %dma_wait3A_37 = tpu.memref_slice %arg8[%add3A_22, %dma_wait3A] : memref<20224x128xf32, #tpu.memory_space<hbm>> -> memref<632x128xf32, #tpu.memory_space<hbm>>
      %dma_wait3A_38 = arith.constant 0 : i32
      %dma_wait3A_39 = tpu.memref_slice %arg12[%mul3A_2, %dma_wait3A_38] : memref<10112x128xf32, #tpu.memory_space<vmem_shared>> -> memref<632x128xf32, #tpu.memory_space<vmem_shared>>
      tpu.wait_dma2 semaphore(%run_scoped3A : memref<!tpu.dma_semaphore, #tpu.memory_space<semaphore_mem>>) src(%dma_wait3A_39 : memref<632x128xf32, #tpu.memory_space<vmem_shared>>) dst(%dma_wait3A_37 : memref<632x128xf32, #tpu.memory_space<hbm>>)
      tpu.yield
    }) : () -> ()
    "tpu.region"() ({
      %run_scoped3A = tpu.sem_alloc : memref<!tpu.dma_semaphore, #tpu.memory_space<semaphore_mem>>
      %dma_start3A = arith.constant 0 : i32
      %dma_start3A_34 = tpu.memref_slice %arg12[%mul3A_2, %dma_start3A] : memref<10112x128xf32, #tpu.memory_space<vmem_shared>> -> memref<632x128xf32, #tpu.memory_space<vmem_shared>>
      %dma_start3A_35 = arith.constant 0 : i32
      %dma_start3A_36 = tpu.memref_slice %arg6[%mul3A_2, %dma_start3A_35] : memref<10112x128xf32, #tpu.memory_space<hbm>> -> memref<632x128xf32, #tpu.memory_space<hbm>>
      tpu.enqueue_dma source(%dma_start3A_36 : memref<632x128xf32, #tpu.memory_space<hbm>>) target(%dma_start3A_34 : memref<632x128xf32, #tpu.memory_space<vmem_shared>>) target_semaphore(%run_scoped3A : memref<!tpu.dma_semaphore, #tpu.memory_space<semaphore_mem>>)
      %dma_wait3A = arith.constant 0 : i32
      %dma_wait3A_37 = tpu.memref_slice %arg12[%mul3A_2, %dma_wait3A] : memref<10112x128xf32, #tpu.memory_space<vmem_shared>> -> memref<632x128xf32, #tpu.memory_space<vmem_shared>>
      %dma_wait3A_38 = arith.constant 0 : i32
      %dma_wait3A_39 = tpu.memref_slice %arg6[%mul3A_2, %dma_wait3A_38] : memref<10112x128xf32, #tpu.memory_space<hbm>> -> memref<632x128xf32, #tpu.memory_space<hbm>>
      tpu.wait_dma2 semaphore(%run_scoped3A : memref<!tpu.dma_semaphore, #tpu.memory_space<semaphore_mem>>) src(%dma_wait3A_39 : memref<632x128xf32, #tpu.memory_space<hbm>>) dst(%dma_wait3A_37 : memref<632x128xf32, #tpu.memory_space<vmem_shared>>)
      tpu.yield
    }) : () -> ()
    %barrier3A_23 = arith.constant 0 : index
    tpu.barrier barrier_id(%barrier3A_23)
    %scan3A_24 = arith.constant 0 : i32
    %scan3A_25 = arith.constant 0 : i32
    %scan3A_26 = arith.constant 40 : i32
    %scan3A_27 = arith.addi %scan3A_25, %scan3A_26 : i32
    %scan3A_28 = arith.constant 1 : i32
    scf.for %scan3A_34 = %scan3A_25 to %scan3A_27 step %scan3A_28  : i32 {
      %mul3A_35 = arith.constant 32 : i32
      %mul3A_36 = arith.muli %mul3A_35, %scan3A_34 : i32
      %add3A_37 = arith.addi %add3A, %mul3A_36 : i32
      %lt3A = arith.constant 1250 : i32
      %lt3A_38 = arith.cmpi slt, %add3A_37, %lt3A : i32
      %convert_element_type3A = arith.extui %lt3A_38 : i1 to i32
      %cond3A = arith.constant 0 : i32
      %cond3A_39 = arith.cmpi ne, %convert_element_type3A, %cond3A : i32
      scf.if %cond3A_39 {
        "tpu.region"() ({
          %run_scoped3A = tpu.sem_alloc : memref<!tpu.dma_semaphore, #tpu.memory_space<semaphore_mem>>
          %dma_start3A = arith.constant 0 : i32
          %dma_start3A_40 = tpu.memref_slice %arg5[%add3A_37, %dma_start3A] : memref<1250x128xi32, #tpu.memory_space<hbm>> -> memref<1x128xi32, #tpu.memory_space<hbm>>
          %dma_start3A_41 = tpu.memref_squeeze %dma_start3A_40 : memref<1x128xi32, #tpu.memory_space<hbm>> -> memref<128xi32, #tpu.memory_space<hbm>>
          %dma_start3A_42 = arith.constant 0 : i32
          %dma_start3A_43 = tpu.memref_slice %arg5[%add3A_37, %dma_start3A_42] : memref<1250x128xi32, #tpu.memory_space<hbm>> -> memref<1x128xi32, #tpu.memory_space<hbm>>
          %dma_start3A_44 = tpu.memref_squeeze %dma_start3A_43 : memref<1x128xi32, #tpu.memory_space<hbm>> -> memref<128xi32, #tpu.memory_space<hbm>>
          tpu.enqueue_dma source(%dma_start3A_44 : memref<128xi32, #tpu.memory_space<hbm>>) target(%arg10 : memref<128xi32, #tpu.memory_space<vmem>>) target_semaphore(%run_scoped3A : memref<!tpu.dma_semaphore, #tpu.memory_space<semaphore_mem>>)
          %dma_wait3A = arith.constant 0 : i32
          %dma_wait3A_45 = tpu.memref_slice %arg5[%add3A_37, %dma_wait3A] : memref<1250x128xi32, #tpu.memory_space<hbm>> -> memref<1x128xi32, #tpu.memory_space<hbm>>
          %dma_wait3A_46 = tpu.memref_squeeze %dma_wait3A_45 : memref<1x128xi32, #tpu.memory_space<hbm>> -> memref<128xi32, #tpu.memory_space<hbm>>
          %dma_wait3A_47 = arith.constant 0 : i32
          %dma_wait3A_48 = tpu.memref_slice %arg5[%add3A_37, %dma_wait3A_47] : memref<1250x128xi32, #tpu.memory_space<hbm>> -> memref<1x128xi32, #tpu.memory_space<hbm>>
          %dma_wait3A_49 = tpu.memref_squeeze %dma_wait3A_48 : memref<1x128xi32, #tpu.memory_space<hbm>> -> memref<128xi32, #tpu.memory_space<hbm>>
          tpu.wait_dma2 semaphore(%run_scoped3A : memref<!tpu.dma_semaphore, #tpu.memory_space<semaphore_mem>>) src(%dma_wait3A_49 : memref<128xi32, #tpu.memory_space<hbm>>) dst(%arg10 : memref<128xi32, #tpu.memory_space<vmem>>)
          tpu.yield
        }) : () -> ()
        "tpu.region"() ({
          %run_scoped3A = tpu.sem_alloc : memref<!tpu.dma_semaphore, #tpu.memory_space<semaphore_mem>>
          %dma_start3A = arith.constant 0 : i32
          %dma_start3A_40 = arith.constant 0 : i32
          %dma_start3A_41 = tpu.memref_slice %arg4[%add3A_37, %dma_start3A, %dma_start3A_40] : memref<1250x128x128xf32, #tpu.memory_space<hbm>> -> memref<1x128x128xf32, #tpu.memory_space<hbm>>
          %dma_start3A_42 = tpu.memref_squeeze %dma_start3A_41 : memref<1x128x128xf32, #tpu.memory_space<hbm>> -> memref<128x128xf32, #tpu.memory_space<hbm>>
          %dma_start3A_43 = arith.constant 0 : i32
          %dma_start3A_44 = arith.constant 0 : i32
          %dma_start3A_45 = tpu.memref_slice %arg4[%add3A_37, %dma_start3A_43, %dma_start3A_44] : memref<1250x128x128xf32, #tpu.memory_space<hbm>> -> memref<1x128x128xf32, #tpu.memory_space<hbm>>
          %dma_start3A_46 = tpu.memref_squeeze %dma_start3A_45 : memref<1x128x128xf32, #tpu.memory_space<hbm>> -> memref<128x128xf32, #tpu.memory_space<hbm>>
          tpu.enqueue_dma source(%dma_start3A_46 : memref<128x128xf32, #tpu.memory_space<hbm>>) target(%arg11 : memref<128x128xf32, #tpu.memory_space<vmem>>) target_semaphore(%run_scoped3A : memref<!tpu.dma_semaphore, #tpu.memory_space<semaphore_mem>>)
          %dma_wait3A = arith.constant 0 : i32
          %dma_wait3A_47 = arith.constant 0 : i32
          %dma_wait3A_48 = tpu.memref_slice %arg4[%add3A_37, %dma_wait3A, %dma_wait3A_47] : memref<1250x128x128xf32, #tpu.memory_space<hbm>> -> memref<1x128x128xf32, #tpu.memory_space<hbm>>
          %dma_wait3A_49 = tpu.memref_squeeze %dma_wait3A_48 : memref<1x128x128xf32, #tpu.memory_space<hbm>> -> memref<128x128xf32, #tpu.memory_space<hbm>>
          %dma_wait3A_50 = arith.constant 0 : i32
          %dma_wait3A_51 = arith.constant 0 : i32
          %dma_wait3A_52 = tpu.memref_slice %arg4[%add3A_37, %dma_wait3A_50, %dma_wait3A_51] : memref<1250x128x128xf32, #tpu.memory_space<hbm>> -> memref<1x128x128xf32, #tpu.memory_space<hbm>>
          %dma_wait3A_53 = tpu.memref_squeeze %dma_wait3A_52 : memref<1x128x128xf32, #tpu.memory_space<hbm>> -> memref<128x128xf32, #tpu.memory_space<hbm>>
          tpu.wait_dma2 semaphore(%run_scoped3A : memref<!tpu.dma_semaphore, #tpu.memory_space<semaphore_mem>>) src(%dma_wait3A_53 : memref<128x128xf32, #tpu.memory_space<hbm>>) dst(%arg11 : memref<128x128xf32, #tpu.memory_space<vmem>>)
          tpu.yield
        }) : () -> ()
        "tpu.region"() ({
          %run_scoped3A = tpu.sem_alloc : memref<!tpu.dma_semaphore, #tpu.memory_space<semaphore_mem>>
          %dma_start3A = arith.constant 0 : i32
          %dma_start3A_40 = arith.constant 0 : i32
          %dma_start3A_41 = tpu.memref_slice %arg12[%dma_start3A, %dma_start3A_40] : memref<10112x128xf32, #tpu.memory_space<vmem_shared>> -> memref<10112x128xf32, #tpu.memory_space<vmem_shared>>
          tpu.enqueue_indirect_dma source(%arg11 : memref<128x128xf32, #tpu.memory_space<vmem>>) target(%dma_start3A_41 : memref<10112x128xf32, #tpu.memory_space<vmem_shared>>) offsets(%arg10 : memref<128xi32, #tpu.memory_space<vmem>>) semaphore(%run_scoped3A : memref<!tpu.dma_semaphore, #tpu.memory_space<semaphore_mem>>) {add = true}
          %dma_wait3A = arith.constant 0 : i32
          %dma_wait3A_42 = arith.constant 0 : i32
          %dma_wait3A_43 = tpu.memref_slice %arg12[%dma_wait3A, %dma_wait3A_42] : memref<10112x128xf32, #tpu.memory_space<vmem_shared>> -> memref<10112x128xf32, #tpu.memory_space<vmem_shared>>
          tpu.wait_indirect_dma semaphore(%run_scoped3A : memref<!tpu.dma_semaphore, #tpu.memory_space<semaphore_mem>>) src(%arg11 : memref<128x128xf32, #tpu.memory_space<vmem>>) dst(%dma_wait3A_43 : memref<10112x128xf32, #tpu.memory_space<vmem_shared>>)
          tpu.yield
        }) : () -> ()
      } else {
      }
    }
    %scan3A_29 = arith.constant 40 : i32
    %barrier3A_30 = arith.constant 0 : index
    tpu.barrier barrier_id(%barrier3A_30)
    %mul3A_31 = arith.constant 10112 : i32
    %mul3A_32 = arith.muli %arg0, %mul3A_31 : i32
    %add3A_33 = arith.addi %mul3A_32, %mul3A_2 : i32
    "tpu.region"() ({
      %run_scoped3A = tpu.sem_alloc : memref<!tpu.dma_semaphore, #tpu.memory_space<semaphore_mem>>
      %dma_start3A = arith.constant 0 : i32
      %dma_start3A_34 = tpu.memref_slice %arg9[%add3A_33, %dma_start3A] : memref<20224x128xf32, #tpu.memory_space<hbm>> -> memref<632x128xf32, #tpu.memory_space<hbm>>
      %dma_start3A_35 = arith.constant 0 : i32
      %dma_start3A_36 = tpu.memref_slice %arg12[%mul3A_2, %dma_start3A_35] : memref<10112x128xf32, #tpu.memory_space<vmem_shared>> -> memref<632x128xf32, #tpu.memory_space<vmem_shared>>
      tpu.enqueue_dma source(%dma_start3A_36 : memref<632x128xf32, #tpu.memory_space<vmem_shared>>) target(%dma_start3A_34 : memref<632x128xf32, #tpu.memory_space<hbm>>) target_semaphore(%run_scoped3A : memref<!tpu.dma_semaphore, #tpu.memory_space<semaphore_mem>>)
      %dma_wait3A = arith.constant 0 : i32
      %dma_wait3A_37 = tpu.memref_slice %arg9[%add3A_33, %dma_wait3A] : memref<20224x128xf32, #tpu.memory_space<hbm>> -> memref<632x128xf32, #tpu.memory_space<hbm>>
      %dma_wait3A_38 = arith.constant 0 : i32
      %dma_wait3A_39 = tpu.memref_slice %arg12[%mul3A_2, %dma_wait3A_38] : memref<10112x128xf32, #tpu.memory_space<vmem_shared>> -> memref<632x128xf32, #tpu.memory_space<vmem_shared>>
      tpu.wait_dma2 semaphore(%run_scoped3A : memref<!tpu.dma_semaphore, #tpu.memory_space<semaphore_mem>>) src(%dma_wait3A_39 : memref<632x128xf32, #tpu.memory_space<vmem_shared>>) dst(%dma_wait3A_37 : memref<632x128xf32, #tpu.memory_space<hbm>>)
      tpu.yield
    }) : () -> ()
    return
  }
}

#map = affine_map<(d0, d1) -> (0, 0, 0)>
#map1 = affine_map<(d0, d1) -> (0, 0)>
module attributes {stable_mosaic.version = 14 : i64} {
  func.func @_sc_scatter_edge(%arg0: i32, %arg1: i32, %arg2: memref<1250x128x128xf32, #tpu.memory_space<hbm>>, %arg3: memref<1250x128xi32, #tpu.memory_space<hbm>>, %arg4: memref<10112x128xf32, #tpu.memory_space<hbm>>, %arg5: memref<20224x128xf32, #tpu.memory_space<hbm>>, %arg6: memref<128xi32, #tpu.memory_space<vmem>>, %arg7: memref<128x128xf32, #tpu.memory_space<vmem>>, %arg8: memref<10112x128xf32, #tpu.memory_space<vmem_shared>>, %arg9: memref<!tpu.dma_semaphore, #tpu.memory_space<semaphore_mem>>) attributes {dimension_semantics = [#tpu.dimension_semantics<core_parallel>, #tpu.dimension_semantics<subcore_parallel>], iteration_bounds = array<i64: 2, 16>, scalar_prefetch = 0 : i64, scratch_operands = 4 : i64, tpu.core_type = #tpu.core_type<sc_vector_subcore>, window_params = [{transform_indices = #map}, {transform_indices = #map1}, {transform_indices = #map1}, {transform_indices = #map1}]} {
    %mul3A = arith.constant 2 : i32
    %mul3A_0 = arith.muli %arg1, %mul3A : i32
    %add3A = arith.addi %mul3A_0, %arg0 : i32
    %mul3A_1 = arith.constant 632 : i32
    %mul3A_2 = arith.muli %arg1, %mul3A_1 : i32
    "tpu.region"() ({
      %run_scoped3A = tpu.sem_alloc : memref<!tpu.dma_semaphore, #tpu.memory_space<semaphore_mem>>
      %dma_start3A = arith.constant 0 : i32
      %dma_start3A_12 = tpu.memref_slice %arg8[%mul3A_2, %dma_start3A] : memref<10112x128xf32, #tpu.memory_space<vmem_shared>> -> memref<632x128xf32, #tpu.memory_space<vmem_shared>>
      %dma_start3A_13 = arith.constant 0 : i32
      %dma_start3A_14 = tpu.memref_slice %arg4[%mul3A_2, %dma_start3A_13] : memref<10112x128xf32, #tpu.memory_space<hbm>> -> memref<632x128xf32, #tpu.memory_space<hbm>>
      tpu.enqueue_dma source(%dma_start3A_14 : memref<632x128xf32, #tpu.memory_space<hbm>>) target(%dma_start3A_12 : memref<632x128xf32, #tpu.memory_space<vmem_shared>>) target_semaphore(%run_scoped3A : memref<!tpu.dma_semaphore, #tpu.memory_space<semaphore_mem>>)
      %dma_wait3A = arith.constant 0 : i32
      %dma_wait3A_15 = tpu.memref_slice %arg8[%mul3A_2, %dma_wait3A] : memref<10112x128xf32, #tpu.memory_space<vmem_shared>> -> memref<632x128xf32, #tpu.memory_space<vmem_shared>>
      %dma_wait3A_16 = arith.constant 0 : i32
      %dma_wait3A_17 = tpu.memref_slice %arg4[%mul3A_2, %dma_wait3A_16] : memref<10112x128xf32, #tpu.memory_space<hbm>> -> memref<632x128xf32, #tpu.memory_space<hbm>>
      tpu.wait_dma2 semaphore(%run_scoped3A : memref<!tpu.dma_semaphore, #tpu.memory_space<semaphore_mem>>) src(%dma_wait3A_17 : memref<632x128xf32, #tpu.memory_space<hbm>>) dst(%dma_wait3A_15 : memref<632x128xf32, #tpu.memory_space<vmem_shared>>)
      tpu.yield
    }) : () -> ()
    %barrier3A = arith.constant 0 : index
    tpu.barrier barrier_id(%barrier3A)
    %scan3A = arith.constant 0 : i32
    %scan3A_3 = arith.constant 0 : i32
    %scan3A_4 = arith.constant 40 : i32
    %scan3A_5 = arith.addi %scan3A_3, %scan3A_4 : i32
    %scan3A_6 = arith.constant 1 : i32
    scf.for %scan3A_12 = %scan3A_3 to %scan3A_5 step %scan3A_6  : i32 {
      %mul3A_13 = arith.constant 32 : i32
      %mul3A_14 = arith.muli %mul3A_13, %scan3A_12 : i32
      %add3A_15 = arith.addi %add3A, %mul3A_14 : i32
      %lt3A = arith.constant 1250 : i32
      %lt3A_16 = arith.cmpi slt, %add3A_15, %lt3A : i32
      %convert_element_type3A = arith.extui %lt3A_16 : i1 to i32
      %cond3A = arith.constant 0 : i32
      %cond3A_17 = arith.cmpi ne, %convert_element_type3A, %cond3A : i32
      scf.if %cond3A_17 {
        "tpu.region"() ({
          %run_scoped3A = tpu.sem_alloc : memref<!tpu.dma_semaphore, #tpu.memory_space<semaphore_mem>>
          %dma_start3A = arith.constant 0 : i32
          %dma_start3A_18 = tpu.memref_slice %arg3[%add3A_15, %dma_start3A] : memref<1250x128xi32, #tpu.memory_space<hbm>> -> memref<1x128xi32, #tpu.memory_space<hbm>>
          %dma_start3A_19 = tpu.memref_squeeze %dma_start3A_18 : memref<1x128xi32, #tpu.memory_space<hbm>> -> memref<128xi32, #tpu.memory_space<hbm>>
          %dma_start3A_20 = arith.constant 0 : i32
          %dma_start3A_21 = tpu.memref_slice %arg3[%add3A_15, %dma_start3A_20] : memref<1250x128xi32, #tpu.memory_space<hbm>> -> memref<1x128xi32, #tpu.memory_space<hbm>>
          %dma_start3A_22 = tpu.memref_squeeze %dma_start3A_21 : memref<1x128xi32, #tpu.memory_space<hbm>> -> memref<128xi32, #tpu.memory_space<hbm>>
          tpu.enqueue_dma source(%dma_start3A_22 : memref<128xi32, #tpu.memory_space<hbm>>) target(%arg6 : memref<128xi32, #tpu.memory_space<vmem>>) target_semaphore(%run_scoped3A : memref<!tpu.dma_semaphore, #tpu.memory_space<semaphore_mem>>)
          %dma_wait3A = arith.constant 0 : i32
          %dma_wait3A_23 = tpu.memref_slice %arg3[%add3A_15, %dma_wait3A] : memref<1250x128xi32, #tpu.memory_space<hbm>> -> memref<1x128xi32, #tpu.memory_space<hbm>>
          %dma_wait3A_24 = tpu.memref_squeeze %dma_wait3A_23 : memref<1x128xi32, #tpu.memory_space<hbm>> -> memref<128xi32, #tpu.memory_space<hbm>>
          %dma_wait3A_25 = arith.constant 0 : i32
          %dma_wait3A_26 = tpu.memref_slice %arg3[%add3A_15, %dma_wait3A_25] : memref<1250x128xi32, #tpu.memory_space<hbm>> -> memref<1x128xi32, #tpu.memory_space<hbm>>
          %dma_wait3A_27 = tpu.memref_squeeze %dma_wait3A_26 : memref<1x128xi32, #tpu.memory_space<hbm>> -> memref<128xi32, #tpu.memory_space<hbm>>
          tpu.wait_dma2 semaphore(%run_scoped3A : memref<!tpu.dma_semaphore, #tpu.memory_space<semaphore_mem>>) src(%dma_wait3A_27 : memref<128xi32, #tpu.memory_space<hbm>>) dst(%arg6 : memref<128xi32, #tpu.memory_space<vmem>>)
          tpu.yield
        }) : () -> ()
        "tpu.region"() ({
          %run_scoped3A = tpu.sem_alloc : memref<!tpu.dma_semaphore, #tpu.memory_space<semaphore_mem>>
          %dma_start3A = arith.constant 0 : i32
          %dma_start3A_18 = arith.constant 0 : i32
          %dma_start3A_19 = tpu.memref_slice %arg2[%add3A_15, %dma_start3A, %dma_start3A_18] : memref<1250x128x128xf32, #tpu.memory_space<hbm>> -> memref<1x128x128xf32, #tpu.memory_space<hbm>>
          %dma_start3A_20 = tpu.memref_squeeze %dma_start3A_19 : memref<1x128x128xf32, #tpu.memory_space<hbm>> -> memref<128x128xf32, #tpu.memory_space<hbm>>
          %dma_start3A_21 = arith.constant 0 : i32
          %dma_start3A_22 = arith.constant 0 : i32
          %dma_start3A_23 = tpu.memref_slice %arg2[%add3A_15, %dma_start3A_21, %dma_start3A_22] : memref<1250x128x128xf32, #tpu.memory_space<hbm>> -> memref<1x128x128xf32, #tpu.memory_space<hbm>>
          %dma_start3A_24 = tpu.memref_squeeze %dma_start3A_23 : memref<1x128x128xf32, #tpu.memory_space<hbm>> -> memref<128x128xf32, #tpu.memory_space<hbm>>
          tpu.enqueue_dma source(%dma_start3A_24 : memref<128x128xf32, #tpu.memory_space<hbm>>) target(%arg7 : memref<128x128xf32, #tpu.memory_space<vmem>>) target_semaphore(%run_scoped3A : memref<!tpu.dma_semaphore, #tpu.memory_space<semaphore_mem>>)
          %dma_wait3A = arith.constant 0 : i32
          %dma_wait3A_25 = arith.constant 0 : i32
          %dma_wait3A_26 = tpu.memref_slice %arg2[%add3A_15, %dma_wait3A, %dma_wait3A_25] : memref<1250x128x128xf32, #tpu.memory_space<hbm>> -> memref<1x128x128xf32, #tpu.memory_space<hbm>>
          %dma_wait3A_27 = tpu.memref_squeeze %dma_wait3A_26 : memref<1x128x128xf32, #tpu.memory_space<hbm>> -> memref<128x128xf32, #tpu.memory_space<hbm>>
          %dma_wait3A_28 = arith.constant 0 : i32
          %dma_wait3A_29 = arith.constant 0 : i32
          %dma_wait3A_30 = tpu.memref_slice %arg2[%add3A_15, %dma_wait3A_28, %dma_wait3A_29] : memref<1250x128x128xf32, #tpu.memory_space<hbm>> -> memref<1x128x128xf32, #tpu.memory_space<hbm>>
          %dma_wait3A_31 = tpu.memref_squeeze %dma_wait3A_30 : memref<1x128x128xf32, #tpu.memory_space<hbm>> -> memref<128x128xf32, #tpu.memory_space<hbm>>
          tpu.wait_dma2 semaphore(%run_scoped3A : memref<!tpu.dma_semaphore, #tpu.memory_space<semaphore_mem>>) src(%dma_wait3A_31 : memref<128x128xf32, #tpu.memory_space<hbm>>) dst(%arg7 : memref<128x128xf32, #tpu.memory_space<vmem>>)
          tpu.yield
        }) : () -> ()
        "tpu.region"() ({
          %run_scoped3A = tpu.sem_alloc : memref<!tpu.dma_semaphore, #tpu.memory_space<semaphore_mem>>
          %dma_start3A = arith.constant 0 : i32
          %dma_start3A_18 = arith.constant 0 : i32
          %dma_start3A_19 = tpu.memref_slice %arg8[%dma_start3A, %dma_start3A_18] : memref<10112x128xf32, #tpu.memory_space<vmem_shared>> -> memref<10112x128xf32, #tpu.memory_space<vmem_shared>>
          tpu.enqueue_indirect_dma source(%arg7 : memref<128x128xf32, #tpu.memory_space<vmem>>) target(%dma_start3A_19 : memref<10112x128xf32, #tpu.memory_space<vmem_shared>>) offsets(%arg6 : memref<128xi32, #tpu.memory_space<vmem>>) semaphore(%run_scoped3A : memref<!tpu.dma_semaphore, #tpu.memory_space<semaphore_mem>>) {add = true}
          %dma_wait3A = arith.constant 0 : i32
          %dma_wait3A_20 = arith.constant 0 : i32
          %dma_wait3A_21 = tpu.memref_slice %arg8[%dma_wait3A, %dma_wait3A_20] : memref<10112x128xf32, #tpu.memory_space<vmem_shared>> -> memref<10112x128xf32, #tpu.memory_space<vmem_shared>>
          tpu.wait_indirect_dma semaphore(%run_scoped3A : memref<!tpu.dma_semaphore, #tpu.memory_space<semaphore_mem>>) src(%arg7 : memref<128x128xf32, #tpu.memory_space<vmem>>) dst(%dma_wait3A_21 : memref<10112x128xf32, #tpu.memory_space<vmem_shared>>)
          tpu.yield
        }) : () -> ()
      } else {
      }
    }
    %scan3A_7 = arith.constant 40 : i32
    %barrier3A_8 = arith.constant 0 : index
    tpu.barrier barrier_id(%barrier3A_8)
    %mul3A_9 = arith.constant 10112 : i32
    %mul3A_10 = arith.muli %arg0, %mul3A_9 : i32
    %add3A_11 = arith.addi %mul3A_10, %mul3A_2 : i32
    "tpu.region"() ({
      %run_scoped3A = tpu.sem_alloc : memref<!tpu.dma_semaphore, #tpu.memory_space<semaphore_mem>>
      %dma_start3A = arith.constant 0 : i32
      %dma_start3A_12 = tpu.memref_slice %arg5[%add3A_11, %dma_start3A] : memref<20224x128xf32, #tpu.memory_space<hbm>> -> memref<632x128xf32, #tpu.memory_space<hbm>>
      %dma_start3A_13 = arith.constant 0 : i32
      %dma_start3A_14 = tpu.memref_slice %arg8[%mul3A_2, %dma_start3A_13] : memref<10112x128xf32, #tpu.memory_space<vmem_shared>> -> memref<632x128xf32, #tpu.memory_space<vmem_shared>>
      tpu.enqueue_dma source(%dma_start3A_14 : memref<632x128xf32, #tpu.memory_space<vmem_shared>>) target(%dma_start3A_12 : memref<632x128xf32, #tpu.memory_space<hbm>>) target_semaphore(%run_scoped3A : memref<!tpu.dma_semaphore, #tpu.memory_space<semaphore_mem>>)
      %dma_wait3A = arith.constant 0 : i32
      %dma_wait3A_15 = tpu.memref_slice %arg5[%add3A_11, %dma_wait3A] : memref<20224x128xf32, #tpu.memory_space<hbm>> -> memref<632x128xf32, #tpu.memory_space<hbm>>
      %dma_wait3A_16 = arith.constant 0 : i32
      %dma_wait3A_17 = tpu.memref_slice %arg8[%mul3A_2, %dma_wait3A_16] : memref<10112x128xf32, #tpu.memory_space<vmem_shared>> -> memref<632x128xf32, #tpu.memory_space<vmem_shared>>
      tpu.wait_dma2 semaphore(%run_scoped3A : memref<!tpu.dma_semaphore, #tpu.memory_space<semaphore_mem>>) src(%dma_wait3A_17 : memref<632x128xf32, #tpu.memory_space<vmem_shared>>) dst(%dma_wait3A_15 : memref<632x128xf32, #tpu.memory_space<hbm>>)
      tpu.yield
    }) : () -> ()
    return
  }
}

#map = affine_map<(d0, d1) -> (0, 0)>
module attributes {stable_mosaic.version = 14 : i64} {
  func.func @_sc_gather_edge(%arg0: i32, %arg1: i32, %arg2: memref<10000x256xf32, #tpu.memory_space<hbm>>, %arg3: memref<10000x256xf32, #tpu.memory_space<hbm>>, %arg4: memref<1250x128xi32, #tpu.memory_space<hbm>>, %arg5: memref<1250x128xi32, #tpu.memory_space<hbm>>, %arg6: memref<160000x256xf32, #tpu.memory_space<hbm>>, %arg7: memref<128xi32, #tpu.memory_space<vmem>>, %arg8: memref<128xi32, #tpu.memory_space<vmem>>, %arg9: memref<128x256xf32, #tpu.memory_space<vmem>>, %arg10: memref<128x256xf32, #tpu.memory_space<vmem>>, %arg11: memref<!tpu.dma_semaphore, #tpu.memory_space<semaphore_mem>>, %arg12: memref<!tpu.dma_semaphore, #tpu.memory_space<semaphore_mem>>) attributes {dimension_semantics = [#tpu.dimension_semantics<core_parallel>, #tpu.dimension_semantics<subcore_parallel>], iteration_bounds = array<i64: 2, 16>, scalar_prefetch = 0 : i64, scratch_operands = 6 : i64, tpu.core_type = #tpu.core_type<sc_vector_subcore>, window_params = [{transform_indices = #map}, {transform_indices = #map}, {transform_indices = #map}, {transform_indices = #map}, {transform_indices = #map}]} {
    %mul3A = arith.constant 2 : i32
    %mul3A_0 = arith.muli %arg1, %mul3A : i32
    %add3A = arith.addi %mul3A_0, %arg0 : i32
    %scan3A = arith.constant 0 : i32
    %scan3A_1 = arith.constant 0 : i32
    %scan3A_2 = arith.constant 40 : i32
    %scan3A_3 = arith.addi %scan3A_1, %scan3A_2 : i32
    %scan3A_4 = arith.constant 1 : i32
    scf.for %scan3A_6 = %scan3A_1 to %scan3A_3 step %scan3A_4  : i32 {
      %mul3A_7 = arith.constant 32 : i32
      %mul3A_8 = arith.muli %mul3A_7, %scan3A_6 : i32
      %add3A_9 = arith.addi %add3A, %mul3A_8 : i32
      %lt3A = arith.constant 1250 : i32
      %lt3A_10 = arith.cmpi slt, %add3A_9, %lt3A : i32
      %convert_element_type3A = arith.extui %lt3A_10 : i1 to i32
      %cond3A = arith.constant 0 : i32
      %cond3A_11 = arith.cmpi ne, %convert_element_type3A, %cond3A : i32
      scf.if %cond3A_11 {
        "tpu.region"() ({
          %run_scoped3A = tpu.sem_alloc : memref<!tpu.dma_semaphore, #tpu.memory_space<semaphore_mem>>
          %dma_start3A_30 = arith.constant 0 : i32
          %dma_start3A_31 = tpu.memref_slice %arg4[%add3A_9, %dma_start3A_30] : memref<1250x128xi32, #tpu.memory_space<hbm>> -> memref<1x128xi32, #tpu.memory_space<hbm>>
          %dma_start3A_32 = tpu.memref_squeeze %dma_start3A_31 : memref<1x128xi32, #tpu.memory_space<hbm>> -> memref<128xi32, #tpu.memory_space<hbm>>
          %dma_start3A_33 = arith.constant 0 : i32
          %dma_start3A_34 = tpu.memref_slice %arg4[%add3A_9, %dma_start3A_33] : memref<1250x128xi32, #tpu.memory_space<hbm>> -> memref<1x128xi32, #tpu.memory_space<hbm>>
          %dma_start3A_35 = tpu.memref_squeeze %dma_start3A_34 : memref<1x128xi32, #tpu.memory_space<hbm>> -> memref<128xi32, #tpu.memory_space<hbm>>
          tpu.enqueue_dma source(%dma_start3A_35 : memref<128xi32, #tpu.memory_space<hbm>>) target(%arg7 : memref<128xi32, #tpu.memory_space<vmem>>) target_semaphore(%run_scoped3A : memref<!tpu.dma_semaphore, #tpu.memory_space<semaphore_mem>>)
          %dma_wait3A_36 = arith.constant 0 : i32
          %dma_wait3A_37 = tpu.memref_slice %arg4[%add3A_9, %dma_wait3A_36] : memref<1250x128xi32, #tpu.memory_space<hbm>> -> memref<1x128xi32, #tpu.memory_space<hbm>>
          %dma_wait3A_38 = tpu.memref_squeeze %dma_wait3A_37 : memref<1x128xi32, #tpu.memory_space<hbm>> -> memref<128xi32, #tpu.memory_space<hbm>>
          %dma_wait3A_39 = arith.constant 0 : i32
          %dma_wait3A_40 = tpu.memref_slice %arg4[%add3A_9, %dma_wait3A_39] : memref<1250x128xi32, #tpu.memory_space<hbm>> -> memref<1x128xi32, #tpu.memory_space<hbm>>
          %dma_wait3A_41 = tpu.memref_squeeze %dma_wait3A_40 : memref<1x128xi32, #tpu.memory_space<hbm>> -> memref<128xi32, #tpu.memory_space<hbm>>
          tpu.wait_dma2 semaphore(%run_scoped3A : memref<!tpu.dma_semaphore, #tpu.memory_space<semaphore_mem>>) src(%dma_wait3A_41 : memref<128xi32, #tpu.memory_space<hbm>>) dst(%arg7 : memref<128xi32, #tpu.memory_space<vmem>>)
          tpu.yield
        }) : () -> ()
        "tpu.region"() ({
          %run_scoped3A = tpu.sem_alloc : memref<!tpu.dma_semaphore, #tpu.memory_space<semaphore_mem>>
          %dma_start3A_30 = arith.constant 0 : i32
          %dma_start3A_31 = tpu.memref_slice %arg5[%add3A_9, %dma_start3A_30] : memref<1250x128xi32, #tpu.memory_space<hbm>> -> memref<1x128xi32, #tpu.memory_space<hbm>>
          %dma_start3A_32 = tpu.memref_squeeze %dma_start3A_31 : memref<1x128xi32, #tpu.memory_space<hbm>> -> memref<128xi32, #tpu.memory_space<hbm>>
          %dma_start3A_33 = arith.constant 0 : i32
          %dma_start3A_34 = tpu.memref_slice %arg5[%add3A_9, %dma_start3A_33] : memref<1250x128xi32, #tpu.memory_space<hbm>> -> memref<1x128xi32, #tpu.memory_space<hbm>>
          %dma_start3A_35 = tpu.memref_squeeze %dma_start3A_34 : memref<1x128xi32, #tpu.memory_space<hbm>> -> memref<128xi32, #tpu.memory_space<hbm>>
          tpu.enqueue_dma source(%dma_start3A_35 : memref<128xi32, #tpu.memory_space<hbm>>) target(%arg8 : memref<128xi32, #tpu.memory_space<vmem>>) target_semaphore(%run_scoped3A : memref<!tpu.dma_semaphore, #tpu.memory_space<semaphore_mem>>)
          %dma_wait3A_36 = arith.constant 0 : i32
          %dma_wait3A_37 = tpu.memref_slice %arg5[%add3A_9, %dma_wait3A_36] : memref<1250x128xi32, #tpu.memory_space<hbm>> -> memref<1x128xi32, #tpu.memory_space<hbm>>
          %dma_wait3A_38 = tpu.memref_squeeze %dma_wait3A_37 : memref<1x128xi32, #tpu.memory_space<hbm>> -> memref<128xi32, #tpu.memory_space<hbm>>
          %dma_wait3A_39 = arith.constant 0 : i32
          %dma_wait3A_40 = tpu.memref_slice %arg5[%add3A_9, %dma_wait3A_39] : memref<1250x128xi32, #tpu.memory_space<hbm>> -> memref<1x128xi32, #tpu.memory_space<hbm>>
          %dma_wait3A_41 = tpu.memref_squeeze %dma_wait3A_40 : memref<1x128xi32, #tpu.memory_space<hbm>> -> memref<128xi32, #tpu.memory_space<hbm>>
          tpu.wait_dma2 semaphore(%run_scoped3A : memref<!tpu.dma_semaphore, #tpu.memory_space<semaphore_mem>>) src(%dma_wait3A_41 : memref<128xi32, #tpu.memory_space<hbm>>) dst(%arg8 : memref<128xi32, #tpu.memory_space<vmem>>)
          tpu.yield
        }) : () -> ()
        %dma_start3A = arith.constant 0 : i32
        %dma_start3A_12 = arith.constant 0 : i32
        %dma_start3A_13 = tpu.memref_slice %arg2[%dma_start3A, %dma_start3A_12] : memref<10000x256xf32, #tpu.memory_space<hbm>> -> memref<10000x256xf32, #tpu.memory_space<hbm>>
        tpu.enqueue_indirect_dma source(%dma_start3A_13 : memref<10000x256xf32, #tpu.memory_space<hbm>>) target(%arg9 : memref<128x256xf32, #tpu.memory_space<vmem>>) offsets(%arg7 : memref<128xi32, #tpu.memory_space<vmem>>) semaphore(%arg11 : memref<!tpu.dma_semaphore, #tpu.memory_space<semaphore_mem>>)
        %dma_start3A_14 = arith.constant 0 : i32
        %dma_start3A_15 = arith.constant 0 : i32
        %dma_start3A_16 = tpu.memref_slice %arg3[%dma_start3A_14, %dma_start3A_15] : memref<10000x256xf32, #tpu.memory_space<hbm>> -> memref<10000x256xf32, #tpu.memory_space<hbm>>
        tpu.enqueue_indirect_dma source(%dma_start3A_16 : memref<10000x256xf32, #tpu.memory_space<hbm>>) target(%arg10 : memref<128x256xf32, #tpu.memory_space<vmem>>) offsets(%arg8 : memref<128xi32, #tpu.memory_space<vmem>>) semaphore(%arg12 : memref<!tpu.dma_semaphore, #tpu.memory_space<semaphore_mem>>)
        %dma_wait3A = arith.constant 0 : i32
        %dma_wait3A_17 = arith.constant 0 : i32
        %dma_wait3A_18 = tpu.memref_slice %arg2[%dma_wait3A, %dma_wait3A_17] : memref<10000x256xf32, #tpu.memory_space<hbm>> -> memref<10000x256xf32, #tpu.memory_space<hbm>>
        tpu.wait_indirect_dma semaphore(%arg11 : memref<!tpu.dma_semaphore, #tpu.memory_space<semaphore_mem>>) src(%dma_wait3A_18 : memref<10000x256xf32, #tpu.memory_space<hbm>>) dst(%arg9 : memref<128x256xf32, #tpu.memory_space<vmem>>)
        %dma_wait3A_19 = arith.constant 0 : i32
        %dma_wait3A_20 = arith.constant 0 : i32
        %dma_wait3A_21 = tpu.memref_slice %arg3[%dma_wait3A_19, %dma_wait3A_20] : memref<10000x256xf32, #tpu.memory_space<hbm>> -> memref<10000x256xf32, #tpu.memory_space<hbm>>
        tpu.wait_indirect_dma semaphore(%arg12 : memref<!tpu.dma_semaphore, #tpu.memory_space<semaphore_mem>>) src(%dma_wait3A_21 : memref<10000x256xf32, #tpu.memory_space<hbm>>) dst(%arg10 : memref<128x256xf32, #tpu.memory_space<vmem>>)
        %scan3A_22 = arith.constant 0 : i32
        %scan3A_23 = arith.constant 0 : i32
        %scan3A_24 = arith.constant 128 : i32
        %scan3A_25 = arith.addi %scan3A_23, %scan3A_24 : i32
        %scan3A_26 = arith.constant 1 : i32
        scf.for %scan3A_30 = %scan3A_23 to %scan3A_25 step %scan3A_26  : i32 {
          %get3A = arith.index_cast %scan3A_30 : i32 to index
          %get3A_31 = arith.constant 0 : index
          %get3A_32 = tpu.vector_load %arg9[%get3A, %get3A_31] {strides = array<i32>} : memref<128x256xf32, #tpu.memory_space<vmem>>, vector<1x16xf32>,
          %get3A_33 = vector.shape_cast %get3A_32 : vector<1x16xf32> to vector<16xf32>
          %get3A_34 = arith.index_cast %scan3A_30 : i32 to index
          %get3A_35 = arith.constant 0 : index
          %get3A_36 = tpu.vector_load %arg10[%get3A_34, %get3A_35] {strides = array<i32>} : memref<128x256xf32, #tpu.memory_space<vmem>>, vector<1x16xf32>,
          %get3A_37 = vector.shape_cast %get3A_36 : vector<1x16xf32> to vector<16xf32>
          %add3A_38 = arith.addf %get3A_33, %get3A_37 : vector<16xf32>
          %swap3A = arith.index_cast %scan3A_30 : i32 to index
          %swap3A_39 = arith.constant 0 : index
          %swap3A_40 = tpu.vector_load %arg9[%swap3A, %swap3A_39] {strides = array<i32>} : memref<128x256xf32, #tpu.memory_space<vmem>>, vector<1x16xf32>,
          %swap3A_41 = vector.shape_cast %swap3A_40 : vector<1x16xf32> to vector<16xf32>
          %swap3A_42 = vector.shape_cast %add3A_38 : vector<16xf32> to vector<1x16xf32>
          tpu.vector_store %arg9[%swap3A, %swap3A_39], %swap3A_42 {strides = array<i32>} : memref<128x256xf32, #tpu.memory_space<vmem>>, vector<1x16xf32>,
          %get3A_43 = arith.index_cast %scan3A_30 : i32 to index
          %get3A_44 = arith.constant 16 : index
          %get3A_45 = tpu.vector_load %arg9[%get3A_43, %get3A_44] {strides = array<i32>} : memref<128x256xf32, #tpu.memory_space<vmem>>, vector<1x16xf32>,
          %get3A_46 = vector.shape_cast %get3A_45 : vector<1x16xf32> to vector<16xf32>
          %get3A_47 = arith.index_cast %scan3A_30 : i32 to index
          %get3A_48 = arith.constant 16 : index
          %get3A_49 = tpu.vector_load %arg10[%get3A_47, %get3A_48] {strides = array<i32>} : memref<128x256xf32, #tpu.memory_space<vmem>>, vector<1x16xf32>,
          %get3A_50 = vector.shape_cast %get3A_49 : vector<1x16xf32> to vector<16xf32>
          %add3A_51 = arith.addf %get3A_46, %get3A_50 : vector<16xf32>
          %swap3A_52 = arith.index_cast %scan3A_30 : i32 to index
          %swap3A_53 = arith.constant 16 : index
          %swap3A_54 = tpu.vector_load %arg9[%swap3A_52, %swap3A_53] {strides = array<i32>} : memref<128x256xf32, #tpu.memory_space<vmem>>, vector<1x16xf32>,
          %swap3A_55 = vector.shape_cast %swap3A_54 : vector<1x16xf32> to vector<16xf32>
          %swap3A_56 = vector.shape_cast %add3A_51 : vector<16xf32> to vector<1x16xf32>
          tpu.vector_store %arg9[%swap3A_52, %swap3A_53], %swap3A_56 {strides = array<i32>} : memref<128x256xf32, #tpu.memory_space<vmem>>, vector<1x16xf32>,
          %get3A_57 = arith.index_cast %scan3A_30 : i32 to index
          %get3A_58 = arith.constant 32 : index
          %get3A_59 = tpu.vector_load %arg9[%get3A_57, %get3A_58] {strides = array<i32>} : memref<128x256xf32, #tpu.memory_space<vmem>>, vector<1x16xf32>,
          %get3A_60 = vector.shape_cast %get3A_59 : vector<1x16xf32> to vector<16xf32>
          %get3A_61 = arith.index_cast %scan3A_30 : i32 to index
          %get3A_62 = arith.constant 32 : index
          %get3A_63 = tpu.vector_load %arg10[%get3A_61, %get3A_62] {strides = array<i32>} : memref<128x256xf32, #tpu.memory_space<vmem>>, vector<1x16xf32>,
          %get3A_64 = vector.shape_cast %get3A_63 : vector<1x16xf32> to vector<16xf32>
          %add3A_65 = arith.addf %get3A_60, %get3A_64 : vector<16xf32>
          %swap3A_66 = arith.index_cast %scan3A_30 : i32 to index
          %swap3A_67 = arith.constant 32 : index
          %swap3A_68 = tpu.vector_load %arg9[%swap3A_66, %swap3A_67] {strides = array<i32>} : memref<128x256xf32, #tpu.memory_space<vmem>>, vector<1x16xf32>,
          %swap3A_69 = vector.shape_cast %swap3A_68 : vector<1x16xf32> to vector<16xf32>
          %swap3A_70 = vector.shape_cast %add3A_65 : vector<16xf32> to vector<1x16xf32>
          tpu.vector_store %arg9[%swap3A_66, %swap3A_67], %swap3A_70 {strides = array<i32>} : memref<128x256xf32, #tpu.memory_space<vmem>>, vector<1x16xf32>,
          %get3A_71 = arith.index_cast %scan3A_30 : i32 to index
          %get3A_72 = arith.constant 48 : index
          %get3A_73 = tpu.vector_load %arg9[%get3A_71, %get3A_72] {strides = array<i32>} : memref<128x256xf32, #tpu.memory_space<vmem>>, vector<1x16xf32>,
          %get3A_74 = vector.shape_cast %get3A_73 : vector<1x16xf32> to vector<16xf32>
          %get3A_75 = arith.index_cast %scan3A_30 : i32 to index
          %get3A_76 = arith.constant 48 : index
          %get3A_77 = tpu.vector_load %arg10[%get3A_75, %get3A_76] {strides = array<i32>} : memref<128x256xf32, #tpu.memory_space<vmem>>, vector<1x16xf32>,
          %get3A_78 = vector.shape_cast %get3A_77 : vector<1x16xf32> to vector<16xf32>
          %add3A_79 = arith.addf %get3A_74, %get3A_78 : vector<16xf32>
          %swap3A_80 = arith.index_cast %scan3A_30 : i32 to index
          %swap3A_81 = arith.constant 48 : index
          %swap3A_82 = tpu.vector_load %arg9[%swap3A_80, %swap3A_81] {strides = array<i32>} : memref<128x256xf32, #tpu.memory_space<vmem>>, vector<1x16xf32>,
          %swap3A_83 = vector.shape_cast %swap3A_82 : vector<1x16xf32> to vector<16xf32>
          %swap3A_84 = vector.shape_cast %add3A_79 : vector<16xf32> to vector<1x16xf32>
          tpu.vector_store %arg9[%swap3A_80, %swap3A_81], %swap3A_84 {strides = array<i32>} : memref<128x256xf32, #tpu.memory_space<vmem>>, vector<1x16xf32>,
          %get3A_85 = arith.index_cast %scan3A_30 : i32 to index
          %get3A_86 = arith.constant 64 : index
          %get3A_87 = tpu.vector_load %arg9[%get3A_85, %get3A_86] {strides = array<i32>} : memref<128x256xf32, #tpu.memory_space<vmem>>, vector<1x16xf32>,
          %get3A_88 = vector.shape_cast %get3A_87 : vector<1x16xf32> to vector<16xf32>
          %get3A_89 = arith.index_cast %scan3A_30 : i32 to index
          %get3A_90 = arith.constant 64 : index
          %get3A_91 = tpu.vector_load %arg10[%get3A_89, %get3A_90] {strides = array<i32>} : memref<128x256xf32, #tpu.memory_space<vmem>>, vector<1x16xf32>,
          %get3A_92 = vector.shape_cast %get3A_91 : vector<1x16xf32> to vector<16xf32>
          %add3A_93 = arith.addf %get3A_88, %get3A_92 : vector<16xf32>
          %swap3A_94 = arith.index_cast %scan3A_30 : i32 to index
          %swap3A_95 = arith.constant 64 : index
          %swap3A_96 = tpu.vector_load %arg9[%swap3A_94, %swap3A_95] {strides = array<i32>} : memref<128x256xf32, #tpu.memory_space<vmem>>, vector<1x16xf32>,
          %swap3A_97 = vector.shape_cast %swap3A_96 : vector<1x16xf32> to vector<16xf32>
          %swap3A_98 = vector.shape_cast %add3A_93 : vector<16xf32> to vector<1x16xf32>
          tpu.vector_store %arg9[%swap3A_94, %swap3A_95], %swap3A_98 {strides = array<i32>} : memref<128x256xf32, #tpu.memory_space<vmem>>, vector<1x16xf32>,
          %get3A_99 = arith.index_cast %scan3A_30 : i32 to index
          %get3A_100 = arith.constant 80 : index
          %get3A_101 = tpu.vector_load %arg9[%get3A_99, %get3A_100] {strides = array<i32>} : memref<128x256xf32, #tpu.memory_space<vmem>>, vector<1x16xf32>,
          %get3A_102 = vector.shape_cast %get3A_101 : vector<1x16xf32> to vector<16xf32>
          %get3A_103 = arith.index_cast %scan3A_30 : i32 to index
          %get3A_104 = arith.constant 80 : index
          %get3A_105 = tpu.vector_load %arg10[%get3A_103, %get3A_104] {strides = array<i32>} : memref<128x256xf32, #tpu.memory_space<vmem>>, vector<1x16xf32>,
          %get3A_106 = vector.shape_cast %get3A_105 : vector<1x16xf32> to vector<16xf32>
          %add3A_107 = arith.addf %get3A_102, %get3A_106 : vector<16xf32>
          %swap3A_108 = arith.index_cast %scan3A_30 : i32 to index
          %swap3A_109 = arith.constant 80 : index
          %swap3A_110 = tpu.vector_load %arg9[%swap3A_108, %swap3A_109] {strides = array<i32>} : memref<128x256xf32, #tpu.memory_space<vmem>>, vector<1x16xf32>,
          %swap3A_111 = vector.shape_cast %swap3A_110 : vector<1x16xf32> to vector<16xf32>
          %swap3A_112 = vector.shape_cast %add3A_107 : vector<16xf32> to vector<1x16xf32>
          tpu.vector_store %arg9[%swap3A_108, %swap3A_109], %swap3A_112 {strides = array<i32>} : memref<128x256xf32, #tpu.memory_space<vmem>>, vector<1x16xf32>,
          %get3A_113 = arith.index_cast %scan3A_30 : i32 to index
          %get3A_114 = arith.constant 96 : index
          %get3A_115 = tpu.vector_load %arg9[%get3A_113, %get3A_114] {strides = array<i32>} : memref<128x256xf32, #tpu.memory_space<vmem>>, vector<1x16xf32>,
          %get3A_116 = vector.shape_cast %get3A_115 : vector<1x16xf32> to vector<16xf32>
          %get3A_117 = arith.index_cast %scan3A_30 : i32 to index
          %get3A_118 = arith.constant 96 : index
          %get3A_119 = tpu.vector_load %arg10[%get3A_117, %get3A_118] {strides = array<i32>} : memref<128x256xf32, #tpu.memory_space<vmem>>, vector<1x16xf32>,
          %get3A_120 = vector.shape_cast %get3A_119 : vector<1x16xf32> to vector<16xf32>
          %add3A_121 = arith.addf %get3A_116, %get3A_120 : vector<16xf32>
          %swap3A_122 = arith.index_cast %scan3A_30 : i32 to index
          %swap3A_123 = arith.constant 96 : index
          %swap3A_124 = tpu.vector_load %arg9[%swap3A_122, %swap3A_123] {strides = array<i32>} : memref<128x256xf32, #tpu.memory_space<vmem>>, vector<1x16xf32>,
          %swap3A_125 = vector.shape_cast %swap3A_124 : vector<1x16xf32> to vector<16xf32>
          %swap3A_126 = vector.shape_cast %add3A_121 : vector<16xf32> to vector<1x16xf32>
          tpu.vector_store %arg9[%swap3A_122, %swap3A_123], %swap3A_126 {strides = array<i32>} : memref<128x256xf32, #tpu.memory_space<vmem>>, vector<1x16xf32>,
          %get3A_127 = arith.index_cast %scan3A_30 : i32 to index
          %get3A_128 = arith.constant 112 : index
          %get3A_129 = tpu.vector_load %arg9[%get3A_127, %get3A_128] {strides = array<i32>} : memref<128x256xf32, #tpu.memory_space<vmem>>, vector<1x16xf32>,
          %get3A_130 = vector.shape_cast %get3A_129 : vector<1x16xf32> to vector<16xf32>
          %get3A_131 = arith.index_cast %scan3A_30 : i32 to index
          %get3A_132 = arith.constant 112 : index
          %get3A_133 = tpu.vector_load %arg10[%get3A_131, %get3A_132] {strides = array<i32>} : memref<128x256xf32, #tpu.memory_space<vmem>>, vector<1x16xf32>,
          %get3A_134 = vector.shape_cast %get3A_133 : vector<1x16xf32> to vector<16xf32>
          %add3A_135 = arith.addf %get3A_130, %get3A_134 : vector<16xf32>
          %swap3A_136 = arith.index_cast %scan3A_30 : i32 to index
          %swap3A_137 = arith.constant 112 : index
          %swap3A_138 = tpu.vector_load %arg9[%swap3A_136, %swap3A_137] {strides = array<i32>} : memref<128x256xf32, #tpu.memory_space<vmem>>, vector<1x16xf32>,
          %swap3A_139 = vector.shape_cast %swap3A_138 : vector<1x16xf32> to vector<16xf32>
          %swap3A_140 = vector.shape_cast %add3A_135 : vector<16xf32> to vector<1x16xf32>
          tpu.vector_store %arg9[%swap3A_136, %swap3A_137], %swap3A_140 {strides = array<i32>} : memref<128x256xf32, #tpu.memory_space<vmem>>, vector<1x16xf32>,
          %get3A_141 = arith.index_cast %scan3A_30 : i32 to index
          %get3A_142 = arith.constant 128 : index
          %get3A_143 = tpu.vector_load %arg9[%get3A_141, %get3A_142] {strides = array<i32>} : memref<128x256xf32, #tpu.memory_space<vmem>>, vector<1x16xf32>,
          %get3A_144 = vector.shape_cast %get3A_143 : vector<1x16xf32> to vector<16xf32>
          %get3A_145 = arith.index_cast %scan3A_30 : i32 to index
          %get3A_146 = arith.constant 128 : index
          %get3A_147 = tpu.vector_load %arg10[%get3A_145, %get3A_146] {strides = array<i32>} : memref<128x256xf32, #tpu.memory_space<vmem>>, vector<1x16xf32>,
          %get3A_148 = vector.shape_cast %get3A_147 : vector<1x16xf32> to vector<16xf32>
          %add3A_149 = arith.addf %get3A_144, %get3A_148 : vector<16xf32>
          %swap3A_150 = arith.index_cast %scan3A_30 : i32 to index
          %swap3A_151 = arith.constant 128 : index
          %swap3A_152 = tpu.vector_load %arg9[%swap3A_150, %swap3A_151] {strides = array<i32>} : memref<128x256xf32, #tpu.memory_space<vmem>>, vector<1x16xf32>,
          %swap3A_153 = vector.shape_cast %swap3A_152 : vector<1x16xf32> to vector<16xf32>
          %swap3A_154 = vector.shape_cast %add3A_149 : vector<16xf32> to vector<1x16xf32>
          tpu.vector_store %arg9[%swap3A_150, %swap3A_151], %swap3A_154 {strides = array<i32>} : memref<128x256xf32, #tpu.memory_space<vmem>>, vector<1x16xf32>,
          %get3A_155 = arith.index_cast %scan3A_30 : i32 to index
          %get3A_156 = arith.constant 144 : index
          %get3A_157 = tpu.vector_load %arg9[%get3A_155, %get3A_156] {strides = array<i32>} : memref<128x256xf32, #tpu.memory_space<vmem>>, vector<1x16xf32>,
          %get3A_158 = vector.shape_cast %get3A_157 : vector<1x16xf32> to vector<16xf32>
          %get3A_159 = arith.index_cast %scan3A_30 : i32 to index
          %get3A_160 = arith.constant 144 : index
          %get3A_161 = tpu.vector_load %arg10[%get3A_159, %get3A_160] {strides = array<i32>} : memref<128x256xf32, #tpu.memory_space<vmem>>, vector<1x16xf32>,
          %get3A_162 = vector.shape_cast %get3A_161 : vector<1x16xf32> to vector<16xf32>
          %add3A_163 = arith.addf %get3A_158, %get3A_162 : vector<16xf32>
          %swap3A_164 = arith.index_cast %scan3A_30 : i32 to index
          %swap3A_165 = arith.constant 144 : index
          %swap3A_166 = tpu.vector_load %arg9[%swap3A_164, %swap3A_165] {strides = array<i32>} : memref<128x256xf32, #tpu.memory_space<vmem>>, vector<1x16xf32>,
          %swap3A_167 = vector.shape_cast %swap3A_166 : vector<1x16xf32> to vector<16xf32>
          %swap3A_168 = vector.shape_cast %add3A_163 : vector<16xf32> to vector<1x16xf32>
          tpu.vector_store %arg9[%swap3A_164, %swap3A_165], %swap3A_168 {strides = array<i32>} : memref<128x256xf32, #tpu.memory_space<vmem>>, vector<1x16xf32>,
          %get3A_169 = arith.index_cast %scan3A_30 : i32 to index
          %get3A_170 = arith.constant 160 : index
          %get3A_171 = tpu.vector_load %arg9[%get3A_169, %get3A_170] {strides = array<i32>} : memref<128x256xf32, #tpu.memory_space<vmem>>, vector<1x16xf32>,
          %get3A_172 = vector.shape_cast %get3A_171 : vector<1x16xf32> to vector<16xf32>
          %get3A_173 = arith.index_cast %scan3A_30 : i32 to index
          %get3A_174 = arith.constant 160 : index
          %get3A_175 = tpu.vector_load %arg10[%get3A_173, %get3A_174] {strides = array<i32>} : memref<128x256xf32, #tpu.memory_space<vmem>>, vector<1x16xf32>,
          %get3A_176 = vector.shape_cast %get3A_175 : vector<1x16xf32> to vector<16xf32>
          %add3A_177 = arith.addf %get3A_172, %get3A_176 : vector<16xf32>
          %swap3A_178 = arith.index_cast %scan3A_30 : i32 to index
          %swap3A_179 = arith.constant 160 : index
          %swap3A_180 = tpu.vector_load %arg9[%swap3A_178, %swap3A_179] {strides = array<i32>} : memref<128x256xf32, #tpu.memory_space<vmem>>, vector<1x16xf32>,
          %swap3A_181 = vector.shape_cast %swap3A_180 : vector<1x16xf32> to vector<16xf32>
          %swap3A_182 = vector.shape_cast %add3A_177 : vector<16xf32> to vector<1x16xf32>
          tpu.vector_store %arg9[%swap3A_178, %swap3A_179], %swap3A_182 {strides = array<i32>} : memref<128x256xf32, #tpu.memory_space<vmem>>, vector<1x16xf32>,
          %get3A_183 = arith.index_cast %scan3A_30 : i32 to index
          %get3A_184 = arith.constant 176 : index
          %get3A_185 = tpu.vector_load %arg9[%get3A_183, %get3A_184] {strides = array<i32>} : memref<128x256xf32, #tpu.memory_space<vmem>>, vector<1x16xf32>,
          %get3A_186 = vector.shape_cast %get3A_185 : vector<1x16xf32> to vector<16xf32>
          %get3A_187 = arith.index_cast %scan3A_30 : i32 to index
          %get3A_188 = arith.constant 176 : index
          %get3A_189 = tpu.vector_load %arg10[%get3A_187, %get3A_188] {strides = array<i32>} : memref<128x256xf32, #tpu.memory_space<vmem>>, vector<1x16xf32>,
          %get3A_190 = vector.shape_cast %get3A_189 : vector<1x16xf32> to vector<16xf32>
          %add3A_191 = arith.addf %get3A_186, %get3A_190 : vector<16xf32>
          %swap3A_192 = arith.index_cast %scan3A_30 : i32 to index
          %swap3A_193 = arith.constant 176 : index
          %swap3A_194 = tpu.vector_load %arg9[%swap3A_192, %swap3A_193] {strides = array<i32>} : memref<128x256xf32, #tpu.memory_space<vmem>>, vector<1x16xf32>,
          %swap3A_195 = vector.shape_cast %swap3A_194 : vector<1x16xf32> to vector<16xf32>
          %swap3A_196 = vector.shape_cast %add3A_191 : vector<16xf32> to vector<1x16xf32>
          tpu.vector_store %arg9[%swap3A_192, %swap3A_193], %swap3A_196 {strides = array<i32>} : memref<128x256xf32, #tpu.memory_space<vmem>>, vector<1x16xf32>,
          %get3A_197 = arith.index_cast %scan3A_30 : i32 to index
          %get3A_198 = arith.constant 192 : index
          %get3A_199 = tpu.vector_load %arg9[%get3A_197, %get3A_198] {strides = array<i32>} : memref<128x256xf32, #tpu.memory_space<vmem>>, vector<1x16xf32>,
          %get3A_200 = vector.shape_cast %get3A_199 : vector<1x16xf32> to vector<16xf32>
          %get3A_201 = arith.index_cast %scan3A_30 : i32 to index
          %get3A_202 = arith.constant 192 : index
          %get3A_203 = tpu.vector_load %arg10[%get3A_201, %get3A_202] {strides = array<i32>} : memref<128x256xf32, #tpu.memory_space<vmem>>, vector<1x16xf32>,
          %get3A_204 = vector.shape_cast %get3A_203 : vector<1x16xf32> to vector<16xf32>
          %add3A_205 = arith.addf %get3A_200, %get3A_204 : vector<16xf32>
          %swap3A_206 = arith.index_cast %scan3A_30 : i32 to index
          %swap3A_207 = arith.constant 192 : index
          %swap3A_208 = tpu.vector_load %arg9[%swap3A_206, %swap3A_207] {strides = array<i32>} : memref<128x256xf32, #tpu.memory_space<vmem>>, vector<1x16xf32>,
          %swap3A_209 = vector.shape_cast %swap3A_208 : vector<1x16xf32> to vector<16xf32>
          %swap3A_210 = vector.shape_cast %add3A_205 : vector<16xf32> to vector<1x16xf32>
          tpu.vector_store %arg9[%swap3A_206, %swap3A_207], %swap3A_210 {strides = array<i32>} : memref<128x256xf32, #tpu.memory_space<vmem>>, vector<1x16xf32>,
          %get3A_211 = arith.index_cast %scan3A_30 : i32 to index
          %get3A_212 = arith.constant 208 : index
          %get3A_213 = tpu.vector_load %arg9[%get3A_211, %get3A_212] {strides = array<i32>} : memref<128x256xf32, #tpu.memory_space<vmem>>, vector<1x16xf32>,
          %get3A_214 = vector.shape_cast %get3A_213 : vector<1x16xf32> to vector<16xf32>
          %get3A_215 = arith.index_cast %scan3A_30 : i32 to index
          %get3A_216 = arith.constant 208 : index
          %get3A_217 = tpu.vector_load %arg10[%get3A_215, %get3A_216] {strides = array<i32>} : memref<128x256xf32, #tpu.memory_space<vmem>>, vector<1x16xf32>,
          %get3A_218 = vector.shape_cast %get3A_217 : vector<1x16xf32> to vector<16xf32>
          %add3A_219 = arith.addf %get3A_214, %get3A_218 : vector<16xf32>
          %swap3A_220 = arith.index_cast %scan3A_30 : i32 to index
          %swap3A_221 = arith.constant 208 : index
          %swap3A_222 = tpu.vector_load %arg9[%swap3A_220, %swap3A_221] {strides = array<i32>} : memref<128x256xf32, #tpu.memory_space<vmem>>, vector<1x16xf32>,
          %swap3A_223 = vector.shape_cast %swap3A_222 : vector<1x16xf32> to vector<16xf32>
          %swap3A_224 = vector.shape_cast %add3A_219 : vector<16xf32> to vector<1x16xf32>
          tpu.vector_store %arg9[%swap3A_220, %swap3A_221], %swap3A_224 {strides = array<i32>} : memref<128x256xf32, #tpu.memory_space<vmem>>, vector<1x16xf32>,
          %get3A_225 = arith.index_cast %scan3A_30 : i32 to index
          %get3A_226 = arith.constant 224 : index
          %get3A_227 = tpu.vector_load %arg9[%get3A_225, %get3A_226] {strides = array<i32>} : memref<128x256xf32, #tpu.memory_space<vmem>>, vector<1x16xf32>,
          %get3A_228 = vector.shape_cast %get3A_227 : vector<1x16xf32> to vector<16xf32>
          %get3A_229 = arith.index_cast %scan3A_30 : i32 to index
          %get3A_230 = arith.constant 224 : index
          %get3A_231 = tpu.vector_load %arg10[%get3A_229, %get3A_230] {strides = array<i32>} : memref<128x256xf32, #tpu.memory_space<vmem>>, vector<1x16xf32>,
          %get3A_232 = vector.shape_cast %get3A_231 : vector<1x16xf32> to vector<16xf32>
          %add3A_233 = arith.addf %get3A_228, %get3A_232 : vector<16xf32>
          %swap3A_234 = arith.index_cast %scan3A_30 : i32 to index
          %swap3A_235 = arith.constant 224 : index
          %swap3A_236 = tpu.vector_load %arg9[%swap3A_234, %swap3A_235] {strides = array<i32>} : memref<128x256xf32, #tpu.memory_space<vmem>>, vector<1x16xf32>,
          %swap3A_237 = vector.shape_cast %swap3A_236 : vector<1x16xf32> to vector<16xf32>
          %swap3A_238 = vector.shape_cast %add3A_233 : vector<16xf32> to vector<1x16xf32>
          tpu.vector_store %arg9[%swap3A_234, %swap3A_235], %swap3A_238 {strides = array<i32>} : memref<128x256xf32, #tpu.memory_space<vmem>>, vector<1x16xf32>,
          %get3A_239 = arith.index_cast %scan3A_30 : i32 to index
          %get3A_240 = arith.constant 240 : index
          %get3A_241 = tpu.vector_load %arg9[%get3A_239, %get3A_240] {strides = array<i32>} : memref<128x256xf32, #tpu.memory_space<vmem>>, vector<1x16xf32>,
          %get3A_242 = vector.shape_cast %get3A_241 : vector<1x16xf32> to vector<16xf32>
          %get3A_243 = arith.index_cast %scan3A_30 : i32 to index
          %get3A_244 = arith.constant 240 : index
          %get3A_245 = tpu.vector_load %arg10[%get3A_243, %get3A_244] {strides = array<i32>} : memref<128x256xf32, #tpu.memory_space<vmem>>, vector<1x16xf32>,
          %get3A_246 = vector.shape_cast %get3A_245 : vector<1x16xf32> to vector<16xf32>
          %add3A_247 = arith.addf %get3A_242, %get3A_246 : vector<16xf32>
          %swap3A_248 = arith.index_cast %scan3A_30 : i32 to index
          %swap3A_249 = arith.constant 240 : index
          %swap3A_250 = tpu.vector_load %arg9[%swap3A_248, %swap3A_249] {strides = array<i32>} : memref<128x256xf32, #tpu.memory_space<vmem>>, vector<1x16xf32>,
          %swap3A_251 = vector.shape_cast %swap3A_250 : vector<1x16xf32> to vector<16xf32>
          %swap3A_252 = vector.shape_cast %add3A_247 : vector<16xf32> to vector<1x16xf32>
          tpu.vector_store %arg9[%swap3A_248, %swap3A_249], %swap3A_252 {strides = array<i32>} : memref<128x256xf32, #tpu.memory_space<vmem>>, vector<1x16xf32>,
        }
        %scan3A_27 = arith.constant 128 : i32
        %mul3A_28 = arith.constant 128 : i32
        %mul3A_29 = arith.muli %add3A_9, %mul3A_28 : i32
        "tpu.region"() ({
          %run_scoped3A = tpu.sem_alloc : memref<!tpu.dma_semaphore, #tpu.memory_space<semaphore_mem>>
          %dma_start3A_30 = arith.constant 0 : i32
          %dma_start3A_31 = tpu.memref_slice %arg6[%mul3A_29, %dma_start3A_30] : memref<160000x256xf32, #tpu.memory_space<hbm>> -> memref<128x256xf32, #tpu.memory_space<hbm>>
          %dma_start3A_32 = arith.constant 0 : i32
          %dma_start3A_33 = tpu.memref_slice %arg6[%mul3A_29, %dma_start3A_32] : memref<160000x256xf32, #tpu.memory_space<hbm>> -> memref<128x256xf32, #tpu.memory_space<hbm>>
          tpu.enqueue_dma source(%arg9 : memref<128x256xf32, #tpu.memory_space<vmem>>) target(%dma_start3A_33 : memref<128x256xf32, #tpu.memory_space<hbm>>) target_semaphore(%run_scoped3A : memref<!tpu.dma_semaphore, #tpu.memory_space<semaphore_mem>>)
          %dma_wait3A_34 = arith.constant 0 : i32
          %dma_wait3A_35 = tpu.memref_slice %arg6[%mul3A_29, %dma_wait3A_34] : memref<160000x256xf32, #tpu.memory_space<hbm>> -> memref<128x256xf32, #tpu.memory_space<hbm>>
          %dma_wait3A_36 = arith.constant 0 : i32
          %dma_wait3A_37 = tpu.memref_slice %arg6[%mul3A_29, %dma_wait3A_36] : memref<160000x256xf32, #tpu.memory_space<hbm>> -> memref<128x256xf32, #tpu.memory_space<hbm>>
          tpu.wait_dma2 semaphore(%run_scoped3A : memref<!tpu.dma_semaphore, #tpu.memory_space<semaphore_mem>>) src(%arg9 : memref<128x256xf32, #tpu.memory_space<vmem>>) dst(%dma_wait3A_37 : memref<128x256xf32, #tpu.memory_space<hbm>>)
          tpu.yield
        }) : () -> ()
      } else {
      }
    }
    %scan3A_5 = arith.constant 40 : i32
    return
  }
}

module attributes {stable_mosaic.version = 14 : i64} {
  func.func @_k1_body(%arg0: i32, %arg1: memref<1000x256xf32, #tpu.memory_space<vmem>>, %arg2: memref<1x1x1000xi32, #tpu.memory_space<vmem>>, %arg3: memref<8x128xf32, #tpu.memory_space<vmem>>, %arg4: memref<256x256xf32, #tpu.memory_space<vmem>>, %arg5: memref<256x256xf32, #tpu.memory_space<vmem>>, %arg6: memref<128x256xf32, #tpu.memory_space<vmem>>, %arg7: memref<1x256xf32, #tpu.memory_space<vmem>>, %arg8: memref<1000x256xf32, #tpu.memory_space<vmem>>, %arg9: memref<1000x256xf32, #tpu.memory_space<vmem>>) attributes {dimension_semantics = [#tpu.dimension_semantics<arbitrary>], iteration_bounds = array<i64: 10>, scalar_prefetch = 0 : i64, scratch_operands = 0 : i64, tpu.core_type = #tpu.core_type<tc>, window_params = [{transform_indices = @transform_0, window_bounds = array<i64: 1000, 256>}, {transform_indices = @transform_1, window_bounds = array<i64: 1, 1, 1000>}, {pipeline_mode = #tpu.pipeline_mode<synchronous>, transform_indices = @transform_2, window_bounds = array<i64: 8, 128>}, {pipeline_mode = #tpu.pipeline_mode<synchronous>, transform_indices = @transform_3, window_bounds = array<i64: 256, 256>}, {pipeline_mode = #tpu.pipeline_mode<synchronous>, transform_indices = @transform_4, window_bounds = array<i64: 256, 256>}, {pipeline_mode = #tpu.pipeline_mode<synchronous>, transform_indices = @transform_5, window_bounds = array<i64: 128, 256>}, {pipeline_mode = #tpu.pipeline_mode<synchronous>, transform_indices = @transform_6, window_bounds = array<i64: 1, 256>}, {transform_indices = @transform_7, window_bounds = array<i64: 1000, 256>}, {transform_indices = @transform_8, window_bounds = array<i64: 1000, 256>}]} {
    %get3A = arith.constant 0 : index
    %get3A_0 = arith.constant 0 : index
    %get3A_1 = vector.load %arg1[%get3A, %get3A_0] : memref<1000x256xf32, #tpu.memory_space<vmem>>, vector<1000x256xf32>
    %get3A_2 = arith.constant 0 : index
    %get3A_3 = arith.constant 0 : index
    %get3A_4 = vector.load %arg3[%get3A_2, %get3A_3] : memref<8x128xf32, #tpu.memory_space<vmem>>, vector<8x128xf32>
    %get3A_5 = arith.constant 0 : index
    %get3A_6 = arith.constant 0 : index
    %get3A_7 = vector.load %arg6[%get3A_5, %get3A_6] : memref<128x256xf32, #tpu.memory_space<vmem>>, vector<128x256xf32>
    %dot_general3A = arith.constant dense<0.000000e+00> : vector<8x256xf32>
    %dot_general3A_8 = tpu.matmul %get3A_4, %get3A_7, %dot_general3A {dimension_numbers = #tpu.dot_dimension_numbers<[1], [0], [0], [1], [0, 0, 1, 1], [], []>, transpose_lhs_hint = false} : vector<8x128xf32>, vector<128x256xf32>, vector<8x256xf32> -> vector<8x256xf32>
    %get3A_9 = arith.constant 0 : index
    %get3A_10 = arith.constant 0 : index
    %get3A_11 = vector.load %arg7[%get3A_9, %get3A_10] : memref<1x256xf32, #tpu.memory_space<vmem>>, vector<1x256xf32>
    %add3A = vector.broadcast %get3A_11 : vector<1x256xf32> to vector<8x256xf32>
    %add3A_12 = arith.addf %dot_general3A_8, %add3A : vector<8x256xf32>
    %get3A_13 = arith.constant 0 : index
    %get3A_14 = arith.constant 0 : index
    %get3A_15 = arith.constant 0 : index
    %get3A_16 = vector.load %arg2[%get3A_13, %get3A_14, %get3A_15] : memref<1x1x1000xi32, #tpu.memory_space<vmem>>, vector<1x1x1000xi32>
    %get3A_17 = vector.shape_cast %get3A_16 : vector<1x1x1000xi32> to vector<1000xi32>
    %broadcast_in_dim3A = vector.shape_cast %get3A_17 : vector<1000xi32> to vector<1000x1xi32>
    %iota3A = tpu.iota {dimensions = array<i32: 1>} : vector<1000x8xi32>
    %eq3A = vector.broadcast %broadcast_in_dim3A : vector<1000x1xi32> to vector<1000x8xi32>
    %eq3A_18 = arith.cmpi eq, %eq3A, %iota3A : vector<1000x8xi32>
    %convert_element_type3A = arith.extui %eq3A_18 : vector<1000x8xi1> to vector<1000x8xi32>
    %convert_element_type3A_19 = arith.sitofp %convert_element_type3A : vector<1000x8xi32> to vector<1000x8xf32>
    %get3A_20 = arith.constant 0 : index
    %get3A_21 = arith.constant 0 : index
    %get3A_22 = vector.load %arg4[%get3A_20, %get3A_21] : memref<256x256xf32, #tpu.memory_space<vmem>>, vector<256x256xf32>
    %dot_general3A_23 = arith.constant dense<0.000000e+00> : vector<1000x256xf32>
    %dot_general3A_24 = tpu.matmul %get3A_1, %get3A_22, %dot_general3A_23 {dimension_numbers = #tpu.dot_dimension_numbers<[1], [0], [0], [1], [0, 0, 1, 1], [], []>, transpose_lhs_hint = false} : vector<1000x256xf32>, vector<256x256xf32>, vector<1000x256xf32> -> vector<1000x256xf32>
    %dot_general3A_25 = arith.constant dense<0.000000e+00> : vector<1000x256xf32>
    %dot_general3A_26 = tpu.matmul %convert_element_type3A_19, %add3A_12, %dot_general3A_25 {dimension_numbers = #tpu.dot_dimension_numbers<[1], [0], [0], [1], [0, 0, 1, 1], [], []>, transpose_lhs_hint = false} : vector<1000x8xf32>, vector<8x256xf32>, vector<1000x256xf32> -> vector<1000x256xf32>
    %add3A_27 = arith.addf %dot_general3A_24, %dot_general3A_26 : vector<1000x256xf32>
    %swap3A = arith.constant 0 : index
    %swap3A_28 = arith.constant 0 : index
    %swap3A_29 = vector.load %arg8[%swap3A, %swap3A_28] : memref<1000x256xf32, #tpu.memory_space<vmem>>, vector<1000x256xf32>
    tpu.vector_store %arg8[%swap3A, %swap3A_28], %add3A_27 {strides = array<i32>} : memref<1000x256xf32, #tpu.memory_space<vmem>>, vector<1000x256xf32>,
    %get3A_30 = arith.constant 0 : index
    %get3A_31 = arith.constant 0 : index
    %get3A_32 = vector.load %arg5[%get3A_30, %get3A_31] : memref<256x256xf32, #tpu.memory_space<vmem>>, vector<256x256xf32>
    %dot_general3A_33 = arith.constant dense<0.000000e+00> : vector<1000x256xf32>
    %dot_general3A_34 = tpu.matmul %get3A_1, %get3A_32, %dot_general3A_33 {dimension_numbers = #tpu.dot_dimension_numbers<[1], [0], [0], [1], [0, 0, 1, 1], [], []>, transpose_lhs_hint = false} : vector<1000x256xf32>, vector<256x256xf32>, vector<1000x256xf32> -> vector<1000x256xf32>
    %swap3A_35 = arith.constant 0 : index
    %swap3A_36 = arith.constant 0 : index
    %swap3A_37 = vector.load %arg9[%swap3A_35, %swap3A_36] : memref<1000x256xf32, #tpu.memory_space<vmem>>, vector<1000x256xf32>
    tpu.vector_store %arg9[%swap3A_35, %swap3A_36], %dot_general3A_34 {strides = array<i32>} : memref<1000x256xf32, #tpu.memory_space<vmem>>, vector<1000x256xf32>,
    return
  }
  func.func @transform_0(%arg0: i32) -> (i32, i32) {
    %c0_i32 = arith.constant 0 : i32
    %c0_i32_0 = arith.constant 0 : i32
    return %arg0, %c0_i32 : i32, i32
  }
  func.func @transform_1(%arg0: i32) -> (i32, i32, i32) {
    %c0_i32 = arith.constant 0 : i32
    %c0_i32_0 = arith.constant 0 : i32
    %c0_i32_1 = arith.constant 0 : i32
    return %arg0, %c0_i32, %c0_i32_0 : i32, i32, i32
  }
  func.func @transform_2(%arg0: i32) -> (i32, i32) {
    %c0_i32 = arith.constant 0 : i32
    %c0_i32_0 = arith.constant 0 : i32
    %c0_i32_1 = arith.constant 0 : i32
    return %c0_i32, %c0_i32_0 : i32, i32
  }
  func.func @transform_3(%arg0: i32) -> (i32, i32) {
    %c0_i32 = arith.constant 0 : i32
    %c0_i32_0 = arith.constant 0 : i32
    %c0_i32_1 = arith.constant 0 : i32
    return %c0_i32, %c0_i32_0 : i32, i32
  }
  func.func @transform_4(%arg0: i32) -> (i32, i32) {
    %c0_i32 = arith.constant 0 : i32
    %c0_i32_0 = arith.constant 0 : i32
    %c0_i32_1 = arith.constant 0 : i32
    return %c0_i32, %c0_i32_0 : i32, i32
  }
  func.func @transform_5(%arg0: i32) -> (i32, i32) {
    %c0_i32 = arith.constant 0 : i32
    %c0_i32_0 = arith.constant 0 : i32
    %c0_i32_1 = arith.constant 0 : i32
    return %c0_i32, %c0_i32_0 : i32, i32
  }
  func.func @transform_6(%arg0: i32) -> (i32, i32) {
    %c0_i32 = arith.constant 0 : i32
    %c0_i32_0 = arith.constant 0 : i32
    %c0_i32_1 = arith.constant 0 : i32
    return %c0_i32, %c0_i32_0 : i32, i32
  }
  func.func @transform_7(%arg0: i32) -> (i32, i32) {
    %c0_i32 = arith.constant 0 : i32
    %c0_i32_0 = arith.constant 0 : i32
    return %arg0, %c0_i32 : i32, i32
  }
  func.func @transform_8(%arg0: i32) -> (i32, i32) {
    %c0_i32 = arith.constant 0 : i32
    %c0_i32_0 = arith.constant 0 : i32
    return %arg0, %c0_i32 : i32, i32
  }
}

module attributes {stable_mosaic.version = 14 : i64} {
  func.func @_att_body(%arg0: i32, %arg1: memref<2000x256xf32, #tpu.memory_space<vmem>>, %arg2: memref<2000x256xf32, #tpu.memory_space<vmem>>, %arg3: memref<2000x128xf32, #tpu.memory_space<vmem>>, %arg4: memref<2000x128xf32, #tpu.memory_space<vmem>>, %arg5: memref<2000x128xf32, #tpu.memory_space<vmem>>) attributes {dimension_semantics = [#tpu.dimension_semantics<arbitrary>], iteration_bounds = array<i64: 80>, scalar_prefetch = 0 : i64, scratch_operands = 0 : i64, tpu.core_type = #tpu.core_type<tc>, window_params = [{transform_indices = @transform_0, window_bounds = array<i64: 2000, 256>}, {transform_indices = @transform_1, window_bounds = array<i64: 2000, 256>}, {transform_indices = @transform_2, window_bounds = array<i64: 2000, 128>}, {transform_indices = @transform_3, window_bounds = array<i64: 2000, 128>}, {transform_indices = @transform_4, window_bounds = array<i64: 2000, 128>}]} {
    %get3A = arith.constant 0 : index
    %get3A_0 = arith.constant 0 : index
    %get3A_1 = vector.load %arg1[%get3A, %get3A_0] : memref<2000x256xf32, #tpu.memory_space<vmem>>, vector<2000x256xf32>
    %get3A_2 = arith.constant 0 : index
    %get3A_3 = arith.constant 0 : index
    %get3A_4 = vector.load %arg2[%get3A_2, %get3A_3] : memref<2000x256xf32, #tpu.memory_space<vmem>>, vector<2000x256xf32>
    %mul3A = arith.mulf %get3A_1, %get3A_4 : vector<2000x256xf32>
    %reduce_sum3A = arith.constant dense<0.000000e+00> : vector<2000xf32>
    %reduce_sum3A_5 = vector.multi_reduction <add>, %mul3A, %reduce_sum3A [1] : vector<2000x256xf32> to vector<2000xf32>
    %broadcast_in_dim3A = vector.shape_cast %reduce_sum3A_5 : vector<2000xf32> to vector<2000x1xf32>
    %mul3A_6 = arith.mulf %get3A_1, %get3A_1 : vector<2000x256xf32>
    %reduce_sum3A_7 = arith.constant dense<0.000000e+00> : vector<2000xf32>
    %reduce_sum3A_8 = vector.multi_reduction <add>, %mul3A_6, %reduce_sum3A_7 [1] : vector<2000x256xf32> to vector<2000xf32>
    %broadcast_in_dim3A_9 = vector.shape_cast %reduce_sum3A_8 : vector<2000xf32> to vector<2000x1xf32>
    %mul3A_10 = arith.mulf %get3A_4, %get3A_4 : vector<2000x256xf32>
    %reduce_sum3A_11 = arith.constant dense<0.000000e+00> : vector<2000xf32>
    %reduce_sum3A_12 = vector.multi_reduction <add>, %mul3A_10, %reduce_sum3A_11 [1] : vector<2000x256xf32> to vector<2000xf32>
    %broadcast_in_dim3A_13 = vector.shape_cast %reduce_sum3A_12 : vector<2000xf32> to vector<2000x1xf32>
    %sqrt3A = math.sqrt %broadcast_in_dim3A_9 : vector<2000x1xf32>
    %sqrt3A_14 = math.sqrt %broadcast_in_dim3A_13 : vector<2000x1xf32>
    %mul3A_15 = arith.mulf %sqrt3A, %sqrt3A_14 : vector<2000x1xf32>
    %add3A = arith.constant 9.99999993E-9 : f32
    %add3A_16 = vector.broadcast %add3A : f32 to vector<2000x1xf32>
    %add3A_17 = arith.addf %mul3A_15, %add3A_16 : vector<2000x1xf32>
    %div3A = arith.divf %broadcast_in_dim3A, %add3A_17 : vector<2000x1xf32>
    %exp3A = math.exp %div3A : vector<2000x1xf32>
    %iota3A = tpu.iota {dimensions = array<i32: 1>} : vector<2000x128xi32>
    %eq3A = arith.constant 0 : i32
    %eq3A_18 = vector.broadcast %eq3A : i32 to vector<2000x128xi32>
    %eq3A_19 = arith.cmpi eq, %iota3A, %eq3A_18 : vector<2000x128xi32>
    %convert_element_type3A = arith.extui %eq3A_19 : vector<2000x128xi1> to vector<2000x128xi32>
    %convert_element_type3A_20 = arith.sitofp %convert_element_type3A : vector<2000x128xi32> to vector<2000x128xf32>
    %slice3A = vector.extract_strided_slice %get3A_4 {offsets = [0, 0], sizes = [2000, 128], strides = [1, 1]} : vector<2000x256xf32> to vector<2000x128xf32>
    %mul3A_21 = vector.broadcast %exp3A : vector<2000x1xf32> to vector<2000x128xf32>
    %mul3A_22 = arith.mulf %mul3A_21, %slice3A : vector<2000x128xf32>
    %swap3A = arith.constant 0 : index
    %swap3A_23 = arith.constant 0 : index
    %swap3A_24 = vector.load %arg3[%swap3A, %swap3A_23] : memref<2000x128xf32, #tpu.memory_space<vmem>>, vector<2000x128xf32>
    tpu.vector_store %arg3[%swap3A, %swap3A_23], %mul3A_22 {strides = array<i32>} : memref<2000x128xf32, #tpu.memory_space<vmem>>, vector<2000x128xf32>,
    %slice3A_25 = vector.extract_strided_slice %get3A_4 {offsets = [0, 128], sizes = [2000, 128], strides = [1, 1]} : vector<2000x256xf32> to vector<2000x128xf32>
    %mul3A_26 = vector.broadcast %exp3A : vector<2000x1xf32> to vector<2000x128xf32>
    %mul3A_27 = arith.mulf %mul3A_26, %slice3A_25 : vector<2000x128xf32>
    %swap3A_28 = arith.constant 0 : index
    %swap3A_29 = arith.constant 0 : index
    %swap3A_30 = vector.load %arg4[%swap3A_28, %swap3A_29] : memref<2000x128xf32, #tpu.memory_space<vmem>>, vector<2000x128xf32>
    tpu.vector_store %arg4[%swap3A_28, %swap3A_29], %mul3A_27 {strides = array<i32>} : memref<2000x128xf32, #tpu.memory_space<vmem>>, vector<2000x128xf32>,
    %mul3A_31 = vector.broadcast %exp3A : vector<2000x1xf32> to vector<2000x128xf32>
    %mul3A_32 = arith.mulf %mul3A_31, %convert_element_type3A_20 : vector<2000x128xf32>
    %swap3A_33 = arith.constant 0 : index
    %swap3A_34 = arith.constant 0 : index
    %swap3A_35 = vector.load %arg5[%swap3A_33, %swap3A_34] : memref<2000x128xf32, #tpu.memory_space<vmem>>, vector<2000x128xf32>
    tpu.vector_store %arg5[%swap3A_33, %swap3A_34], %mul3A_32 {strides = array<i32>} : memref<2000x128xf32, #tpu.memory_space<vmem>>, vector<2000x128xf32>,
    return
  }
  func.func @transform_0(%arg0: i32) -> (i32, i32) {
    %c0_i32 = arith.constant 0 : i32
    %c0_i32_0 = arith.constant 0 : i32
    return %arg0, %c0_i32 : i32, i32
  }
  func.func @transform_1(%arg0: i32) -> (i32, i32) {
    %c0_i32 = arith.constant 0 : i32
    %c0_i32_0 = arith.constant 0 : i32
    return %arg0, %c0_i32 : i32, i32
  }
  func.func @transform_2(%arg0: i32) -> (i32, i32) {
    %c0_i32 = arith.constant 0 : i32
    %c0_i32_0 = arith.constant 0 : i32
    return %arg0, %c0_i32 : i32, i32
  }
  func.func @transform_3(%arg0: i32) -> (i32, i32) {
    %c0_i32 = arith.constant 0 : i32
    %c0_i32_0 = arith.constant 0 : i32
    return %arg0, %c0_i32 : i32, i32
  }
  func.func @transform_4(%arg0: i32) -> (i32, i32) {
    %c0_i32 = arith.constant 0 : i32
    %c0_i32_0 = arith.constant 0 : i32
    return %arg0, %c0_i32 : i32, i32
  }
}

module attributes {stable_mosaic.version = 14 : i64} {
  func.func @_edge_body(%arg0: i32, %arg1: memref<2000x256xf32, #tpu.memory_space<vmem>>, %arg2: memref<2000x16xf32, #tpu.memory_space<vmem>>, %arg3: memref<16x256xf32, #tpu.memory_space<vmem>>, %arg4: memref<256x128xf32, #tpu.memory_space<vmem>>, %arg5: memref<1x128xf32, #tpu.memory_space<vmem>>, %arg6: memref<2000x128xf32, #tpu.memory_space<vmem>>) attributes {dimension_semantics = [#tpu.dimension_semantics<arbitrary>], iteration_bounds = array<i64: 80>, scalar_prefetch = 0 : i64, scratch_operands = 0 : i64, tpu.core_type = #tpu.core_type<tc>, window_params = [{transform_indices = @transform_0, window_bounds = array<i64: 2000, 256>}, {transform_indices = @transform_1, window_bounds = array<i64: 2000, 16>}, {pipeline_mode = #tpu.pipeline_mode<synchronous>, transform_indices = @transform_2, window_bounds = array<i64: 16, 256>}, {pipeline_mode = #tpu.pipeline_mode<synchronous>, transform_indices = @transform_3, window_bounds = array<i64: 256, 128>}, {pipeline_mode = #tpu.pipeline_mode<synchronous>, transform_indices = @transform_4, window_bounds = array<i64: 1, 128>}, {transform_indices = @transform_5, window_bounds = array<i64: 2000, 128>}]} {
    %get3A = arith.constant 0 : index
    %get3A_0 = arith.constant 0 : index
    %get3A_1 = vector.load %arg1[%get3A, %get3A_0] : memref<2000x256xf32, #tpu.memory_space<vmem>>, vector<2000x256xf32>
    %get3A_2 = arith.constant 0 : index
    %get3A_3 = arith.constant 0 : index
    %get3A_4 = vector.load %arg2[%get3A_2, %get3A_3] : memref<2000x16xf32, #tpu.memory_space<vmem>>, vector<2000x16xf32>
    %get3A_5 = arith.constant 0 : index
    %get3A_6 = arith.constant 0 : index
    %get3A_7 = vector.load %arg3[%get3A_5, %get3A_6] : memref<16x256xf32, #tpu.memory_space<vmem>>, vector<16x256xf32>
    %dot_general3A = arith.constant dense<0.000000e+00> : vector<2000x256xf32>
    %dot_general3A_8 = tpu.matmul %get3A_4, %get3A_7, %dot_general3A {dimension_numbers = #tpu.dot_dimension_numbers<[1], [0], [0], [1], [0, 0, 1, 1], [], []>, transpose_lhs_hint = false} : vector<2000x16xf32>, vector<16x256xf32>, vector<2000x256xf32> -> vector<2000x256xf32>
    %add3A = arith.addf %get3A_1, %dot_general3A_8 : vector<2000x256xf32>
    %max3A = arith.constant 0.000000e+00 : f32
    %max3A_9 = vector.broadcast %max3A : f32 to vector<2000x256xf32>
    %max3A_10 = arith.maximumf %add3A, %max3A_9 : vector<2000x256xf32>
    %get3A_11 = arith.constant 0 : index
    %get3A_12 = arith.constant 0 : index
    %get3A_13 = vector.load %arg4[%get3A_11, %get3A_12] : memref<256x128xf32, #tpu.memory_space<vmem>>, vector<256x128xf32>
    %dot_general3A_14 = arith.constant dense<0.000000e+00> : vector<2000x128xf32>
    %dot_general3A_15 = tpu.matmul %max3A_10, %get3A_13, %dot_general3A_14 {dimension_numbers = #tpu.dot_dimension_numbers<[1], [0], [0], [1], [0, 0, 1, 1], [], []>, transpose_lhs_hint = false} : vector<2000x256xf32>, vector<256x128xf32>, vector<2000x128xf32> -> vector<2000x128xf32>
    %get3A_16 = arith.constant 0 : index
    %get3A_17 = arith.constant 0 : index
    %get3A_18 = vector.load %arg5[%get3A_16, %get3A_17] : memref<1x128xf32, #tpu.memory_space<vmem>>, vector<1x128xf32>
    %add3A_19 = vector.broadcast %get3A_18 : vector<1x128xf32> to vector<2000x128xf32>
    %add3A_20 = arith.addf %dot_general3A_15, %add3A_19 : vector<2000x128xf32>
    %swap3A = arith.constant 0 : index
    %swap3A_21 = arith.constant 0 : index
    %swap3A_22 = vector.load %arg6[%swap3A, %swap3A_21] : memref<2000x128xf32, #tpu.memory_space<vmem>>, vector<2000x128xf32>
    tpu.vector_store %arg6[%swap3A, %swap3A_21], %add3A_20 {strides = array<i32>} : memref<2000x128xf32, #tpu.memory_space<vmem>>, vector<2000x128xf32>,
    return
  }
  func.func @transform_0(%arg0: i32) -> (i32, i32) {
    %c0_i32 = arith.constant 0 : i32
    %c0_i32_0 = arith.constant 0 : i32
    return %arg0, %c0_i32 : i32, i32
  }
  func.func @transform_1(%arg0: i32) -> (i32, i32) {
    %c0_i32 = arith.constant 0 : i32
    %c0_i32_0 = arith.constant 0 : i32
    return %arg0, %c0_i32 : i32, i32
  }
  func.func @transform_2(%arg0: i32) -> (i32, i32) {
    %c0_i32 = arith.constant 0 : i32
    %c0_i32_0 = arith.constant 0 : i32
    %c0_i32_1 = arith.constant 0 : i32
    return %c0_i32, %c0_i32_0 : i32, i32
  }
  func.func @transform_3(%arg0: i32) -> (i32, i32) {
    %c0_i32 = arith.constant 0 : i32
    %c0_i32_0 = arith.constant 0 : i32
    %c0_i32_1 = arith.constant 0 : i32
    return %c0_i32, %c0_i32_0 : i32, i32
  }
  func.func @transform_4(%arg0: i32) -> (i32, i32) {
    %c0_i32 = arith.constant 0 : i32
    %c0_i32_0 = arith.constant 0 : i32
    %c0_i32_1 = arith.constant 0 : i32
    return %c0_i32, %c0_i32_0 : i32, i32
  }
  func.func @transform_5(%arg0: i32) -> (i32, i32) {
    %c0_i32 = arith.constant 0 : i32
    %c0_i32_0 = arith.constant 0 : i32
    return %arg0, %c0_i32 : i32, i32
  }
}

module attributes {stable_mosaic.version = 14 : i64} {
  func.func @_node_body(%arg0: i32, %arg1: memref<1000x256xf32, #tpu.memory_space<vmem>>, %arg2: memref<1000x128xf32, #tpu.memory_space<vmem>>, %arg3: memref<1000x128xf32, #tpu.memory_space<vmem>>, %arg4: memref<1000x128xf32, #tpu.memory_space<vmem>>, %arg5: memref<1000x128xf32, #tpu.memory_space<vmem>>, %arg6: memref<1000x128xf32, #tpu.memory_space<vmem>>, %arg7: memref<1000x128xf32, #tpu.memory_space<vmem>>, %arg8: memref<1000x128xf32, #tpu.memory_space<vmem>>, %arg9: memref<1000x128xf32, #tpu.memory_space<vmem>>, %arg10: memref<1x1x1000xi32, #tpu.memory_space<vmem>>, %arg11: memref<8x128xf32, #tpu.memory_space<vmem>>, %arg12: memref<256x256xf32, #tpu.memory_space<vmem>>, %arg13: memref<128x256xf32, #tpu.memory_space<vmem>>, %arg14: memref<128x256xf32, #tpu.memory_space<vmem>>, %arg15: memref<128x256xf32, #tpu.memory_space<vmem>>, %arg16: memref<128x256xf32, #tpu.memory_space<vmem>>, %arg17: memref<1x256xf32, #tpu.memory_space<vmem>>, %arg18: memref<256x256xf32, #tpu.memory_space<vmem>>, %arg19: memref<1x256xf32, #tpu.memory_space<vmem>>, %arg20: memref<384x256xf32, #tpu.memory_space<vmem>>, %arg21: memref<1x256xf32, #tpu.memory_space<vmem>>, %arg22: memref<256x128xf32, #tpu.memory_space<vmem>>, %arg23: memref<1x128xf32, #tpu.memory_space<vmem>>, %arg24: memref<1000x256xf32, #tpu.memory_space<vmem>>, %arg25: memref<8x256xf32, #tpu.memory_space<vmem>>, %arg26: memref<8x128xf32, #tpu.memory_space<vmem>>, %arg27: memref<8x128xf32, #tpu.memory_space<vmem>>) attributes {dimension_semantics = [#tpu.dimension_semantics<arbitrary>], iteration_bounds = array<i64: 10>, scalar_prefetch = 0 : i64, scratch_operands = 0 : i64, tpu.core_type = #tpu.core_type<tc>, window_params = [{transform_indices = @transform_0, window_bounds = array<i64: 1000, 256>}, {transform_indices = @transform_1, window_bounds = array<i64: 1000, 128>}, {transform_indices = @transform_2, window_bounds = array<i64: 1000, 128>}, {transform_indices = @transform_3, window_bounds = array<i64: 1000, 128>}, {transform_indices = @transform_4, window_bounds = array<i64: 1000, 128>}, {transform_indices = @transform_5, window_bounds = array<i64: 1000, 128>}, {transform_indices = @transform_6, window_bounds = array<i64: 1000, 128>}, {transform_indices = @transform_7, window_bounds = array<i64: 1000, 128>}, {transform_indices = @transform_8, window_bounds = array<i64: 1000, 128>}, {transform_indices = @transform_9, window_bounds = array<i64: 1, 1, 1000>}, {pipeline_mode = #tpu.pipeline_mode<synchronous>, transform_indices = @transform_10, window_bounds = array<i64: 8, 128>}, {pipeline_mode = #tpu.pipeline_mode<synchronous>, transform_indices = @transform_11, window_bounds = array<i64: 256, 256>}, {pipeline_mode = #tpu.pipeline_mode<synchronous>, transform_indices = @transform_12, window_bounds = array<i64: 128, 256>}, {pipeline_mode = #tpu.pipeline_mode<synchronous>, transform_indices = @transform_13, window_bounds = array<i64: 128, 256>}, {pipeline_mode = #tpu.pipeline_mode<synchronous>, transform_indices = @transform_14, window_bounds = array<i64: 128, 256>}, {pipeline_mode = #tpu.pipeline_mode<synchronous>, transform_indices = @transform_15, window_bounds = array<i64: 128, 256>}, {pipeline_mode = #tpu.pipeline_mode<synchronous>, transform_indices = @transform_16, window_bounds = array<i64: 1, 256>}, {pipeline_mode = #tpu.pipeline_mode<synchronous>, transform_indices = @transform_17, window_bounds = array<i64: 256, 256>}, {pipeline_mode = #tpu.pipeline_mode<synchronous>, transform_indices = @transform_18, window_bounds = array<i64: 1, 256>}, {pipeline_mode = #tpu.pipeline_mode<synchronous>, transform_indices = @transform_19, window_bounds = array<i64: 384, 256>}, {pipeline_mode = #tpu.pipeline_mode<synchronous>, transform_indices = @transform_20, window_bounds = array<i64: 1, 256>}, {pipeline_mode = #tpu.pipeline_mode<synchronous>, transform_indices = @transform_21, window_bounds = array<i64: 256, 128>}, {pipeline_mode = #tpu.pipeline_mode<synchronous>, transform_indices = @transform_22, window_bounds = array<i64: 1, 128>}, {transform_indices = @transform_23, window_bounds = array<i64: 1000, 256>}, {pipeline_mode = #tpu.pipeline_mode<synchronous>, transform_indices = @transform_24, window_bounds = array<i64: 8, 256>}, {pipeline_mode = #tpu.pipeline_mode<synchronous>, transform_indices = @transform_25, window_bounds = array<i64: 8, 128>}, {pipeline_mode = #tpu.pipeline_mode<synchronous>, transform_indices = @transform_26, window_bounds = array<i64: 8, 128>}]} {
    %get3A = arith.constant 0 : index
    %get3A_0 = arith.constant 0 : index
    %get3A_1 = vector.load %arg8[%get3A, %get3A_0] : memref<1000x128xf32, #tpu.memory_space<vmem>>, vector<1000x128xf32>
    %get3A_2 = arith.constant 0 : index
    %get3A_3 = arith.constant 0 : index
    %get3A_4 = vector.load %arg9[%get3A_2, %get3A_3] : memref<1000x128xf32, #tpu.memory_space<vmem>>, vector<1000x128xf32>
    %add3A = arith.addf %get3A_1, %get3A_4 : vector<1000x128xf32>
    %get3A_5 = arith.constant 0 : index
    %get3A_6 = arith.constant 0 : index
    %get3A_7 = vector.load %arg6[%get3A_5, %get3A_6] : memref<1000x128xf32, #tpu.memory_space<vmem>>, vector<1000x1xf32>
    %get3A_8 = arith.constant 0 : index
    %get3A_9 = arith.constant 0 : index
    %get3A_10 = vector.load %arg7[%get3A_8, %get3A_9] : memref<1000x128xf32, #tpu.memory_space<vmem>>, vector<1000x1xf32>
    %add3A_11 = arith.addf %get3A_7, %get3A_10 : vector<1000x1xf32>
    %add3A_12 = arith.constant 1.000000e-16 : f32
    %add3A_13 = vector.broadcast %add3A_12 : f32 to vector<1000x1xf32>
    %add3A_14 = arith.addf %add3A_11, %add3A_13 : vector<1000x1xf32>
    %div3A = arith.constant 1.000000e+00 : f32
    %div3A_15 = vector.broadcast %div3A : f32 to vector<1000x1xf32>
    %div3A_16 = arith.divf %div3A_15, %add3A_14 : vector<1000x1xf32>
    %get3A_17 = arith.constant 0 : index
    %get3A_18 = arith.constant 0 : index
    %get3A_19 = vector.load %arg2[%get3A_17, %get3A_18] : memref<1000x128xf32, #tpu.memory_space<vmem>>, vector<1000x128xf32>
    %get3A_20 = arith.constant 0 : index
    %get3A_21 = arith.constant 0 : index
    %get3A_22 = vector.load %arg3[%get3A_20, %get3A_21] : memref<1000x128xf32, #tpu.memory_space<vmem>>, vector<1000x128xf32>
    %add3A_23 = arith.addf %get3A_19, %get3A_22 : vector<1000x128xf32>
    %mul3A = vector.broadcast %div3A_16 : vector<1000x1xf32> to vector<1000x128xf32>
    %mul3A_24 = arith.mulf %add3A_23, %mul3A : vector<1000x128xf32>
    %get3A_25 = arith.constant 0 : index
    %get3A_26 = arith.constant 0 : index
    %get3A_27 = vector.load %arg4[%get3A_25, %get3A_26] : memref<1000x128xf32, #tpu.memory_space<vmem>>, vector<1000x128xf32>
    %get3A_28 = arith.constant 0 : index
    %get3A_29 = arith.constant 0 : index
    %get3A_30 = vector.load %arg5[%get3A_28, %get3A_29] : memref<1000x128xf32, #tpu.memory_space<vmem>>, vector<1000x128xf32>
    %add3A_31 = arith.addf %get3A_27, %get3A_30 : vector<1000x128xf32>
    %mul3A_32 = vector.broadcast %div3A_16 : vector<1000x1xf32> to vector<1000x128xf32>
    %mul3A_33 = arith.mulf %add3A_31, %mul3A_32 : vector<1000x128xf32>
    %get3A_34 = arith.constant 0 : index
    %get3A_35 = arith.constant 0 : index
    %get3A_36 = arith.constant 0 : index
    %get3A_37 = vector.load %arg10[%get3A_34, %get3A_35, %get3A_36] : memref<1x1x1000xi32, #tpu.memory_space<vmem>>, vector<1x1x1000xi32>
    %get3A_38 = vector.shape_cast %get3A_37 : vector<1x1x1000xi32> to vector<1000xi32>
    %broadcast_in_dim3A = vector.shape_cast %get3A_38 : vector<1000xi32> to vector<1000x1xi32>
    %iota3A = tpu.iota {dimensions = array<i32: 1>} : vector<1000x8xi32>
    %eq3A = vector.broadcast %broadcast_in_dim3A : vector<1000x1xi32> to vector<1000x8xi32>
    %eq3A_39 = arith.cmpi eq, %eq3A, %iota3A : vector<1000x8xi32>
    %convert_element_type3A = arith.extui %eq3A_39 : vector<1000x8xi1> to vector<1000x8xi32>
    %convert_element_type3A_40 = arith.sitofp %convert_element_type3A : vector<1000x8xi32> to vector<1000x8xf32>
    %get3A_41 = arith.constant 0 : index
    %get3A_42 = arith.constant 0 : index
    %get3A_43 = vector.load %arg11[%get3A_41, %get3A_42] : memref<8x128xf32, #tpu.memory_space<vmem>>, vector<8x128xf32>
    %get3A_44 = arith.constant 0 : index
    %get3A_45 = arith.constant 0 : index
    %get3A_46 = vector.load %arg16[%get3A_44, %get3A_45] : memref<128x256xf32, #tpu.memory_space<vmem>>, vector<128x256xf32>
    %dot_general3A = arith.constant dense<0.000000e+00> : vector<8x256xf32>
    %dot_general3A_47 = tpu.matmul %get3A_43, %get3A_46, %dot_general3A {dimension_numbers = #tpu.dot_dimension_numbers<[1], [0], [0], [1], [0, 0, 1, 1], [], []>, transpose_lhs_hint = false} : vector<8x128xf32>, vector<128x256xf32>, vector<8x256xf32> -> vector<8x256xf32>
    %get3A_48 = arith.constant 0 : index
    %get3A_49 = arith.constant 0 : index
    %get3A_50 = vector.load %arg1[%get3A_48, %get3A_49] : memref<1000x256xf32, #tpu.memory_space<vmem>>, vector<1000x256xf32>
    %get3A_51 = arith.constant 0 : index
    %get3A_52 = arith.constant 0 : index
    %get3A_53 = vector.load %arg12[%get3A_51, %get3A_52] : memref<256x256xf32, #tpu.memory_space<vmem>>, vector<256x256xf32>
    %dot_general3A_54 = arith.constant dense<0.000000e+00> : vector<1000x256xf32>
    %dot_general3A_55 = tpu.matmul %get3A_50, %get3A_53, %dot_general3A_54 {dimension_numbers = #tpu.dot_dimension_numbers<[1], [0], [0], [1], [0, 0, 1, 1], [], []>, transpose_lhs_hint = false} : vector<1000x256xf32>, vector<256x256xf32>, vector<1000x256xf32> -> vector<1000x256xf32>
    %get3A_56 = arith.constant 0 : index
    %get3A_57 = arith.constant 0 : index
    %get3A_58 = vector.load %arg13[%get3A_56, %get3A_57] : memref<128x256xf32, #tpu.memory_space<vmem>>, vector<128x256xf32>
    %dot_general3A_59 = arith.constant dense<0.000000e+00> : vector<1000x256xf32>
    %dot_general3A_60 = tpu.matmul %mul3A_24, %get3A_58, %dot_general3A_59 {dimension_numbers = #tpu.dot_dimension_numbers<[1], [0], [0], [1], [0, 0, 1, 1], [], []>, transpose_lhs_hint = false} : vector<1000x128xf32>, vector<128x256xf32>, vector<1000x256xf32> -> vector<1000x256xf32>
    %add3A_61 = arith.addf %dot_general3A_55, %dot_general3A_60 : vector<1000x256xf32>
    %get3A_62 = arith.constant 0 : index
    %get3A_63 = arith.constant 0 : index
    %get3A_64 = vector.load %arg14[%get3A_62, %get3A_63] : memref<128x256xf32, #tpu.memory_space<vmem>>, vector<128x256xf32>
    %dot_general3A_65 = arith.constant dense<0.000000e+00> : vector<1000x256xf32>
    %dot_general3A_66 = tpu.matmul %mul3A_33, %get3A_64, %dot_general3A_65 {dimension_numbers = #tpu.dot_dimension_numbers<[1], [0], [0], [1], [0, 0, 1, 1], [], []>, transpose_lhs_hint = false} : vector<1000x128xf32>, vector<128x256xf32>, vector<1000x256xf32> -> vector<1000x256xf32>
    %add3A_67 = arith.addf %add3A_61, %dot_general3A_66 : vector<1000x256xf32>
    %get3A_68 = arith.constant 0 : index
    %get3A_69 = arith.constant 0 : index
    %get3A_70 = vector.load %arg15[%get3A_68, %get3A_69] : memref<128x256xf32, #tpu.memory_space<vmem>>, vector<128x256xf32>
    %dot_general3A_71 = arith.constant dense<0.000000e+00> : vector<1000x256xf32>
    %dot_general3A_72 = tpu.matmul %add3A, %get3A_70, %dot_general3A_71 {dimension_numbers = #tpu.dot_dimension_numbers<[1], [0], [0], [1], [0, 0, 1, 1], [], []>, transpose_lhs_hint = false} : vector<1000x128xf32>, vector<128x256xf32>, vector<1000x256xf32> -> vector<1000x256xf32>
    %add3A_73 = arith.addf %add3A_67, %dot_general3A_72 : vector<1000x256xf32>
    %dot_general3A_74 = arith.constant dense<0.000000e+00> : vector<1000x256xf32>
    %dot_general3A_75 = tpu.matmul %convert_element_type3A_40, %dot_general3A_47, %dot_general3A_74 {dimension_numbers = #tpu.dot_dimension_numbers<[1], [0], [0], [1], [0, 0, 1, 1], [], []>, transpose_lhs_hint = false} : vector<1000x8xf32>, vector<8x256xf32>, vector<1000x256xf32> -> vector<1000x256xf32>
    %add3A_76 = arith.addf %add3A_73, %dot_general3A_75 : vector<1000x256xf32>
    %get3A_77 = arith.constant 0 : index
    %get3A_78 = arith.constant 0 : index
    %get3A_79 = vector.load %arg17[%get3A_77, %get3A_78] : memref<1x256xf32, #tpu.memory_space<vmem>>, vector<1x256xf32>
    %add3A_80 = vector.broadcast %get3A_79 : vector<1x256xf32> to vector<1000x256xf32>
    %add3A_81 = arith.addf %add3A_76, %add3A_80 : vector<1000x256xf32>
    %max3A = arith.constant 0.000000e+00 : f32
    %max3A_82 = vector.broadcast %max3A : f32 to vector<1000x256xf32>
    %max3A_83 = arith.maximumf %add3A_81, %max3A_82 : vector<1000x256xf32>
    %get3A_84 = arith.constant 0 : index
    %get3A_85 = arith.constant 0 : index
    %get3A_86 = vector.load %arg18[%get3A_84, %get3A_85] : memref<256x256xf32, #tpu.memory_space<vmem>>, vector<256x256xf32>
    %dot_general3A_87 = arith.constant dense<0.000000e+00> : vector<1000x256xf32>
    %dot_general3A_88 = tpu.matmul %max3A_83, %get3A_86, %dot_general3A_87 {dimension_numbers = #tpu.dot_dimension_numbers<[1], [0], [0], [1], [0, 0, 1, 1], [], []>, transpose_lhs_hint = false} : vector<1000x256xf32>, vector<256x256xf32>, vector<1000x256xf32> -> vector<1000x256xf32>
    %get3A_89 = arith.constant 0 : index
    %get3A_90 = arith.constant 0 : index
    %get3A_91 = vector.load %arg19[%get3A_89, %get3A_90] : memref<1x256xf32, #tpu.memory_space<vmem>>, vector<1x256xf32>
    %add3A_92 = vector.broadcast %get3A_91 : vector<1x256xf32> to vector<1000x256xf32>
    %add3A_93 = arith.addf %dot_general3A_88, %add3A_92 : vector<1000x256xf32>
    %swap3A = arith.constant 0 : index
    %swap3A_94 = arith.constant 0 : index
    %swap3A_95 = vector.load %arg24[%swap3A, %swap3A_94] : memref<1000x256xf32, #tpu.memory_space<vmem>>, vector<1000x256xf32>
    tpu.vector_store %arg24[%swap3A, %swap3A_94], %add3A_93 {strides = array<i32>} : memref<1000x256xf32, #tpu.memory_space<vmem>>, vector<1000x256xf32>,
    %eq3A_96 = arith.constant 0 : i32
    %eq3A_97 = arith.cmpi eq, %arg0, %eq3A_96 : i32
    %convert_element_type3A_98 = arith.extui %eq3A_97 : i1 to i32
    %cond3A = arith.constant 0 : i32
    %cond3A_99 = arith.cmpi ne, %convert_element_type3A_98, %cond3A : i32
    scf.if %cond3A_99 {
      %broadcast_in_dim3A_125 = arith.constant 0.000000e+00 : f32
      %broadcast_in_dim3A_126 = vector.broadcast %broadcast_in_dim3A_125 : f32 to vector<8x256xf32>
      %swap3A_127 = arith.constant 0 : index
      %swap3A_128 = arith.constant 0 : index
      %swap3A_129 = vector.load %arg25[%swap3A_127, %swap3A_128] : memref<8x256xf32, #tpu.memory_space<vmem>>, vector<8x256xf32>
      tpu.vector_store %arg25[%swap3A_127, %swap3A_128], %broadcast_in_dim3A_126 {strides = array<i32>} : memref<8x256xf32, #tpu.memory_space<vmem>>, vector<8x256xf32>,
      %broadcast_in_dim3A_130 = arith.constant 0.000000e+00 : f32
      %broadcast_in_dim3A_131 = vector.broadcast %broadcast_in_dim3A_130 : f32 to vector<8x128xf32>
      %swap3A_132 = arith.constant 0 : index
      %swap3A_133 = arith.constant 0 : index
      %swap3A_134 = vector.load %arg26[%swap3A_132, %swap3A_133] : memref<8x128xf32, #tpu.memory_space<vmem>>, vector<8x128xf32>
      tpu.vector_store %arg26[%swap3A_132, %swap3A_133], %broadcast_in_dim3A_131 {strides = array<i32>} : memref<8x128xf32, #tpu.memory_space<vmem>>, vector<8x128xf32>,
      %broadcast_in_dim3A_135 = arith.constant 0.000000e+00 : f32
      %broadcast_in_dim3A_136 = vector.broadcast %broadcast_in_dim3A_135 : f32 to vector<8x128xf32>
      %swap3A_137 = arith.constant 0 : index
      %swap3A_138 = arith.constant 0 : index
      %swap3A_139 = vector.load %arg27[%swap3A_137, %swap3A_138] : memref<8x128xf32, #tpu.memory_space<vmem>>, vector<8x128xf32>
      tpu.vector_store %arg27[%swap3A_137, %swap3A_138], %broadcast_in_dim3A_136 {strides = array<i32>} : memref<8x128xf32, #tpu.memory_space<vmem>>, vector<8x128xf32>,
    } else {
    }
    %get3A_100 = arith.constant 0 : index
    %get3A_101 = arith.constant 0 : index
    %get3A_102 = vector.load %arg25[%get3A_100, %get3A_101] : memref<8x256xf32, #tpu.memory_space<vmem>>, vector<8x256xf32>
    %dot_general3A_103 = arith.constant dense<0.000000e+00> : vector<8x256xf32>
    %dot_general3A_104 = tpu.matmul %convert_element_type3A_40, %add3A_93, %dot_general3A_103 {dimension_numbers = #tpu.dot_dimension_numbers<[0], [0], [1], [1], [0, 1, 1, 1], [], []>, transpose_lhs_hint = false} : vector<1000x8xf32>, vector<1000x256xf32>, vector<8x256xf32> -> vector<8x256xf32>
    %add3A_105 = arith.addf %get3A_102, %dot_general3A_104 : vector<8x256xf32>
    %swap3A_106 = arith.constant 0 : index
    %swap3A_107 = arith.constant 0 : index
    %swap3A_108 = vector.load %arg25[%swap3A_106, %swap3A_107] : memref<8x256xf32, #tpu.memory_space<vmem>>, vector<8x256xf32>
    tpu.vector_store %arg25[%swap3A_106, %swap3A_107], %add3A_105 {strides = array<i32>} : memref<8x256xf32, #tpu.memory_space<vmem>>, vector<8x256xf32>,
    %get3A_109 = arith.constant 0 : index
    %get3A_110 = arith.constant 0 : index
    %get3A_111 = vector.load %arg26[%get3A_109, %get3A_110] : memref<8x128xf32, #tpu.memory_space<vmem>>, vector<8x128xf32>
    %reduce_sum3A = arith.constant dense<0.000000e+00> : vector<8xf32>
    %reduce_sum3A_112 = vector.multi_reduction <add>, %convert_element_type3A_40, %reduce_sum3A [0] : vector<1000x8xf32> to vector<8xf32>
    %broadcast_in_dim3A_113 = vector.shape_cast %reduce_sum3A_112 : vector<8xf32> to vector<8x1xf32>
    %broadcast_in_dim3A_114 = vector.shape_cast %broadcast_in_dim3A_113 : vector<8x1xf32> to vector<8x1xf32>
    %broadcast_in_dim3A_115 = vector.broadcast %broadcast_in_dim3A_114 : vector<8x1xf32> to vector<8x128xf32>
    %add3A_116 = arith.addf %get3A_111, %broadcast_in_dim3A_115 : vector<8x128xf32>
    %swap3A_117 = arith.constant 0 : index
    %swap3A_118 = arith.constant 0 : index
    %swap3A_119 = vector.load %arg26[%swap3A_117, %swap3A_118] : memref<8x128xf32, #tpu.memory_space<vmem>>, vector<8x128xf32>
    tpu.vector_store %arg26[%swap3A_117, %swap3A_118], %add3A_116 {strides = array<i32>} : memref<8x128xf32, #tpu.memory_space<vmem>>, vector<8x128xf32>,
    %eq3A_120 = arith.constant 9 : i32
    %eq3A_121 = arith.cmpi eq, %arg0, %eq3A_120 : i32
    %convert_element_type3A_122 = arith.extui %eq3A_121 : i1 to i32
    %cond3A_123 = arith.constant 0 : i32
    %cond3A_124 = arith.cmpi ne, %convert_element_type3A_122, %cond3A_123 : i32
    scf.if %cond3A_124 {
      %get3A_125 = arith.constant 0 : index
      %get3A_126 = arith.constant 0 : index
      %get3A_127 = vector.load %arg25[%get3A_125, %get3A_126] : memref<8x256xf32, #tpu.memory_space<vmem>>, vector<8x256xf32>
      %get3A_128 = arith.constant 0 : index
      %get3A_129 = arith.constant 0 : index
      %get3A_130 = vector.load %arg26[%get3A_128, %get3A_129] : memref<8x128xf32, #tpu.memory_space<vmem>>, vector<8x1xf32>
      %max3A_131 = arith.constant 1.000000e+00 : f32
      %max3A_132 = vector.broadcast %max3A_131 : f32 to vector<8x1xf32>
      %max3A_133 = arith.maximumf %get3A_130, %max3A_132 : vector<8x1xf32>
      %div3A_134 = vector.broadcast %max3A_133 : vector<8x1xf32> to vector<8x256xf32>
      %div3A_135 = arith.divf %get3A_127, %div3A_134 : vector<8x256xf32>
      %get3A_136 = arith.constant 0 : index
      %get3A_137 = arith.constant 0 : index
      %get3A_138 = vector.load %arg11[%get3A_136, %get3A_137] : memref<8x128xf32, #tpu.memory_space<vmem>>, vector<8x128xf32>
      %concatenate3A = tpu.concatenate %get3A_138, %div3A_135 in 1 : vector<8x128xf32>, vector<8x256xf32> -> vector<8x384xf32>
      %get3A_139 = arith.constant 0 : index
      %get3A_140 = arith.constant 0 : index
      %get3A_141 = vector.load %arg20[%get3A_139, %get3A_140] : memref<384x256xf32, #tpu.memory_space<vmem>>, vector<384x256xf32>
      %dot_general3A_142 = arith.constant dense<0.000000e+00> : vector<8x256xf32>
      %dot_general3A_143 = tpu.matmul %concatenate3A, %get3A_141, %dot_general3A_142 {dimension_numbers = #tpu.dot_dimension_numbers<[1], [0], [0], [1], [0, 0, 1, 1], [], []>, transpose_lhs_hint = false} : vector<8x384xf32>, vector<384x256xf32>, vector<8x256xf32> -> vector<8x256xf32>
      %get3A_144 = arith.constant 0 : index
      %get3A_145 = arith.constant 0 : index
      %get3A_146 = vector.load %arg21[%get3A_144, %get3A_145] : memref<1x256xf32, #tpu.memory_space<vmem>>, vector<1x256xf32>
      %add3A_147 = vector.broadcast %get3A_146 : vector<1x256xf32> to vector<8x256xf32>
      %add3A_148 = arith.addf %dot_general3A_143, %add3A_147 : vector<8x256xf32>
      %max3A_149 = arith.constant 0.000000e+00 : f32
      %max3A_150 = vector.broadcast %max3A_149 : f32 to vector<8x256xf32>
      %max3A_151 = arith.maximumf %add3A_148, %max3A_150 : vector<8x256xf32>
      %get3A_152 = arith.constant 0 : index
      %get3A_153 = arith.constant 0 : index
      %get3A_154 = vector.load %arg22[%get3A_152, %get3A_153] : memref<256x128xf32, #tpu.memory_space<vmem>>, vector<256x128xf32>
      %dot_general3A_155 = arith.constant dense<0.000000e+00> : vector<8x128xf32>
      %dot_general3A_156 = tpu.matmul %max3A_151, %get3A_154, %dot_general3A_155 {dimension_numbers = #tpu.dot_dimension_numbers<[1], [0], [0], [1], [0, 0, 1, 1], [], []>, transpose_lhs_hint = false} : vector<8x256xf32>, vector<256x128xf32>, vector<8x128xf32> -> vector<8x128xf32>
      %get3A_157 = arith.constant 0 : index
      %get3A_158 = arith.constant 0 : index
      %get3A_159 = vector.load %arg23[%get3A_157, %get3A_158] : memref<1x128xf32, #tpu.memory_space<vmem>>, vector<1x128xf32>
      %add3A_160 = vector.broadcast %get3A_159 : vector<1x128xf32> to vector<8x128xf32>
      %add3A_161 = arith.addf %dot_general3A_156, %add3A_160 : vector<8x128xf32>
      %swap3A_162 = arith.constant 0 : index
      %swap3A_163 = arith.constant 0 : index
      %swap3A_164 = vector.load %arg27[%swap3A_162, %swap3A_163] : memref<8x128xf32, #tpu.memory_space<vmem>>, vector<8x128xf32>
      tpu.vector_store %arg27[%swap3A_162, %swap3A_163], %add3A_161 {strides = array<i32>} : memref<8x128xf32, #tpu.memory_space<vmem>>, vector<8x128xf32>,
    } else {
    }
    return
  }
  func.func @transform_0(%arg0: i32) -> (i32, i32) {
    %c0_i32 = arith.constant 0 : i32
    %c0_i32_0 = arith.constant 0 : i32
    return %arg0, %c0_i32 : i32, i32
  }
  func.func @transform_1(%arg0: i32) -> (i32, i32) {
    %c0_i32 = arith.constant 0 : i32
    %c0_i32_0 = arith.constant 0 : i32
    return %arg0, %c0_i32 : i32, i32
  }
  func.func @transform_2(%arg0: i32) -> (i32, i32) {
    %c0_i32 = arith.constant 0 : i32
    %c0_i32_0 = arith.constant 0 : i32
    return %arg0, %c0_i32 : i32, i32
  }
  func.func @transform_3(%arg0: i32) -> (i32, i32) {
    %c0_i32 = arith.constant 0 : i32
    %c0_i32_0 = arith.constant 0 : i32
    return %arg0, %c0_i32 : i32, i32
  }
  func.func @transform_4(%arg0: i32) -> (i32, i32) {
    %c0_i32 = arith.constant 0 : i32
    %c0_i32_0 = arith.constant 0 : i32
    return %arg0, %c0_i32 : i32, i32
  }
  func.func @transform_5(%arg0: i32) -> (i32, i32) {
    %c0_i32 = arith.constant 0 : i32
    %c0_i32_0 = arith.constant 0 : i32
    return %arg0, %c0_i32 : i32, i32
  }
  func.func @transform_6(%arg0: i32) -> (i32, i32) {
    %c0_i32 = arith.constant 0 : i32
    %c0_i32_0 = arith.constant 0 : i32
    return %arg0, %c0_i32 : i32, i32
  }
  func.func @transform_7(%arg0: i32) -> (i32, i32) {
    %c0_i32 = arith.constant 0 : i32
    %c0_i32_0 = arith.constant 0 : i32
    return %arg0, %c0_i32 : i32, i32
  }
  func.func @transform_8(%arg0: i32) -> (i32, i32) {
    %c0_i32 = arith.constant 0 : i32
    %c0_i32_0 = arith.constant 0 : i32
    return %arg0, %c0_i32 : i32, i32
  }
  func.func @transform_9(%arg0: i32) -> (i32, i32, i32) {
    %c0_i32 = arith.constant 0 : i32
    %c0_i32_0 = arith.constant 0 : i32
    %c0_i32_1 = arith.constant 0 : i32
    return %arg0, %c0_i32, %c0_i32_0 : i32, i32, i32
  }
  func.func @transform_10(%arg0: i32) -> (i32, i32) {
    %c0_i32 = arith.constant 0 : i32
    %c0_i32_0 = arith.constant 0 : i32
    %c0_i32_1 = arith.constant 0 : i32
    return %c0_i32, %c0_i32_0 : i32, i32
  }
  func.func @transform_11(%arg0: i32) -> (i32, i32) {
    %c0_i32 = arith.constant 0 : i32
    %c0_i32_0 = arith.constant 0 : i32
    %c0_i32_1 = arith.constant 0 : i32
    return %c0_i32, %c0_i32_0 : i32, i32
  }
  func.func @transform_12(%arg0: i32) -> (i32, i32) {
    %c0_i32 = arith.constant 0 : i32
    %c0_i32_0 = arith.constant 0 : i32
    %c0_i32_1 = arith.constant 0 : i32
    return %c0_i32, %c0_i32_0 : i32, i32
  }
  func.func @transform_13(%arg0: i32) -> (i32, i32) {
    %c0_i32 = arith.constant 0 : i32
    %c0_i32_0 = arith.constant 0 : i32
    %c0_i32_1 = arith.constant 0 : i32
    return %c0_i32, %c0_i32_0 : i32, i32
  }
  func.func @transform_14(%arg0: i32) -> (i32, i32) {
    %c0_i32 = arith.constant 0 : i32
    %c0_i32_0 = arith.constant 0 : i32
    %c0_i32_1 = arith.constant 0 : i32
    return %c0_i32, %c0_i32_0 : i32, i32
  }
  func.func @transform_15(%arg0: i32) -> (i32, i32) {
    %c0_i32 = arith.constant 0 : i32
    %c0_i32_0 = arith.constant 0 : i32
    %c0_i32_1 = arith.constant 0 : i32
    return %c0_i32, %c0_i32_0 : i32, i32
  }
  func.func @transform_16(%arg0: i32) -> (i32, i32) {
    %c0_i32 = arith.constant 0 : i32
    %c0_i32_0 = arith.constant 0 : i32
    %c0_i32_1 = arith.constant 0 : i32
    return %c0_i32, %c0_i32_0 : i32, i32
  }
  func.func @transform_17(%arg0: i32) -> (i32, i32) {
    %c0_i32 = arith.constant 0 : i32
    %c0_i32_0 = arith.constant 0 : i32
    %c0_i32_1 = arith.constant 0 : i32
    return %c0_i32, %c0_i32_0 : i32, i32
  }
  func.func @transform_18(%arg0: i32) -> (i32, i32) {
    %c0_i32 = arith.constant 0 : i32
    %c0_i32_0 = arith.constant 0 : i32
    %c0_i32_1 = arith.constant 0 : i32
    return %c0_i32, %c0_i32_0 : i32, i32
  }
  func.func @transform_19(%arg0: i32) -> (i32, i32) {
    %c0_i32 = arith.constant 0 : i32
    %c0_i32_0 = arith.constant 0 : i32
    %c0_i32_1 = arith.constant 0 : i32
    return %c0_i32, %c0_i32_0 : i32, i32
  }
  func.func @transform_20(%arg0: i32) -> (i32, i32) {
    %c0_i32 = arith.constant 0 : i32
    %c0_i32_0 = arith.constant 0 : i32
    %c0_i32_1 = arith.constant 0 : i32
    return %c0_i32, %c0_i32_0 : i32, i32
  }
  func.func @transform_21(%arg0: i32) -> (i32, i32) {
    %c0_i32 = arith.constant 0 : i32
    %c0_i32_0 = arith.constant 0 : i32
    %c0_i32_1 = arith.constant 0 : i32
    return %c0_i32, %c0_i32_0 : i32, i32
  }
  func.func @transform_22(%arg0: i32) -> (i32, i32) {
    %c0_i32 = arith.constant 0 : i32
    %c0_i32_0 = arith.constant 0 : i32
    %c0_i32_1 = arith.constant 0 : i32
    return %c0_i32, %c0_i32_0 : i32, i32
  }
  func.func @transform_23(%arg0: i32) -> (i32, i32) {
    %c0_i32 = arith.constant 0 : i32
    %c0_i32_0 = arith.constant 0 : i32
    return %arg0, %c0_i32 : i32, i32
  }
  func.func @transform_24(%arg0: i32) -> (i32, i32) {
    %c0_i32 = arith.constant 0 : i32
    %c0_i32_0 = arith.constant 0 : i32
    %c0_i32_1 = arith.constant 0 : i32
    return %c0_i32, %c0_i32_0 : i32, i32
  }
  func.func @transform_25(%arg0: i32) -> (i32, i32) {
    %c0_i32 = arith.constant 0 : i32
    %c0_i32_0 = arith.constant 0 : i32
    %c0_i32_1 = arith.constant 0 : i32
    return %c0_i32, %c0_i32_0 : i32, i32
  }
  func.func @transform_26(%arg0: i32) -> (i32, i32) {
    %c0_i32 = arith.constant 0 : i32
    %c0_i32_0 = arith.constant 0 : i32
    %c0_i32_1 = arith.constant 0 : i32
    return %c0_i32, %c0_i32_0 : i32, i32
  }
}

</mosaic_0001>

<sc_bundles>
// kernel: kernel.10.cloned.1.call-start
scs
__scs_entry_jumppad:
0x0: {  	(pc) =	sbr.rel $0x88, $3  }
0x1: {  	(tag) =	ssettag $0x0;
	lr =	simm.s32 $0x1  }
0x2: {  	[smem:$0x3F8E] =	sst lr;
	_ =	strace $0xD0000000  }
0x3: {  	_ = 	snop  }
0x4: {  	_ = 	snop  }
0x5: {  	_ = 	snop  }
0x6: {  	_ = 	snop  }
0x7: {  	_ = 	snop  }
__scs_overlays_trampoline_lowered:
0x8: {  	[smem:$0x3F9D] =	sst s0  }
0x9: {  	[smem:$0x3F9E] =	sst s1  }
0xa: {  	[smem:$0x3F9F] =	sst s2  }
0xb: {  	[smem:$0x3FA0] =	sst s3  }
0xc: {  	[smem:$0x3FA1] =	sst s4  }
0xd: {  	[smem:$0x3FA2] =	sst s5  }
0xe: {  	[smem:$0x3FA3] =	sst s6  }
0xf: {  	[smem:$0x3FA4] =	sst s7  }
0x10: {  	[smem:$0x3FA5] =	sst s8  }
0x11: {  	[smem:$0x3FA6] =	sst s9;
	s0 =	simm.s32 @!p0 $0x0  }
0x12: {  	s1 =	sld [smem:$0x3F8C];
	s0 =	simm.s32 @p0 $0x1  }
0x13: {  	[smem:$0x3FA7] =	sst s0;
	s0 =	simm.s32 @!p1 $0x0  }
0x14: {  	s2 =	sld [smem:$0x3F8B];
	s0 =	simm.s32 @p1 $0x1  }
0x15: {  	[smem:$0x3FA8] =	sst s0;
	s0 =	simm.s32 @!p2 $0x0  }
0x16: {  	s3 =	sld [smem:$0x3FDB];
	s0 =	simm.s32 @p2 $0x1  }
0x17: {  	s4 =	simm.s32 $0x1BF5;
	[smem:$0x3FAA] =	sst s0  }
0x18: {  	s0 =	sld [smem:$0x3F8D];
	_ =	swait.ge [sflag:s4], $0x0  }
0x19: {  	s7 =	sld [smem:$0x3F8E]  }
0x1a: {  	s8 =	sadd.s32 $0xFFFFE003, lr  }
0x1b: {  	s9 =	sadd.s32 $0xFFFFFEF7, lr;
	s5 =	simm.s32 $0xFFFFFFFF;
	p2 =	slt.u32 s8, $0xFFFFF086  }
0x1c: {  	p1 =	slt.u32 s9, $0xF7A;
	s5 =	simm.s32 @!p2 $0x0  }
0x1d: {  	s5 =	simm.s32 @p1 $0x1;
	p0 =	seq.s32 s7, s2  }
0x1e: {  	s7 =	smul.u32 @!p0 $0xF7A, s2;
	p2 =	seq.s32 @!p0 s5, $0x0  }
0x1f: {  	s9 =	smul.u32 $0xF7A, s1;
	s8 =	simm.s32 @!p0 $0x1BF5;
	p2 =	por !p2, p0  }
0x20: {  	[sflag:s8] =	ssyncset.s32 @!p0 $0xFFFFF086;
	s6 =	sadd.s32 @!p0 s3, s7;
	s7 =	simm.s32 @!p0 $0x108  }
0x21: {  	s3 =	sadd.s32 s3, s9;
	s6 =	sadd.s32 @!p0 $0x88, s6;
	s7 =	simm.s32 @p2 $0x1082  }
0x22: {  	[simem:s7], [sflag:s8] =	dma.local @!p0 [hbm:s6], $0xF7A  }
0x23: {  	s9 =	sor.u32 $0xD0000000, s2;
	s6 =	simm.s32 $0x108;
	_ =	swait.ge @!p0 [sflag:s8], $0x0  }
0x24: {  	s3 =	sadd.s32 $0x88, s3;
	s6 =	simm.s32 @!p1 $0x1082;
	[sflag:s4] =	ssyncset.s32 $0xFFFFF086  }
0x25: {  	[simem:s6], [sflag:s4] =	dma.local [hbm:s3], $0xF7A  }
0x26: {  	[smem:$0x3F8E] =	sst s1;
	(tag) =	ssettag s2;
	_ =	strace s9  }
0x27: {  	s1 =	sld [smem:$0x3F9E]  }
0x28: {  	s2 =	sld [smem:$0x3F9F]  }
0x29: {  	s4 =	sld [smem:$0x3FA1]  }
0x2a: {  	p0 =	seq.s32 s5, $0x0;
	s5 =	sld [smem:$0x3FA2]  }
0x2b: {  	s6 =	sld [smem:$0x3FA3]  }
0x2c: {  	s7 =	sld [smem:$0x3FA4]  }
0x2d: {  	s3 =	simm.s32 $0x108;
	s8 =	sld [smem:$0x3FA5]  }
0x2e: {  	s3 =	simm.s32 @!p0 $0x1082;
	s9 =	sld [smem:$0x3FA6]  }
0x2f: {  	lr =	sadd.s32 s0, s3;
	s0 =	sld [smem:$0x3F9D]  }
0x30: {  	s3 =	sld [smem:$0x3FA0]  }
0x31: {  	[smem:$0x3FA9] =	sst s10  }
0x32: {  	s10 =	sld [smem:$0x3FA7];
	_ =	sdelay $0x3  }
0x33: {  	p0 =	seq.s32 s10, $0x1;
	s10 =	sld [smem:$0x3FA9];
	_ =	sdelay $0x3  }
0x34: {  	[smem:$0x3FA9] =	sst s10  }
0x35: {  	s10 =	sld [smem:$0x3FA8];
	_ =	sdelay $0x3  }
0x36: {  	p1 =	seq.s32 s10, $0x1;
	s10 =	sld [smem:$0x3FA9];
	_ =	sdelay $0x3  }
0x37: {  	[smem:$0x3FA9] =	sst s10  }
0x38: {  	s10 =	sld [smem:$0x3FAA]  }
0x39: {  	_ = 	snop;
	(pc) =	sbr.ind lr, $3  }
0x3a: {  	_ = 	snop  }
0x3b: {  	_ = 	snop  }
0x3c: {  	p2 =	seq.s32 s10, $0x1;
	s10 =	sld [smem:$0x3FA9]  }
0x3d: {  	_ =	shalt  }
0x3e: {  	_ =	shalt  }
0x3f: {  	_ =	shalt  }
0x40: {  	_ =	shalt  }
0x41: {  	_ =	shalt  }
0x42: {  	_ =	shalt  }
0x43: {  	_ =	shalt  }
0x44: {  	_ =	shalt  }
0x45: {  	_ =	shalt  }
0x46: {  	_ =	shalt  }
0x47: {  	_ =	shalt  }
0x48: {  	_ =	shalt  }
0x49: {  	_ =	shalt  }
0x4a: {  	_ =	shalt  }
0x4b: {  	_ =	shalt  }
0x4c: {  	_ =	shalt  }
0x4d: {  	_ =	shalt  }
0x4e: {  	_ =	shalt  }
0x4f: {  	_ =	shalt  }
0x50: {  	_ =	shalt  }
0x51: {  	_ =	shalt  }
0x52: {  	_ =	shalt  }
0x53: {  	_ =	shalt  }
0x54: {  	_ =	shalt  }
0x55: {  	_ =	shalt  }
0x56: {  	_ =	shalt  }
0x57: {  	_ =	shalt  }
0x58: {  	_ =	shalt  }
0x59: {  	_ =	shalt  }
0x5a: {  	_ =	shalt  }
0x5b: {  	_ =	shalt  }
0x5c: {  	_ =	shalt  }
0x5d: {  	_ =	shalt  }
0x5e: {  	_ =	shalt  }
0x5f: {  	_ =	shalt  }
0x60: {  	_ =	shalt  }
0x61: {  	_ =	shalt  }
0x62: {  	_ =	shalt  }
0x63: {  	_ =	shalt  }
0x64: {  	_ =	shalt  }
0x65: {  	_ =	shalt  }
0x66: {  	_ =	shalt  }
0x67: {  	_ =	shalt  }
0x68: {  	_ =	shalt  }
0x69: {  	_ =	shalt  }
0x6a: {  	_ =	shalt  }
0x6b: {  	_ =	shalt  }
0x6c: {  	_ =	shalt  }
0x6d: {  	_ =	shalt  }
0x6e: {  	_ =	shalt  }
0x6f: {  	_ =	shalt  }
0x70: {  	_ =	shalt  }
0x71: {  	_ =	shalt  }
0x72: {  	_ =	shalt  }
0x73: {  	_ =	shalt  }
0x74: {  	_ =	shalt  }
0x75: {  	_ =	shalt  }
0x76: {  	_ =	shalt  }
0x77: {  	_ =	shalt  }
0x78: {  	_ =	shalt  }
0x79: {  	_ =	shalt  }
0x7a: {  	_ =	shalt  }
0x7b: {  	_ =	shalt  }
0x7c: {  	_ =	shalt  }
0x7d: {  	_ =	shalt  }
0x7e: {  	_ =	shalt  }
0x7f: {  	_ =	shalt  }
0x80: {  	_ =	shalt  }
0x81: {  	_ =	shalt  }
0x82: {  	_ =	shalt  }
0x83: {  	_ =	shalt  }
0x84: {  	_ =	shalt  }
0x85: {  	_ =	shalt  }
0x86: {  	_ =	shalt  }
0x87: {  	_ =	shalt  }
.Lfunc_end0:
.L_simem_size_0:
called_computation_lowered:
.L_overlay_start_0:
0x88: {  	s2 =	sld [smem:$0x3FD9]  }
0x89: {  	s3 =	sld [smem:$0x3FFE];
	_ =	sdelay $0x1  }
0x8a: {  	s1 =	srdreg.scid  }
0x8b: {  	s0 =	sand.u32 $0x1, s1  }
0x8c: {  	s17 =	sshll.u32 s0, $0xA;
	s2 =	sadd.s32 s3, s2  }
0x8d: {  	s2 =	sadd.s32 s2, s17  }
0x8e: {  	[smem:$0x3FB5] =	sst s2  }
0x8f: {  	_ = 	snop  }
0x90: {  	s2 =	sld [smem:$0x3FC9]  }
0x91: {  	s18 =	sld [smem:$0x3FC8];
	(tm) =	ssettm $0x1  }
0x92: {  	s4 =	sld [smem:$0x3FFB];
	_ =	sdelay $0x3  }
0x93: {  	_ =	strace s4  }
0x94: {  	s4 =	sld [smem:$0x3FFC];
	_ =	sdelay $0x3  }
0x95: {  	_ =	strace s4  }
0x96: {  	s4 =	sld [smem:$0x3FFD];
	_ =	sdelay $0x3  }
0x97: {  	_ =	strace s4  }
0x98: {  	_ =	strace $0x8FFFFFFF  }
0x99: {  	s19 =	sld [smem:$0x3FDB];
	_ =	sdelay $0x1  }
0x9a: {  	s5 =	simm.s32 $_scs_section_size  }
0x9b: {  	s6 =	simm.s32 $_size__tile_overlayer_lowered;
	s7 =	simm.s32 $_tile_overlayer_lowered  }
0x9c: {  	s22 =	simm.s32 $0x1BFF;
	s21 =	sshll.u32 s7, $0x1;
	s4 =	sadd.s32 s5, s19  }
0x9d: {  	s8 =	simm.s32 $0x0;
	s20 =	sshll.u32 s6, $0x1;
	s6 =	sadd.s32 s21, s4  }
0x9e: {  	[timem:s8], [sflag:s22] =	dma.local [hbm:s6], s20  }
0x9f: {  	_ =	swait.ge [sflag:s22], s20  }
0xa0: {  	s5 =	ssub.s32 $0x0, s20;
	[sflag:s22] =	ssyncset.done $0x0  }
0xa1: {  	[sflag:s22] =	ssyncadd.s32 s5;
	_ =	sdelay $0x1  }
0xa2: {  	s23 =	simm.s32 $0x1B8B  }
0xa3: {  	_ =	swait.ge [sflag:s23], $0x1  }
0xa4: {  	[sflag:s23] =	ssyncset.done $0x0  }
0xa5: {  	s25 =	simm.s32 $0x1B8E;
	s24 =	sld [smem:$0x3FFE];
	[sflag:s23] =	ssyncadd.s32 $0xFFFFFFFF  }
0xa6: {  	s26 =	simm.s32 $execute0_lowered;
	[smem:$0x3FD2] =	sst s25  }
0xa7: {  	s6 =	sshll.u32 s26, $0x1;
	_ =	strace $0x80000046;
	[dreg:$0x1] =	wrdreg $0xFFFFFFFF  }
0xa8: {  	s28 =	simm.s32 $_size_execute0_lowered;
	s4 =	sadd.s32 s4, s6;
	[dreg:$0x0] =	wrdreg $0x0  }
0xa9: {  	s6 =	sshll.u32 s28, $0x1;
	[dreg:$0x2] =	wrdreg s4  }
0xaa: {  	[dreg:$0x3] =	wrdreg s6  }
0xab: {  	[dreg:$0x4] =	wrdreg $0xC0  }
0xac: {  	_ =	task [dreg:s8], $0x5FFFF  }
0xad: {  	[dreg:$0x1] =	wrdreg $0xFFFFFFFF  }
0xae: {  	[dreg:$0x0] =	wrdreg $0x60  }
0xaf: {  	[dreg:$0x2] =	wrdreg s2  }
0xb0: {  	[dreg:$0x3] =	wrdreg s18  }
0xb1: {  	[dreg:$0x4] =	wrdreg s24  }
0xb2: {  	[dreg:$0x5] =	wrdreg $0xA  }
0xb3: {  	_ =	task.clear_ibuf [dreg:s8], $0x6FFFF;
	_ =	strace $0x90000046  }
0xb4: {  	s29 =	simm.s32 $0xA;
	_ =	strace $0x80000048  }
0xb5: {  	_ =	swait.ge [sflag:s29], $0x1  }
0xb6: {  	[sflag:s29] =	ssyncadd.s32 $0xFFFFFFFF  }
0xb7: {  	_ =	strace $0x90000048  }
0xb8: {  	_ =	sfence  }
0xb9: {  	s30 =	sld [smem:$0x0];
	_ =	sdelay $0x2  }
0xba: {  	s31 =	sshll.u32 s1, $0xD;
	s1 =	sshrl.u32 s1, $0x2  }
0xbb: {  	s3 =	sand.u32 $0x4000, s31;
	s1 =	sadd.s32 s1, s30  }
0xbc: {  	s0 =	sor.u32 s3, s0;
	s1 =	sshll.u32 s1, $0x11  }
0xbd: {  	s0 =	sor.u32 s1, s0  }
0xbe: {  	s0 =	sadd.s32 $0x8F2B, s0  }
0xbf: {  	[sflag:s0] =	ssyncadd.remote.s32 $0x1  }
0xc0: {  	_ =	sfence.sel $0xFFFF  }
0xc1: {  	[dreg:$0x0] =	wrdreg $0xFFFFFFFF;
	(pc) =	sbr.abs _section_cstart, $3  }
0xc2: {  	[dreg:$0x1] =	wrdreg $0xFFFFFFFF  }
0xc3: {  	_ =	task.clear_ibuf [dreg:s8], $0x2FFFF;
	_ =	strace $0x9FFFFFFF  }
0xc4: {  	(tm) =	ssettm $0x7FFFFFFF  }
0xc5: {  	_ =	shalt  }
tec
execute0_lowered:
.L_overlay_start_1:
0x0: {  	(tag) =	ssettag $0x1  }
0x1: {  	s1 =	rddreg [dreg:$0x0]  }
0x2: {  	s3 =	rddreg [dreg:$0x1]  }
0x3: {  	s0 =	rddreg [dreg:$0x2]  }
0x4: {  	s2 =	srdreg.scid;
	s10 =	stileid.u32;
	s4 =	simm.s32 $0x0  }
0x5: {  	s11 =	simm.s32 $0x4;
	s13 =	simm.s32 $0x100;
	s30 =	simm.s32 $0x8100  }
0x6: {  	s12 =	simm.s32 $0xC100;
	s14 =	simm.s32 $0xC900;
	s15 =	simm.s32 $0xD100  }
0x7: {  	s16 =	simm.s32 $0xD900;
	s17 =	simm.s32 $0xE100;
	s18 =	simm.s32 $0xE900  }
0x8: {  	s19 =	simm.s32 $0xF100;
	s20 =	simm.s32 $0xF900;
	s21 =	simm.s32 $0x1  }
0x9: {  	s22 =	simm.s32 $0x2;
	s23 =	simm.s32 $0x3;
	s31 =	simm.s32 $0x80  }
0xa: {  	s2 =	sand.u32 $0x1, s2;
	s5 =	sshll.u32 s10, $0x5;
	[smem:$0x7FF] =	sst s4  }
0xb: {  	s8 =	sshll.u32 s10, $0xD;
	s24 =	sshll.u32 s10, $0x1;
	s10 =	simm.s32 $0xB900  }
0xc: {  	s6 =	sshll.u32 s2, $0x4;
	_ =	strace $0x80000047;
	s7 =	ssub.s32 $0x2, s2  }
0xd: {  	s25 =	sshll.u32 s2, $0xC;
	s29 =	sor.u32 s2, s24;
	s2 =	simm.s32 $0x9900  }
0xe: {  	s5 =	sor.u32 s6, s5;
	s9 =	sshrl.u32 s7, $0x1;
	[dreg:$0x7] =	wrdreg s29  }
0xf: {  	s6 =	sand.u32 $0x180, s5;
	s7 =	ssub.s32 s7, s9;
	s5 =	sand.u32 $0x70, s5  }
0x10: {  	s9 =	simm.s32 $0xB100;
	s6 =	sadd.s32 s6, s0;
	s0 =	sadd.s32 s8, s0  }
.Ltmp0:
0x11: {  	s26 =	smax.u32 s7, $0x1;
	s8 =	simm.s32 $0xA900;
	(pc) =	sbr.rel .LBB2_1-.Ltmp0, $4  }
0x12: {  	s5 =	sadd.s32 s5, s6;
	[dreg:$0x4] =	wrdreg s26;
	s0 =	sadd.s32 s25, s0  }
0x13: {  	v2 =	vlaneseq.u32;
	s25 =	simm.s32 $0x0;
	s6 =	sadd.s32 $0x9000, s5;
	s28 =	sadd.s32 $0x4F0000, s0  }
0x14: {  	vm0 =	vmmov $0xffff;
	v1 =	vshrl.u32 v2, $0x3;
	s7 =	sadd.s32 $0x4000, s5;
	s0 =	sadd.s32 $0xE000, s0;
	[dreg:$0x5] =	wrdreg s28  }
0x15: {  	v0 =	vand.u32 $0x7, v2;
	v2 =	vor.u32 $0x8, v2;
	v1 =	vmul.u32 $0x8, v1;
	s5 =	simm.s32 $0xA100;
	[dreg:$0x6] =	wrdreg s0;
	s0 =	simm.s32 $0x9100  }
.LBB2_5:
0x16: {  	s25 =	rddreg [dreg:$0x8]  }
0x17: {  	s24 =	rddreg [dreg:$0x4];
	s25 =	sadd.s32 $0x1, s25  }
0x18: {  	p0 =	sne.s32 s25, s24  }
.Ltmp1:
0x19: {  	_ = 	snop;
	(pc) =	sbr.rel @!p0 .LBB2_6-.Ltmp1, $1  }
0x1a: {  	_ =	sdelay $0x3  }
.LBB2_1:
.Ltmp2:
0x1b: {  	(pc) =	sbr.rel .LBB2_2-.Ltmp2, $4  }
0x1c: {  	[dreg:$0x8] =	wrdreg s25  }
0x1d: {  	s24 =	rddreg [dreg:$0x7]  }
0x1e: {  	s25 =	rddreg [dreg:$0x6]  }
0x1f: {  	s26 =	rddreg [dreg:$0x5];
	s28 =	simm.s32 $0x0  }
.LBB2_4:
0x20: {  	s28 =	sadd.s32 $0x200, s28  }
0x21: {  	p0 =	sne.s32 s28, $0x5000  }
.Ltmp3:
0x22: {  	_ = 	snop;
	(pc) =	sbr.rel @!p0 .LBB2_5-.Ltmp3, $2  }
0x23: {  	_ =	sdelay $0x2  }
0x24: {  	s26 =	sadd.s32 $0x20000, s26;
	s25 =	sadd.s32 $0x20000, s25;
	s24 =	sadd.s32 $0x20, s24  }
.LBB2_2:
0x25: {  	p0 =	sgt.u32 s24, $0x4E1  }
.Ltmp4:
0x26: {  	_ = 	snop;
	(pc) =	sbr.rel @p0 .LBB2_4-.Ltmp4, $1  }
0x27: {  	_ =	sdelay $0x3  }
0x28: {  	s29 =	sadd.s32 s28, s6  }
0x29: {  	[tilespmem:s4], [sflag:$0x4] =	stream.linear.gather [hbm4b:s29+s4], $0x80, $0x38;
	[tilespmem:$0x10100] =	vst v63  }
0x2a: {  	_ =	swait.ge [sflag:s11], $0x80  }
0x2b: {  	[sflag:s11] =	ssyncset.done $0x0  }
0x2c: {  	s29 =	sadd.s32 s28, s7;
	[sflag:s11] =	ssyncadd.s32 $0xFFFFFF80  }
0x2d: {  	[tilespmem:s31], [sflag:$0x4] =	stream.linear.gather [hbm4b:s29+s4], $0x80, $0x38;
	[tilespmem:$0x10100] =	vst v63  }
0x2e: {  	_ =	swait.ge [sflag:s11], $0x80  }
0x2f: {  	[sflag:s11] =	ssyncset.done $0x0  }
0x30: {  	[sflag:s11] =	ssyncadd.s32 $0xFFFFFF80  }
0x31: {  	v3 =	vld [tilespmem:$0x0];
	_ =	sdelay $0x4  }
0x32: {  	v4 =	vshll.u32 v3, $0x1  }
0x33: {  	v3 =	vand.u32 $0x7, v3;
	v4 =	vand.u32 $0xFFFFFFF0, v4  }
0x34: {  	v3 =	vor.u32 v3, v4  }
0x35: {  	v4 =	vperm.xlane v3, v0;
	_ =	sdelay $0x1  }
0x36: {  	v3 =	vperm.xlane v3, v2;
	v4 =	vadd.s32 v1, v4;
	_ =	sdelay $0x1  }
0x37: {  	v3 =	vadd.s32 v1, v3;
	_ =	sdelay $0x2  }
0x38: {  	[tilespmem:s13], [sflag:$0x1] =	stream.indirect_vreg.gather [hbm4b:s1+s4], $0x80, v4, vm0, $0xb8;
	[tilespmem:$0x10100] =	vst v63  }
0x39: {  	s29 =	simm.s32 $0x900  }
0x3a: {  	[tilespmem:s29], [sflag:$0x1] =	stream.indirect_vreg.gather [hbm4b:s1+s4], $0x80, v3, vm0, $0xb8;
	[tilespmem:$0x10100] =	vst v63  }
0x3b: {  	v3 =	vld [tilespmem:$0x10];
	_ =	sdelay $0x4  }
0x3c: {  	v49 =	vshll.u32 v3, $0x1  }
0x3d: {  	v3 =	vand.u32 $0x7, v3;
	v4 =	vand.u32 $0xFFFFFFF0, v49  }
0x3e: {  	v3 =	vor.u32 v3, v4  }
0x3f: {  	v4 =	vperm.xlane v3, v0;
	_ =	sdelay $0x1  }
0x40: {  	v3 =	vperm.xlane v3, v2;
	v4 =	vadd.s32 v1, v4;
	_ =	sdelay $0x1  }
0x41: {  	v3 =	vadd.s32 v1, v3;
	_ =	sdelay $0x1  }
0x42: {  	s29 =	simm.s32 $0x1100  }
0x43: {  	[tilespmem:s29], [sflag:$0x1] =	stream.indirect_vreg.gather [hbm4b:s1+s4], $0x80, v4, vm0, $0xb8;
	[tilespmem:$0x10100] =	vst v63  }
0x44: {  	s29 =	simm.s32 $0x1900  }
0x45: {  	[tilespmem:s29], [sflag:$0x1] =	stream.indirect_vreg.gather [hbm4b:s1+s4], $0x80, v3, vm0, $0xb8;
	[tilespmem:$0x10100] =	vst v63  }
0x46: {  	v3 =	vld [tilespmem:$0x20];
	_ =	sdelay $0x4  }
0x47: {  	v50 =	vshll.u32 v3, $0x1  }
0x48: {  	v3 =	vand.u32 $0x7, v3;
	v4 =	vand.u32 $0xFFFFFFF0, v50  }
0x49: {  	v3 =	vor.u32 v3, v4  }
0x4a: {  	v4 =	vperm.xlane v3, v0;
	_ =	sdelay $0x1  }
0x4b: {  	v3 =	vperm.xlane v3, v2;
	v4 =	vadd.s32 v1, v4;
	_ =	sdelay $0x1  }
0x4c: {  	v3 =	vadd.s32 v1, v3;
	_ =	sdelay $0x1  }
0x4d: {  	s29 =	simm.s32 $0x2100  }
0x4e: {  	[tilespmem:s29], [sflag:$0x1] =	stream.indirect_vreg.gather [hbm4b:s1+s4], $0x80, v4, vm0, $0xb8;
	[tilespmem:$0x10100] =	vst v63  }
0x4f: {  	s29 =	simm.s32 $0x2900  }
0x50: {  	[tilespmem:s29], [sflag:$0x1] =	stream.indirect_vreg.gather [hbm4b:s1+s4], $0x80, v3, vm0, $0xb8;
	[tilespmem:$0x10100] =	vst v63  }
0x51: {  	v3 =	vld [tilespmem:$0x30];
	_ =	sdelay $0x4  }
0x52: {  	v51 =	vshll.u32 v3, $0x1  }
0x53: {  	v3 =	vand.u32 $0x7, v3;
	v4 =	vand.u32 $0xFFFFFFF0, v51  }
0x54: {  	v3 =	vor.u32 v3, v4  }
0x55: {  	v4 =	vperm.xlane v3, v0;
	_ =	sdelay $0x1  }
0x56: {  	v3 =	vperm.xlane v3, v2;
	v4 =	vadd.s32 v1, v4;
	_ =	sdelay $0x1  }
0x57: {  	v3 =	vadd.s32 v1, v3;
	_ =	sdelay $0x1  }
0x58: {  	s29 =	simm.s32 $0x3100  }
0x59: {  	[tilespmem:s29], [sflag:$0x1] =	stream.indirect_vreg.gather [hbm4b:s1+s4], $0x80, v4, vm0, $0xb8;
	[tilespmem:$0x10100] =	vst v63  }
0x5a: {  	s29 =	simm.s32 $0x3900  }
0x5b: {  	[tilespmem:s29], [sflag:$0x1] =	stream.indirect_vreg.gather [hbm4b:s1+s4], $0x80, v3, vm0, $0xb8;
	[tilespmem:$0x10100] =	vst v63  }
0x5c: {  	v3 =	vld [tilespmem:$0x40];
	_ =	sdelay $0x4  }
0x5d: {  	v52 =	vshll.u32 v3, $0x1  }
0x5e: {  	v3 =	vand.u32 $0x7, v3;
	v4 =	vand.u32 $0xFFFFFFF0, v52  }
0x5f: {  	v3 =	vor.u32 v3, v4  }
0x60: {  	v4 =	vperm.xlane v3, v0;
	_ =	sdelay $0x1  }
0x61: {  	v3 =	vperm.xlane v3, v2;
	v4 =	vadd.s32 v1, v4;
	_ =	sdelay $0x1  }
0x62: {  	v3 =	vadd.s32 v1, v3;
	_ =	sdelay $0x1  }
0x63: {  	s29 =	simm.s32 $0x4100  }
0x64: {  	[tilespmem:s29], [sflag:$0x1] =	stream.indirect_vreg.gather [hbm4b:s1+s4], $0x80, v4, vm0, $0xb8;
	[tilespmem:$0x10100] =	vst v63  }
0x65: {  	s29 =	simm.s32 $0x4900  }
0x66: {  	[tilespmem:s29], [sflag:$0x1] =	stream.indirect_vreg.gather [hbm4b:s1+s4], $0x80, v3, vm0, $0xb8;
	[tilespmem:$0x10100] =	vst v63  }
0x67: {  	v3 =	vld [tilespmem:$0x50];
	_ =	sdelay $0x4  }
0x68: {  	v53 =	vshll.u32 v3, $0x1  }
0x69: {  	v3 =	vand.u32 $0x7, v3;
	v4 =	vand.u32 $0xFFFFFFF0, v53  }
0x6a: {  	v3 =	vor.u32 v3, v4  }
0x6b: {  	v4 =	vperm.xlane v3, v0;
	_ =	sdelay $0x1  }
0x6c: {  	v3 =	vperm.xlane v3, v2;
	v4 =	vadd.s32 v1, v4;
	_ =	sdelay $0x1  }
0x6d: {  	v3 =	vadd.s32 v1, v3;
	_ =	sdelay $0x1  }
0x6e: {  	s29 =	simm.s32 $0x5100  }
0x6f: {  	[tilespmem:s29], [sflag:$0x1] =	stream.indirect_vreg.gather [hbm4b:s1+s4], $0x80, v4, vm0, $0xb8;
	[tilespmem:$0x10100] =	vst v63  }
0x70: {  	s29 =	simm.s32 $0x5900  }
0x71: {  	[tilespmem:s29], [sflag:$0x1] =	stream.indirect_vreg.gather [hbm4b:s1+s4], $0x80, v3, vm0, $0xb8;
	[tilespmem:$0x10100] =	vst v63  }
0x72: {  	v3 =	vld [tilespmem:$0x60];
	_ =	sdelay $0x4  }
0x73: {  	v54 =	vshll.u32 v3, $0x1  }
0x74: {  	v3 =	vand.u32 $0x7, v3;
	v4 =	vand.u32 $0xFFFFFFF0, v54  }
0x75: {  	v3 =	vor.u32 v3, v4  }
0x76: {  	v4 =	vperm.xlane v3, v0;
	_ =	sdelay $0x1  }
0x77: {  	v3 =	vperm.xlane v3, v2;
	v4 =	vadd.s32 v1, v4;
	_ =	sdelay $0x1  }
0x78: {  	v3 =	vadd.s32 v1, v3;
	_ =	sdelay $0x1  }
0x79: {  	s29 =	simm.s32 $0x6100  }
0x7a: {  	[tilespmem:s29], [sflag:$0x1] =	stream.indirect_vreg.gather [hbm4b:s1+s4], $0x80, v4, vm0, $0xb8;
	[tilespmem:$0x10100] =	vst v63  }
0x7b: {  	s29 =	simm.s32 $0x6900  }
0x7c: {  	[tilespmem:s29], [sflag:$0x1] =	stream.indirect_vreg.gather [hbm4b:s1+s4], $0x80, v3, vm0, $0xb8;
	[tilespmem:$0x10100] =	vst v63  }
0x7d: {  	v3 =	vld [tilespmem:$0x70];
	_ =	sdelay $0x4  }
0x7e: {  	v55 =	vshll.u32 v3, $0x1  }
0x7f: {  	v3 =	vand.u32 $0x7, v3;
	v4 =	vand.u32 $0xFFFFFFF0, v55  }
0x80: {  	v3 =	vor.u32 v3, v4  }
0x81: {  	v4 =	vperm.xlane v3, v0;
	_ =	sdelay $0x1  }
0x82: {  	v3 =	vperm.xlane v3, v2;
	v4 =	vadd.s32 v1, v4;
	_ =	sdelay $0x1  }
0x83: {  	v3 =	vadd.s32 v1, v3;
	_ =	sdelay $0x1  }
0x84: {  	s29 =	simm.s32 $0x7100  }
0x85: {  	[tilespmem:s29], [sflag:$0x1] =	stream.indirect_vreg.gather [hbm4b:s1+s4], $0x80, v4, vm0, $0xb8;
	[tilespmem:$0x10100] =	vst v63  }
0x86: {  	s29 =	simm.s32 $0x7900  }
0x87: {  	[tilespmem:s29], [sflag:$0x1] =	stream.indirect_vreg.gather [hbm4b:s1+s4], $0x80, v3, vm0, $0xb8;
	[tilespmem:$0x10100] =	vst v63  }
0x88: {  	v3 =	vld [tilespmem:$0x80];
	_ =	sdelay $0x4  }
0x89: {  	v56 =	vshll.u32 v3, $0x1  }
0x8a: {  	v3 =	vand.u32 $0x7, v3;
	v4 =	vand.u32 $0xFFFFFFF0, v56  }
0x8b: {  	v3 =	vor.u32 v3, v4  }
0x8c: {  	v4 =	vperm.xlane v3, v0;
	_ =	sdelay $0x1  }
0x8d: {  	v3 =	vperm.xlane v3, v2;
	v4 =	vadd.s32 v1, v4;
	_ =	sdelay $0x1  }
0x8e: {  	v3 =	vadd.s32 v1, v3;
	_ =	sdelay $0x2  }
0x8f: {  	[tilespmem:s30], [sflag:$0x2] =	stream.indirect_vreg.gather [hbm4b:s3+s4], $0x80, v4, vm0, $0xb8;
	[tilespmem:$0x10100] =	vst v63  }
0x90: {  	s29 =	simm.s32 $0x8900  }
0x91: {  	[tilespmem:s29], [sflag:$0x2] =	stream.indirect_vreg.gather [hbm4b:s3+s4], $0x80, v3, vm0, $0xb8;
	[tilespmem:$0x10100] =	vst v63  }
0x92: {  	v3 =	vld [tilespmem:$0x90];
	_ =	sdelay $0x4  }
0x93: {  	v57 =	vshll.u32 v3, $0x1  }
0x94: {  	v3 =	vand.u32 $0x7, v3;
	v4 =	vand.u32 $0xFFFFFFF0, v57  }
0x95: {  	v3 =	vor.u32 v3, v4  }
0x96: {  	v4 =	vperm.xlane v3, v0;
	_ =	sdelay $0x1  }
0x97: {  	v3 =	vperm.xlane v3, v2;
	v4 =	vadd.s32 v1, v4;
	_ =	sdelay $0x1  }
0x98: {  	v3 =	vadd.s32 v1, v3;
	_ =	sdelay $0x2  }
0x99: {  	[tilespmem:s0], [sflag:$0x2] =	stream.indirect_vreg.gather [hbm4b:s3+s4], $0x80, v4, vm0, $0xb8;
	[tilespmem:$0x10100] =	vst v63  }
0x9a: {  	_ = 	snop  }
0x9b: {  	[tilespmem:s2], [sflag:$0x2] =	stream.indirect_vreg.gather [hbm4b:s3+s4], $0x80, v3, vm0, $0xb8;
	[tilespmem:$0x10100] =	vst v63  }
0x9c: {  	v3 =	vld [tilespmem:$0xA0];
	_ =	sdelay $0x4  }
0x9d: {  	v58 =	vshll.u32 v3, $0x1  }
0x9e: {  	v3 =	vand.u32 $0x7, v3;
	v4 =	vand.u32 $0xFFFFFFF0, v58  }
0x9f: {  	v3 =	vor.u32 v3, v4  }
0xa0: {  	v4 =	vperm.xlane v3, v0;
	_ =	sdelay $0x1  }
0xa1: {  	v3 =	vperm.xlane v3, v2;
	v4 =	vadd.s32 v1, v4;
	_ =	sdelay $0x1  }
0xa2: {  	v3 =	vadd.s32 v1, v3;
	_ =	sdelay $0x2  }
0xa3: {  	[tilespmem:s5], [sflag:$0x2] =	stream.indirect_vreg.gather [hbm4b:s3+s4], $0x80, v4, vm0, $0xb8;
	[tilespmem:$0x10100] =	vst v63  }
0xa4: {  	_ = 	snop  }
0xa5: {  	[tilespmem:s8], [sflag:$0x2] =	stream.indirect_vreg.gather [hbm4b:s3+s4], $0x80, v3, vm0, $0xb8;
	[tilespmem:$0x10100] =	vst v63  }
0xa6: {  	v3 =	vld [tilespmem:$0xB0];
	_ =	sdelay $0x4  }
0xa7: {  	v59 =	vshll.u32 v3, $0x1  }
0xa8: {  	v3 =	vand.u32 $0x7, v3;
	v4 =	vand.u32 $0xFFFFFFF0, v59  }
0xa9: {  	v3 =	vor.u32 v3, v4  }
0xaa: {  	v4 =	vperm.xlane v3, v0;
	_ =	sdelay $0x1  }
0xab: {  	v3 =	vperm.xlane v3, v2;
	v4 =	vadd.s32 v1, v4;
	_ =	sdelay $0x1  }
0xac: {  	v3 =	vadd.s32 v1, v3;
	_ =	sdelay $0x2  }
0xad: {  	[tilespmem:s9], [sflag:$0x2] =	stream.indirect_vreg.gather [hbm4b:s3+s4], $0x80, v4, vm0, $0xb8;
	[tilespmem:$0x10100] =	vst v63  }
0xae: {  	_ = 	snop  }
0xaf: {  	[tilespmem:s10], [sflag:$0x2] =	stream.indirect_vreg.gather [hbm4b:s3+s4], $0x80, v3, vm0, $0xb8;
	[tilespmem:$0x10100] =	vst v63  }
0xb0: {  	v3 =	vld [tilespmem:$0xC0];
	_ =	sdelay $0x4  }
0xb1: {  	v60 =	vshll.u32 v3, $0x1  }
0xb2: {  	v3 =	vand.u32 $0x7, v3;
	v4 =	vand.u32 $0xFFFFFFF0, v60  }
0xb3: {  	v3 =	vor.u32 v3, v4  }
0xb4: {  	v4 =	vperm.xlane v3, v0;
	_ =	sdelay $0x1  }
0xb5: {  	v3 =	vperm.xlane v3, v2;
	v4 =	vadd.s32 v1, v4;
	_ =	sdelay $0x1  }
0xb6: {  	v3 =	vadd.s32 v1, v3;
	_ =	sdelay $0x2  }
0xb7: {  	[tilespmem:s12], [sflag:$0x2] =	stream.indirect_vreg.gather [hbm4b:s3+s4], $0x80, v4, vm0, $0xb8;
	[tilespmem:$0x10100] =	vst v63  }
0xb8: {  	_ = 	snop  }
0xb9: {  	[tilespmem:s14], [sflag:$0x2] =	stream.indirect_vreg.gather [hbm4b:s3+s4], $0x80, v3, vm0, $0xb8;
	[tilespmem:$0x10100] =	vst v63  }
0xba: {  	v3 =	vld [tilespmem:$0xD0];
	_ =	sdelay $0x4  }
0xbb: {  	v61 =	vshll.u32 v3, $0x1  }
0xbc: {  	v3 =	vand.u32 $0x7, v3;
	v4 =	vand.u32 $0xFFFFFFF0, v61  }
0xbd: {  	v3 =	vor.u32 v3, v4  }
0xbe: {  	v4 =	vperm.xlane v3, v0;
	_ =	sdelay $0x1  }
0xbf: {  	v3 =	vperm.xlane v3, v2;
	v4 =	vadd.s32 v1, v4;
	_ =	sdelay $0x1  }
0xc0: {  	v3 =	vadd.s32 v1, v3;
	_ =	sdelay $0x2  }
0xc1: {  	[tilespmem:s15], [sflag:$0x2] =	stream.indirect_vreg.gather [hbm4b:s3+s4], $0x80, v4, vm0, $0xb8;
	[tilespmem:$0x10100] =	vst v63  }
0xc2: {  	_ = 	snop  }
0xc3: {  	[tilespmem:s16], [sflag:$0x2] =	stream.indirect_vreg.gather [hbm4b:s3+s4], $0x80, v3, vm0, $0xb8;
	[tilespmem:$0x10100] =	vst v63  }
0xc4: {  	v3 =	vld [tilespmem:$0xE0];
	_ =	sdelay $0x4  }
0xc5: {  	v62 =	vshll.u32 v3, $0x1  }
0xc6: {  	v3 =	vand.u32 $0x7, v3;
	v4 =	vand.u32 $0xFFFFFFF0, v62  }
0xc7: {  	v3 =	vor.u32 v3, v4  }
0xc8: {  	v4 =	vperm.xlane v3, v0;
	_ =	sdelay $0x1  }
0xc9: {  	v3 =	vperm.xlane v3, v2;
	v4 =	vadd.s32 v1, v4;
	_ =	sdelay $0x1  }
0xca: {  	v3 =	vadd.s32 v1, v3;
	_ =	sdelay $0x2  }
0xcb: {  	[tilespmem:s17], [sflag:$0x2] =	stream.indirect_vreg.gather [hbm4b:s3+s4], $0x80, v4, vm0, $0xb8;
	[tilespmem:$0x10100] =	vst v63  }
0xcc: {  	_ = 	snop  }
0xcd: {  	[tilespmem:s18], [sflag:$0x2] =	stream.indirect_vreg.gather [hbm4b:s3+s4], $0x80, v3, vm0, $0xb8;
	[tilespmem:$0x10100] =	vst v63  }
0xce: {  	v3 =	vld [tilespmem:$0xF0];
	_ =	sdelay $0x4  }
0xcf: {  	v63 =	vshll.u32 v3, $0x1  }
0xd0: {  	v3 =	vand.u32 $0x7, v3;
	v4 =	vand.u32 $0xFFFFFFF0, v63  }
0xd1: {  	v3 =	vor.u32 v3, v4  }
0xd2: {  	v4 =	vperm.xlane v3, v0;
	_ =	sdelay $0x1  }
0xd3: {  	v3 =	vperm.xlane v3, v2;
	v4 =	vadd.s32 v1, v4;
	_ =	sdelay $0x1  }
0xd4: {  	v3 =	vadd.s32 v1, v3;
	_ =	sdelay $0x2  }
0xd5: {  	[tilespmem:s19], [sflag:$0x2] =	stream.indirect_vreg.gather [hbm4b:s3+s4], $0x80, v4, vm0, $0xb8;
	[tilespmem:$0x10100] =	vst v63  }
0xd6: {  	_ = 	snop  }
0xd7: {  	[tilespmem:s20], [sflag:$0x2] =	stream.indirect_vreg.gather [hbm4b:s3+s4], $0x80, v3, vm0, $0xb8;
	[tilespmem:$0x10100] =	vst v63  }
0xd8: {  	_ =	swait.ge [sflag:s21], $0x8000  }
0xd9: {  	[sflag:s21] =	ssyncset.done $0x0  }
0xda: {  	[sflag:s21] =	ssyncadd.s32 $0xFFFF8000  }
0xdb: {  	_ =	swait.ge [sflag:s22], $0x8000  }
0xdc: {  	[sflag:s22] =	ssyncset.done $0x0  }
0xdd: {  	[sflag:s22] =	ssyncadd.s32 $0xFFFF8000  }
0xde: {  	[hbm4b:s25+s4] =	stream.linear.scatter [tilespmem:s13], [sflag:$0x4], $0x8000, $0x38;
	[tilespmem:$0x10100] =	vst v63  }
0xdf: {  	_ =	swait.ge [sflag:s11], $0x8000  }
0xe0: {  	[sflag:s11] =	ssyncset.done $0x0  }
.Ltmp5:
0xe1: {  	[sflag:s11] =	ssyncadd.s32 $0xFFFF8000;
	(pc) =	sbr.rel .LBB2_4-.Ltmp5, $4  }
0xe2: {  	[hbm4b:s26+s4] =	stream.linear.scatter [tilespmem:s30], [sflag:$0x3], $0x8000, $0x38;
	[tilespmem:$0x10100] =	vst v63  }
0xe3: {  	_ =	swait.ge [sflag:s23], $0x8000  }
0xe4: {  	[sflag:s23] =	ssyncset.done $0x0  }
0xe5: {  	[sflag:s23] =	ssyncadd.s32 $0xFFFF8000  }
.LBB2_6:
0xe6: {  	_ =	sfence.sel $0x180000  }
0xe7: {  	[bflag:$0x0] =	sbarrier.arrive $0xFFFF  }
0xe8: {  	_ =	strace $0x90000047  }
0xe9: {  	s0 =	stileid.u32;
	[bflag:$0x2] =	sbarrier.arrive $0xFFFF  }
0xea: {  	p0 =	sne.s32 s0, $0x0;
	s0 =	rddreg [dreg:$0x3]  }
0xeb: {  	s0 =	sadd.s32 @!p0 $0x100000, s0  }
0xec: {  	[sflag:s0] =	ssyncadd.tile.s32 @!p0 $0x1;
	_ =	shalt  }
.Lfunc_end2:
_tile_overlayer_lowered:
.L_overlay_start_2:
0xed: {  	(tag) =	ssettag $0x2  }
0xee: {  	s0 =	rddreg [dreg:$0x0];
	s2 =	stileid.u32  }
0xef: {  	s1 =	rddreg [dreg:$0x1];
	p0 =	sne.s32 s2, $0x0  }
0xf0: {  	s3 =	rddreg [dreg:$0x2];
	[bflag:$0x3] =	sbarrier.arrive $0xFFFF;
	s2 =	simm.s32 @!p0 $0x1C03  }
0xf1: {  	[timem:s3], [sflag:s2] =	dma.local @!p0 [hbm:s0], s1  }
0xf2: {  	s0 =	simm.s32 @!p0 $0x3  }
0xf3: {  	_ =	swait.ge @!p0 [sflag:s0], s1  }
0xf4: {  	s1 =	ssub.s32 @!p0 $0x0, s1;
	[sflag:s0] =	ssyncset.done @!p0 $0x0  }
0xf5: {  	[sflag:s0] =	ssyncadd.s32 @!p0 s1  }
0xf6: {  	[bflag:$0x3] =	sbarrier.arrive $0xFFFF  }
0xf7: {  	_ =	shalt  }

// kernel: kernel.13.cloned.1.call-start
scs
__scs_entry_jumppad:
0x0: {  	(pc) =	sbr.rel $0x88, $3  }
0x1: {  	(tag) =	ssettag $0x0;
	lr =	simm.s32 $0x1  }
0x2: {  	[smem:$0x3F8E] =	sst lr;
	_ =	strace $0xD0000000  }
0x3: {  	_ = 	snop  }
0x4: {  	_ = 	snop  }
0x5: {  	_ = 	snop  }
0x6: {  	_ = 	snop  }
0x7: {  	_ = 	snop  }
__scs_overlays_trampoline_lowered:
0x8: {  	[smem:$0x3F9D] =	sst s0  }
0x9: {  	[smem:$0x3F9E] =	sst s1  }
0xa: {  	[smem:$0x3F9F] =	sst s2  }
0xb: {  	[smem:$0x3FA0] =	sst s3  }
0xc: {  	[smem:$0x3FA1] =	sst s4  }
0xd: {  	[smem:$0x3FA2] =	sst s5  }
0xe: {  	[smem:$0x3FA3] =	sst s6  }
0xf: {  	[smem:$0x3FA4] =	sst s7  }
0x10: {  	[smem:$0x3FA5] =	sst s8  }
0x11: {  	[smem:$0x3FA6] =	sst s9;
	s0 =	simm.s32 @!p0 $0x0  }
0x12: {  	s1 =	sld [smem:$0x3F8C];
	s0 =	simm.s32 @p0 $0x1  }
0x13: {  	[smem:$0x3FA7] =	sst s0;
	s0 =	simm.s32 @!p1 $0x0  }
0x14: {  	s2 =	sld [smem:$0x3F8B];
	s0 =	simm.s32 @p1 $0x1  }
0x15: {  	[smem:$0x3FA8] =	sst s0;
	s0 =	simm.s32 @!p2 $0x0  }
0x16: {  	s3 =	sld [smem:$0x3FDB];
	s0 =	simm.s32 @p2 $0x1  }
0x17: {  	s4 =	simm.s32 $0x1BF5;
	[smem:$0x3FAA] =	sst s0  }
0x18: {  	s0 =	sld [smem:$0x3F8D];
	_ =	swait.ge [sflag:s4], $0x0  }
0x19: {  	s7 =	sld [smem:$0x3F8E]  }
0x1a: {  	s8 =	sadd.s32 $0xFFFFE003, lr  }
0x1b: {  	s9 =	sadd.s32 $0xFFFFFEF7, lr;
	s5 =	simm.s32 $0xFFFFFFFF;
	p2 =	slt.u32 s8, $0xFFFFF086  }
0x1c: {  	p1 =	slt.u32 s9, $0xF7A;
	s5 =	simm.s32 @!p2 $0x0  }
0x1d: {  	s5 =	simm.s32 @p1 $0x1;
	p0 =	seq.s32 s7, s2  }
0x1e: {  	s7 =	smul.u32 @!p0 $0xF7A, s2;
	p2 =	seq.s32 @!p0 s5, $0x0  }
0x1f: {  	s9 =	smul.u32 $0xF7A, s1;
	s8 =	simm.s32 @!p0 $0x1BF5;
	p2 =	por !p2, p0  }
0x20: {  	[sflag:s8] =	ssyncset.s32 @!p0 $0xFFFFF086;
	s6 =	sadd.s32 @!p0 s3, s7;
	s7 =	simm.s32 @!p0 $0x108  }
0x21: {  	s3 =	sadd.s32 s3, s9;
	s6 =	sadd.s32 @!p0 $0x88, s6;
	s7 =	simm.s32 @p2 $0x1082  }
0x22: {  	[simem:s7], [sflag:s8] =	dma.local @!p0 [hbm:s6], $0xF7A  }
0x23: {  	s9 =	sor.u32 $0xD0000000, s2;
	s6 =	simm.s32 $0x108;
	_ =	swait.ge @!p0 [sflag:s8], $0x0  }
0x24: {  	s3 =	sadd.s32 $0x88, s3;
	s6 =	simm.s32 @!p1 $0x1082;
	[sflag:s4] =	ssyncset.s32 $0xFFFFF086  }
0x25: {  	[simem:s6], [sflag:s4] =	dma.local [hbm:s3], $0xF7A  }
0x26: {  	[smem:$0x3F8E] =	sst s1;
	(tag) =	ssettag s2;
	_ =	strace s9  }
0x27: {  	s1 =	sld [smem:$0x3F9E]  }
0x28: {  	s2 =	sld [smem:$0x3F9F]  }
0x29: {  	s4 =	sld [smem:$0x3FA1]  }
0x2a: {  	p0 =	seq.s32 s5, $0x0;
	s5 =	sld [smem:$0x3FA2]  }
0x2b: {  	s6 =	sld [smem:$0x3FA3]  }
0x2c: {  	s7 =	sld [smem:$0x3FA4]  }
0x2d: {  	s3 =	simm.s32 $0x108;
	s8 =	sld [smem:$0x3FA5]  }
0x2e: {  	s3 =	simm.s32 @!p0 $0x1082;
	s9 =	sld [smem:$0x3FA6]  }
0x2f: {  	lr =	sadd.s32 s0, s3;
	s0 =	sld [smem:$0x3F9D]  }
0x30: {  	s3 =	sld [smem:$0x3FA0]  }
0x31: {  	[smem:$0x3FA9] =	sst s10  }
0x32: {  	s10 =	sld [smem:$0x3FA7];
	_ =	sdelay $0x3  }
0x33: {  	p0 =	seq.s32 s10, $0x1;
	s10 =	sld [smem:$0x3FA9];
	_ =	sdelay $0x3  }
0x34: {  	[smem:$0x3FA9] =	sst s10  }
0x35: {  	s10 =	sld [smem:$0x3FA8];
	_ =	sdelay $0x3  }
0x36: {  	p1 =	seq.s32 s10, $0x1;
	s10 =	sld [smem:$0x3FA9];
	_ =	sdelay $0x3  }
0x37: {  	[smem:$0x3FA9] =	sst s10  }
0x38: {  	s10 =	sld [smem:$0x3FAA]  }
0x39: {  	_ = 	snop;
	(pc) =	sbr.ind lr, $3  }
0x3a: {  	_ = 	snop  }
0x3b: {  	_ = 	snop  }
0x3c: {  	p2 =	seq.s32 s10, $0x1;
	s10 =	sld [smem:$0x3FA9]  }
0x3d: {  	_ =	shalt  }
0x3e: {  	_ =	shalt  }
0x3f: {  	_ =	shalt  }
0x40: {  	_ =	shalt  }
0x41: {  	_ =	shalt  }
0x42: {  	_ =	shalt  }
0x43: {  	_ =	shalt  }
0x44: {  	_ =	shalt  }
0x45: {  	_ =	shalt  }
0x46: {  	_ =	shalt  }
0x47: {  	_ =	shalt  }
0x48: {  	_ =	shalt  }
0x49: {  	_ =	shalt  }
0x4a: {  	_ =	shalt  }
0x4b: {  	_ =	shalt  }
0x4c: {  	_ =	shalt  }
0x4d: {  	_ =	shalt  }
0x4e: {  	_ =	shalt  }
0x4f: {  	_ =	shalt  }
0x50: {  	_ =	shalt  }
0x51: {  	_ =	shalt  }
0x52: {  	_ =	shalt  }
0x53: {  	_ =	shalt  }
0x54: {  	_ =	shalt  }
0x55: {  	_ =	shalt  }
0x56: {  	_ =	shalt  }
0x57: {  	_ =	shalt  }
0x58: {  	_ =	shalt  }
0x59: {  	_ =	shalt  }
0x5a: {  	_ =	shalt  }
0x5b: {  	_ =	shalt  }
0x5c: {  	_ =	shalt  }
0x5d: {  	_ =	shalt  }
0x5e: {  	_ =	shalt  }
0x5f: {  	_ =	shalt  }
0x60: {  	_ =	shalt  }
0x61: {  	_ =	shalt  }
0x62: {  	_ =	shalt  }
0x63: {  	_ =	shalt  }
0x64: {  	_ =	shalt  }
0x65: {  	_ =	shalt  }
0x66: {  	_ =	shalt  }
0x67: {  	_ =	shalt  }
0x68: {  	_ =	shalt  }
0x69: {  	_ =	shalt  }
0x6a: {  	_ =	shalt  }
0x6b: {  	_ =	shalt  }
0x6c: {  	_ =	shalt  }
0x6d: {  	_ =	shalt  }
0x6e: {  	_ =	shalt  }
0x6f: {  	_ =	shalt  }
0x70: {  	_ =	shalt  }
0x71: {  	_ =	shalt  }
0x72: {  	_ =	shalt  }
0x73: {  	_ =	shalt  }
0x74: {  	_ =	shalt  }
0x75: {  	_ =	shalt  }
0x76: {  	_ =	shalt  }
0x77: {  	_ =	shalt  }
0x78: {  	_ =	shalt  }
0x79: {  	_ =	shalt  }
0x7a: {  	_ =	shalt  }
0x7b: {  	_ =	shalt  }
0x7c: {  	_ =	shalt  }
0x7d: {  	_ =	shalt  }
0x7e: {  	_ =	shalt  }
0x7f: {  	_ =	shalt  }
0x80: {  	_ =	shalt  }
0x81: {  	_ =	shalt  }
0x82: {  	_ =	shalt  }
0x83: {  	_ =	shalt  }
0x84: {  	_ =	shalt  }
0x85: {  	_ =	shalt  }
0x86: {  	_ =	shalt  }
0x87: {  	_ =	shalt  }
.Lfunc_end0:
.L_simem_size_0:
called_computation.1_lowered:
.L_overlay_start_0:
0x88: {  	s2 =	sld [smem:$0x3FD9]  }
0x89: {  	s3 =	sld [smem:$0x3FFE];
	_ =	sdelay $0x1  }
0x8a: {  	s1 =	srdreg.scid  }
0x8b: {  	s0 =	sand.u32 $0x1, s1  }
0x8c: {  	s15 =	sshll.u32 s0, $0xA;
	s2 =	sadd.s32 s3, s2  }
0x8d: {  	s2 =	sadd.s32 s2, s15  }
0x8e: {  	[smem:$0x3FB5] =	sst s2  }
0x8f: {  	_ = 	snop  }
0x90: {  	s2 =	sld [smem:$0x3FD0];
	_ =	sdelay $0x2  }
0x91: {  	s4 =	simm.s32 $0xB;
	s16 =	simm.s32 $0x10  }
0x92: {  	[smem:s16], [sflag:s4] =	dma.local [hbm:s2], $0x1  }
0x93: {  	_ =	swait.eq [sflag:s4], $0x1  }
0x94: {  	[sflag:s4] =	ssyncset.done $0x0  }
0x95: {  	s17 =	sld [smem:$0x10];
	[sflag:s4] =	ssyncadd.s32 $0xFFFFFFFF  }
0x96: {  	s18 =	sld [smem:$0x11];
	(tm) =	ssettm $0x1  }
0x97: {  	s19 =	sld [smem:$0x3FFB];
	_ =	sdelay $0x3  }
0x98: {  	_ =	strace s19  }
0x99: {  	s2 =	sld [smem:$0x3FFC];
	_ =	sdelay $0x3  }
0x9a: {  	_ =	strace s2  }
0x9b: {  	s2 =	sld [smem:$0x3FFD];
	_ =	sdelay $0x3  }
0x9c: {  	_ =	strace s2  }
0x9d: {  	_ =	strace $0x8FFFFFFF  }
0x9e: {  	s20 =	sld [smem:$0x3FDB];
	_ =	sdelay $0x1  }
0x9f: {  	s5 =	simm.s32 $_scs_section_size  }
0xa0: {  	s6 =	simm.s32 $_size__tile_overlayer_lowered;
	s7 =	simm.s32 $_tile_overlayer_lowered  }
0xa1: {  	s8 =	simm.s32 $0x1BFF;
	s21 =	sshll.u32 s7, $0x1;
	s5 =	sadd.s32 s5, s20  }
0xa2: {  	s22 =	simm.s32 $0x0;
	s6 =	sshll.u32 s6, $0x1;
	s7 =	sadd.s32 s21, s5  }
0xa3: {  	[timem:s22], [sflag:s8] =	dma.local [hbm:s7], s6  }
0xa4: {  	_ =	swait.ge [sflag:s8], s6  }
0xa5: {  	s6 =	ssub.s32 $0x0, s6;
	[sflag:s8] =	ssyncset.done $0x0  }
0xa6: {  	[sflag:s8] =	ssyncadd.s32 s6;
	_ =	sdelay $0x1  }
0xa7: {  	s23 =	simm.s32 $0x1B8B  }
0xa8: {  	_ =	swait.ge [sflag:s23], $0x1  }
0xa9: {  	[sflag:s23] =	ssyncset.done $0x0  }
0xaa: {  	[sflag:s23] =	ssyncadd.s32 $0xFFFFFFFF  }
0xab: {  	s6 =	sld [smem:$0x0]  }
0xac: {  	s7 =	sand.u32 $0xFFFFFFFE, s1  }
0xad: {  	p0 =	sne.s32 s1, s7  }
0xae: {  	s7 =	sshll.u32 @p0 s7, $0xE  }
0xaf: {  	s7 =	sadd.s32 @p0 $0x11B8D, s7;
	s8 =	sshll.u32 @p0 s6, $0x11  }
0xb0: {  	s7 =	sor.u32 @p0 s8, s7  }
0xb1: {  	[sflag:s7] =	ssyncadd.remote.s32 @p0 $0x1;
	_ =	sdelay $0x1  }
0xb2: {  	s7 =	simm.s32 @p0 $0x1B8D  }
0xb3: {  	_ =	swait.eq @p0 [sflag:s7], $0x1  }
0xb4: {  	[sflag:s7] =	ssyncadd.s32 @p0 $0xFFFFFFFF  }
0xb5: {  	s8 =	sshll.u32 @!p0 s1, $0xE  }
0xb6: {  	s8 =	sor.u32 @!p0 $0x4000, s8;
	s7 =	simm.s32 @!p0 $0x1B8D  }
0xb7: {  	s6 =	sshll.u32 @!p0 s6, $0x11;
	s8 =	sadd.s32 @!p0 $0x11B8D, s8;
	_ =	swait.eq @!p0 [sflag:s7], $0x1  }
0xb8: {  	s6 =	sor.u32 @!p0 s6, s8;
	[sflag:s7] =	ssyncadd.s32 @!p0 $0xFFFFFFFF  }
0xb9: {  	s25 =	simm.s32 $0x1B8E;
	s24 =	sld [smem:$0x3FFE];
	[sflag:s6] =	ssyncadd.remote.s32 @!p0 $0x1  }
0xba: {  	s26 =	simm.s32 $execute0_lowered;
	[smem:$0x3FD2] =	sst s25  }
0xbb: {  	s7 =	sshll.u32 s26, $0x1;
	_ =	strace $0x80000049;
	[dreg:$0x1] =	wrdreg $0xFFFFFFFF  }
0xbc: {  	s28 =	simm.s32 $_size_execute0_lowered;
	s5 =	sadd.s32 s5, s7;
	[dreg:$0x0] =	wrdreg $0x0  }
0xbd: {  	s7 =	sshll.u32 s28, $0x1;
	[dreg:$0x2] =	wrdreg s5  }
0xbe: {  	[dreg:$0x3] =	wrdreg s7  }
0xbf: {  	[dreg:$0x4] =	wrdreg $0xC0  }
0xc0: {  	_ =	task [dreg:s22], $0x5FFFF  }
0xc1: {  	[dreg:$0x1] =	wrdreg $0xFFFFFFFF  }
0xc2: {  	[dreg:$0x0] =	wrdreg $0x60  }
0xc3: {  	[dreg:$0x2] =	wrdreg s17  }
0xc4: {  	[dreg:$0x3] =	wrdreg s18  }
0xc5: {  	[dreg:$0x4] =	wrdreg s24  }
0xc6: {  	[dreg:$0x5] =	wrdreg $0x9  }
0xc7: {  	_ =	task.clear_ibuf [dreg:s22], $0x6FFFF;
	_ =	strace $0x90000049  }
0xc8: {  	s29 =	simm.s32 $0x9;
	_ =	strace $0x8000004B  }
0xc9: {  	_ =	swait.ge [sflag:s29], $0x1  }
0xca: {  	[sflag:s29] =	ssyncadd.s32 $0xFFFFFFFF  }
0xcb: {  	_ =	strace $0x9000004B  }
0xcc: {  	_ =	sfence  }
0xcd: {  	s30 =	sld [smem:$0x0];
	_ =	sdelay $0x2  }
0xce: {  	s31 =	sshll.u32 s1, $0xD;
	s1 =	sshrl.u32 s1, $0x2  }
0xcf: {  	s4 =	sand.u32 $0x4000, s31;
	s1 =	sadd.s32 s1, s30  }
0xd0: {  	s0 =	sor.u32 s4, s0;
	s1 =	sshll.u32 s1, $0x11  }
0xd1: {  	s0 =	sor.u32 s1, s0  }
0xd2: {  	s0 =	sadd.s32 $0x8F2B, s0  }
0xd3: {  	[sflag:s0] =	ssyncadd.remote.s32 $0x1  }
0xd4: {  	_ =	sfence.sel $0xFFFF  }
0xd5: {  	[dreg:$0x0] =	wrdreg $0xFFFFFFFF;
	(pc) =	sbr.abs _section_cstart, $3  }
0xd6: {  	[dreg:$0x1] =	wrdreg $0xFFFFFFFF  }
0xd7: {  	_ =	task.clear_ibuf [dreg:s22], $0x2FFFF;
	_ =	strace $0x9FFFFFFF  }
0xd8: {  	(tm) =	ssettm $0x7FFFFFFF  }
0xd9: {  	_ =	shalt  }
tec
execute0_lowered:
.L_overlay_start_1:
0x0: {  	(tag) =	ssettag $0x1  }
0x1: {  	s1 =	rddreg [dreg:$0x0]  }
0x2: {  	s2 =	rddreg [dreg:$0x1]  }
0x3: {  	s0 =	rddreg [dreg:$0x2];
	s3 =	simm.s32 $0x0  }
0x4: {  	s29 =	srdreg.scid;
	s4 =	stileid.u32;
	s11 =	simm.s32 $0x4  }
0x5: {  	s13 =	simm.s32 $0x100;
	s10 =	simm.s32 $0xA100;
	s12 =	simm.s32 $0xB100  }
0x6: {  	s14 =	simm.s32 $0xB900;
	s15 =	simm.s32 $0xC100;
	s16 =	simm.s32 $0xC900  }
0x7: {  	s17 =	simm.s32 $0xD100;
	s18 =	simm.s32 $0xD900;
	s19 =	simm.s32 $0xE100  }
0x8: {  	s20 =	simm.s32 $0xE900;
	s21 =	simm.s32 $0xF100;
	s22 =	simm.s32 $0xF900  }
0x9: {  	s23 =	simm.s32 $0x1;
	s24 =	simm.s32 $0x2;
	s25 =	simm.s32 $0x3  }
0xa: {  	[smem:$0x7FF] =	sst s3;
	s3 =	sand.u32 $0x1, s29;
	s4 =	sshll.u32 s4, $0x1  }
.Ltmp0:
0xb: {  	s5 =	sadd.s32 $0x9D2600, s0;
	s9 =	ssub.s32 $0x2, s3;
	(pc) =	sbr.rel .LBB2_1-.Ltmp0, $4  }
0xc: {  	s7 =	sadd.s32 $0x9D7600, s0;
	s8 =	sadd.s32 $0x9DC600, s0;
	s30 =	sshrl.u32 s9, $0x1  }
0xd: {  	v2 =	vlaneseq.u32;
	_ =	strace $0x8000004A;
	s6 =	sor.u32 s3, s4;
	s31 =	ssub.s32 s9, s30  }
0xe: {  	vm0 =	vmmov $0xffff;
	v1 =	vshrl.u32 v2, $0x3;
	s3 =	simm.s32 $0x0;
	s4 =	sshll.u32 s6, $0x4;
	s0 =	smax.u32 s31, $0x1  }
0xf: {  	v0 =	vand.u32 $0x7, v2;
	v2 =	vor.u32 $0x8, v2;
	v1 =	vmul.u32 $0x8, v1;
	s9 =	sand.u32 $0x70, s4;
	s4 =	simm.s32 $0xA900;
	[dreg:$0x4] =	wrdreg s0  }
.LBB2_7:
0x10: {  	s3 =	rddreg [dreg:$0x5]  }
0x11: {  	s0 =	rddreg [dreg:$0x4];
	s3 =	sadd.s32 $0x1, s3  }
0x12: {  	p0 =	sne.s32 s3, s0  }
.Ltmp1:
0x13: {  	_ = 	snop;
	(pc) =	sbr.rel @!p0 .LBB2_8-.Ltmp1, $1  }
0x14: {  	_ =	sdelay $0x3  }
.LBB2_1:
.Ltmp2:
0x15: {  	(pc) =	sbr.rel .LBB2_2-.Ltmp2, $2  }
0x16: {  	_ =	sdelay $0x2  }
0x17: {  	[dreg:$0x5] =	wrdreg s3;
	s26 =	simm.s32 $0x0  }
.LBB2_6:
0x18: {  	s26 =	sadd.s32 $0x1, s26  }
0x19: {  	p0 =	sne.s32 s26, $0x28  }
.Ltmp3:
0x1a: {  	_ = 	snop;
	(pc) =	sbr.rel @!p0 .LBB2_7-.Ltmp3, $1  }
0x1b: {  	_ =	sdelay $0x3  }
.LBB2_2:
0x1c: {  	s28 =	sshll.u32 s26, $0x5  }
0x1d: {  	s28 =	sor.u32 s6, s28  }
0x1e: {  	p0 =	sgt.u32 s28, $0x4E1  }
.Ltmp4:
0x1f: {  	_ = 	snop;
	(pc) =	sbr.rel @p0 .LBB2_6-.Ltmp4, $1  }
0x20: {  	_ =	sdelay $0x3  }
0x21: {  	s29 =	sshll.u32 s28, $0x4  }
0x22: {  	s29 =	sand.u32 $0x7F80, s29  }
0x23: {  	s30 =	sor.u32 s9, s29  }
0x24: {  	s29 =	simm.s32 $0x0;
	s31 =	sadd.s32 s5, s30  }
0x25: {  	[tilespmem:s29], [sflag:$0x4] =	stream.linear.gather [hbm4b:s31+s29], $0x80, $0x38;
	[tilespmem:$0x10100] =	vst v63  }
0x26: {  	_ =	swait.ge [sflag:s11], $0x80  }
0x27: {  	[sflag:s11] =	ssyncset.done $0x0  }
0x28: {  	s0 =	simm.s32 $0x80;
	s30 =	sadd.s32 s7, s30;
	[sflag:s11] =	ssyncadd.s32 $0xFFFFFF80  }
0x29: {  	[tilespmem:s0], [sflag:$0x4] =	stream.linear.gather [hbm4b:s30+s29], $0x80, $0x38;
	[tilespmem:$0x10100] =	vst v63  }
0x2a: {  	_ =	swait.ge [sflag:s11], $0x80  }
0x2b: {  	[sflag:s11] =	ssyncset.done $0x0  }
0x2c: {  	[sflag:s11] =	ssyncadd.s32 $0xFFFFFF80  }
0x2d: {  	v3 =	vld [tilespmem:$0x0];
	_ =	sdelay $0x4  }
0x2e: {  	v4 =	vshll.u32 v3, $0x1  }
0x2f: {  	v3 =	vand.u32 $0x7, v3;
	v4 =	vand.u32 $0xFFFFFFF0, v4  }
0x30: {  	v3 =	vor.u32 v3, v4  }
0x31: {  	v4 =	vperm.xlane v3, v0;
	_ =	sdelay $0x1  }
0x32: {  	v3 =	vperm.xlane v3, v2;
	v4 =	vadd.s32 v1, v4;
	_ =	sdelay $0x1  }
0x33: {  	v3 =	vadd.s32 v1, v3;
	_ =	sdelay $0x2  }
0x34: {  	[tilespmem:s13], [sflag:$0x1] =	stream.indirect_vreg.gather [hbm4b:s1+s29], $0x80, v4, vm0, $0xb8;
	[tilespmem:$0x10100] =	vst v63  }
0x35: {  	s3 =	simm.s32 $0x900  }
0x36: {  	[tilespmem:s3], [sflag:$0x1] =	stream.indirect_vreg.gather [hbm4b:s1+s29], $0x80, v3, vm0, $0xb8;
	[tilespmem:$0x10100] =	vst v63  }
0x37: {  	v3 =	vld [tilespmem:$0x10];
	_ =	sdelay $0x4  }
0x38: {  	v4 =	vshll.u32 v3, $0x1  }
0x39: {  	v3 =	vand.u32 $0x7, v3;
	v4 =	vand.u32 $0xFFFFFFF0, v4  }
0x3a: {  	v3 =	vor.u32 v3, v4  }
0x3b: {  	v4 =	vperm.xlane v3, v0;
	_ =	sdelay $0x1  }
0x3c: {  	v3 =	vperm.xlane v3, v2;
	v4 =	vadd.s32 v1, v4;
	_ =	sdelay $0x1  }
0x3d: {  	v3 =	vadd.s32 v1, v3;
	_ =	sdelay $0x1  }
0x3e: {  	s3 =	simm.s32 $0x1100  }
0x3f: {  	[tilespmem:s3], [sflag:$0x1] =	stream.indirect_vreg.gather [hbm4b:s1+s29], $0x80, v4, vm0, $0xb8;
	[tilespmem:$0x10100] =	vst v63  }
0x40: {  	s3 =	simm.s32 $0x1900  }
0x41: {  	[tilespmem:s3], [sflag:$0x1] =	stream.indirect_vreg.gather [hbm4b:s1+s29], $0x80, v3, vm0, $0xb8;
	[tilespmem:$0x10100] =	vst v63  }
0x42: {  	v3 =	vld [tilespmem:$0x20];
	_ =	sdelay $0x4  }
0x43: {  	v4 =	vshll.u32 v3, $0x1  }
0x44: {  	v3 =	vand.u32 $0x7, v3;
	v4 =	vand.u32 $0xFFFFFFF0, v4  }
0x45: {  	v3 =	vor.u32 v3, v4  }
0x46: {  	v4 =	vperm.xlane v3, v0;
	_ =	sdelay $0x1  }
0x47: {  	v3 =	vperm.xlane v3, v2;
	v4 =	vadd.s32 v1, v4;
	_ =	sdelay $0x1  }
0x48: {  	v3 =	vadd.s32 v1, v3;
	_ =	sdelay $0x1  }
0x49: {  	s3 =	simm.s32 $0x2100  }
0x4a: {  	[tilespmem:s3], [sflag:$0x1] =	stream.indirect_vreg.gather [hbm4b:s1+s29], $0x80, v4, vm0, $0xb8;
	[tilespmem:$0x10100] =	vst v63  }
0x4b: {  	s3 =	simm.s32 $0x2900  }
0x4c: {  	[tilespmem:s3], [sflag:$0x1] =	stream.indirect_vreg.gather [hbm4b:s1+s29], $0x80, v3, vm0, $0xb8;
	[tilespmem:$0x10100] =	vst v63  }
0x4d: {  	v3 =	vld [tilespmem:$0x30];
	_ =	sdelay $0x4  }
0x4e: {  	v4 =	vshll.u32 v3, $0x1  }
0x4f: {  	v3 =	vand.u32 $0x7, v3;
	v4 =	vand.u32 $0xFFFFFFF0, v4  }
0x50: {  	v3 =	vor.u32 v3, v4  }
0x51: {  	v4 =	vperm.xlane v3, v0;
	_ =	sdelay $0x1  }
0x52: {  	v3 =	vperm.xlane v3, v2;
	v4 =	vadd.s32 v1, v4;
	_ =	sdelay $0x1  }
0x53: {  	v3 =	vadd.s32 v1, v3;
	_ =	sdelay $0x1  }
0x54: {  	s3 =	simm.s32 $0x3100  }
0x55: {  	[tilespmem:s3], [sflag:$0x1] =	stream.indirect_vreg.gather [hbm4b:s1+s29], $0x80, v4, vm0, $0xb8;
	[tilespmem:$0x10100] =	vst v63  }
0x56: {  	s3 =	simm.s32 $0x3900  }
0x57: {  	[tilespmem:s3], [sflag:$0x1] =	stream.indirect_vreg.gather [hbm4b:s1+s29], $0x80, v3, vm0, $0xb8;
	[tilespmem:$0x10100] =	vst v63  }
0x58: {  	v3 =	vld [tilespmem:$0x40];
	_ =	sdelay $0x4  }
0x59: {  	v4 =	vshll.u32 v3, $0x1  }
0x5a: {  	v3 =	vand.u32 $0x7, v3;
	v4 =	vand.u32 $0xFFFFFFF0, v4  }
0x5b: {  	v3 =	vor.u32 v3, v4  }
0x5c: {  	v4 =	vperm.xlane v3, v0;
	_ =	sdelay $0x1  }
0x5d: {  	v3 =	vperm.xlane v3, v2;
	v4 =	vadd.s32 v1, v4;
	_ =	sdelay $0x1  }
0x5e: {  	v3 =	vadd.s32 v1, v3;
	_ =	sdelay $0x1  }
0x5f: {  	s3 =	simm.s32 $0x4100  }
0x60: {  	[tilespmem:s3], [sflag:$0x1] =	stream.indirect_vreg.gather [hbm4b:s1+s29], $0x80, v4, vm0, $0xb8;
	[tilespmem:$0x10100] =	vst v63  }
0x61: {  	s3 =	simm.s32 $0x4900  }
0x62: {  	[tilespmem:s3], [sflag:$0x1] =	stream.indirect_vreg.gather [hbm4b:s1+s29], $0x80, v3, vm0, $0xb8;
	[tilespmem:$0x10100] =	vst v63  }
0x63: {  	v3 =	vld [tilespmem:$0x50];
	_ =	sdelay $0x4  }
0x64: {  	v4 =	vshll.u32 v3, $0x1  }
0x65: {  	v3 =	vand.u32 $0x7, v3;
	v4 =	vand.u32 $0xFFFFFFF0, v4  }
0x66: {  	v3 =	vor.u32 v3, v4  }
0x67: {  	v4 =	vperm.xlane v3, v0;
	_ =	sdelay $0x1  }
0x68: {  	v3 =	vperm.xlane v3, v2;
	v4 =	vadd.s32 v1, v4;
	_ =	sdelay $0x1  }
0x69: {  	v3 =	vadd.s32 v1, v3;
	_ =	sdelay $0x1  }
0x6a: {  	s3 =	simm.s32 $0x5100  }
0x6b: {  	[tilespmem:s3], [sflag:$0x1] =	stream.indirect_vreg.gather [hbm4b:s1+s29], $0x80, v4, vm0, $0xb8;
	[tilespmem:$0x10100] =	vst v63  }
0x6c: {  	s3 =	simm.s32 $0x5900  }
0x6d: {  	[tilespmem:s3], [sflag:$0x1] =	stream.indirect_vreg.gather [hbm4b:s1+s29], $0x80, v3, vm0, $0xb8;
	[tilespmem:$0x10100] =	vst v63  }
0x6e: {  	v3 =	vld [tilespmem:$0x60];
	_ =	sdelay $0x4  }
0x6f: {  	v4 =	vshll.u32 v3, $0x1  }
0x70: {  	v3 =	vand.u32 $0x7, v3;
	v4 =	vand.u32 $0xFFFFFFF0, v4  }
0x71: {  	v3 =	vor.u32 v3, v4  }
0x72: {  	v4 =	vperm.xlane v3, v0;
	_ =	sdelay $0x1  }
0x73: {  	v3 =	vperm.xlane v3, v2;
	v4 =	vadd.s32 v1, v4;
	_ =	sdelay $0x1  }
0x74: {  	v3 =	vadd.s32 v1, v3;
	_ =	sdelay $0x1  }
0x75: {  	s3 =	simm.s32 $0x6100  }
0x76: {  	[tilespmem:s3], [sflag:$0x1] =	stream.indirect_vreg.gather [hbm4b:s1+s29], $0x80, v4, vm0, $0xb8;
	[tilespmem:$0x10100] =	vst v63  }
0x77: {  	s3 =	simm.s32 $0x6900  }
0x78: {  	[tilespmem:s3], [sflag:$0x1] =	stream.indirect_vreg.gather [hbm4b:s1+s29], $0x80, v3, vm0, $0xb8;
	[tilespmem:$0x10100] =	vst v63  }
0x79: {  	v3 =	vld [tilespmem:$0x70];
	_ =	sdelay $0x4  }
0x7a: {  	v4 =	vshll.u32 v3, $0x1  }
0x7b: {  	v3 =	vand.u32 $0x7, v3;
	v4 =	vand.u32 $0xFFFFFFF0, v4  }
0x7c: {  	v3 =	vor.u32 v3, v4  }
0x7d: {  	v4 =	vperm.xlane v3, v0;
	_ =	sdelay $0x1  }
0x7e: {  	v3 =	vperm.xlane v3, v2;
	v4 =	vadd.s32 v1, v4;
	_ =	sdelay $0x1  }
0x7f: {  	v3 =	vadd.s32 v1, v3;
	_ =	sdelay $0x1  }
0x80: {  	s3 =	simm.s32 $0x7100  }
0x81: {  	[tilespmem:s3], [sflag:$0x1] =	stream.indirect_vreg.gather [hbm4b:s1+s29], $0x80, v4, vm0, $0xb8;
	[tilespmem:$0x10100] =	vst v63  }
0x82: {  	s3 =	simm.s32 $0x7900  }
0x83: {  	[tilespmem:s3], [sflag:$0x1] =	stream.indirect_vreg.gather [hbm4b:s1+s29], $0x80, v3, vm0, $0xb8;
	[tilespmem:$0x10100] =	vst v63  }
0x84: {  	v3 =	vld [tilespmem:$0x80];
	_ =	sdelay $0x4  }
0x85: {  	v4 =	vshll.u32 v3, $0x1  }
0x86: {  	v3 =	vand.u32 $0x7, v3;
	v4 =	vand.u32 $0xFFFFFFF0, v4  }
0x87: {  	v3 =	vor.u32 v3, v4  }
0x88: {  	v4 =	vperm.xlane v3, v0;
	_ =	sdelay $0x1  }
0x89: {  	v3 =	vperm.xlane v3, v2;
	v4 =	vadd.s32 v1, v4;
	_ =	sdelay $0x1  }
0x8a: {  	v3 =	vadd.s32 v1, v3;
	_ =	sdelay $0x1  }
0x8b: {  	s3 =	simm.s32 $0x8100  }
0x8c: {  	[tilespmem:s3], [sflag:$0x2] =	stream.indirect_vreg.gather [hbm4b:s2+s29], $0x80, v4, vm0, $0xb8;
	[tilespmem:$0x10100] =	vst v63  }
0x8d: {  	s3 =	simm.s32 $0x8900  }
0x8e: {  	[tilespmem:s3], [sflag:$0x2] =	stream.indirect_vreg.gather [hbm4b:s2+s29], $0x80, v3, vm0, $0xb8;
	[tilespmem:$0x10100] =	vst v63  }
0x8f: {  	v3 =	vld [tilespmem:$0x90];
	_ =	sdelay $0x4  }
0x90: {  	v4 =	vshll.u32 v3, $0x1  }
0x91: {  	v3 =	vand.u32 $0x7, v3;
	v4 =	vand.u32 $0xFFFFFFF0, v4  }
0x92: {  	v3 =	vor.u32 v3, v4  }
0x93: {  	v4 =	vperm.xlane v3, v0;
	_ =	sdelay $0x1  }
0x94: {  	v3 =	vperm.xlane v3, v2;
	v4 =	vadd.s32 v1, v4;
	_ =	sdelay $0x1  }
0x95: {  	v3 =	vadd.s32 v1, v3;
	_ =	sdelay $0x1  }
0x96: {  	s3 =	simm.s32 $0x9100  }
0x97: {  	[tilespmem:s3], [sflag:$0x2] =	stream.indirect_vreg.gather [hbm4b:s2+s29], $0x80, v4, vm0, $0xb8;
	[tilespmem:$0x10100] =	vst v63  }
0x98: {  	s3 =	simm.s32 $0x9900  }
0x99: {  	[tilespmem:s3], [sflag:$0x2] =	stream.indirect_vreg.gather [hbm4b:s2+s29], $0x80, v3, vm0, $0xb8;
	[tilespmem:$0x10100] =	vst v63  }
0x9a: {  	v3 =	vld [tilespmem:$0xA0];
	_ =	sdelay $0x4  }
0x9b: {  	v4 =	vshll.u32 v3, $0x1  }
0x9c: {  	v3 =	vand.u32 $0x7, v3;
	v4 =	vand.u32 $0xFFFFFFF0, v4  }
0x9d: {  	v3 =	vor.u32 v3, v4  }
0x9e: {  	v4 =	vperm.xlane v3, v0;
	_ =	sdelay $0x1  }
0x9f: {  	v3 =	vperm.xlane v3, v2;
	v4 =	vadd.s32 v1, v4;
	_ =	sdelay $0x1  }
0xa0: {  	v3 =	vadd.s32 v1, v3;
	_ =	sdelay $0x2  }
0xa1: {  	[tilespmem:s10], [sflag:$0x2] =	stream.indirect_vreg.gather [hbm4b:s2+s29], $0x80, v4, vm0, $0xb8;
	[tilespmem:$0x10100] =	vst v63  }
0xa2: {  	_ = 	snop  }
0xa3: {  	[tilespmem:s4], [sflag:$0x2] =	stream.indirect_vreg.gather [hbm4b:s2+s29], $0x80, v3, vm0, $0xb8;
	[tilespmem:$0x10100] =	vst v63  }
0xa4: {  	v3 =	vld [tilespmem:$0xB0];
	_ =	sdelay $0x4  }
0xa5: {  	v4 =	vshll.u32 v3, $0x1  }
0xa6: {  	v3 =	vand.u32 $0x7, v3;
	v4 =	vand.u32 $0xFFFFFFF0, v4  }
0xa7: {  	v3 =	vor.u32 v3, v4  }
0xa8: {  	v4 =	vperm.xlane v3, v0;
	_ =	sdelay $0x1  }
0xa9: {  	v3 =	vperm.xlane v3, v2;
	v4 =	vadd.s32 v1, v4;
	_ =	sdelay $0x1  }
0xaa: {  	v3 =	vadd.s32 v1, v3;
	_ =	sdelay $0x2  }
0xab: {  	[tilespmem:s12], [sflag:$0x2] =	stream.indirect_vreg.gather [hbm4b:s2+s29], $0x80, v4, vm0, $0xb8;
	[tilespmem:$0x10100] =	vst v63  }
0xac: {  	_ = 	snop  }
0xad: {  	[tilespmem:s14], [sflag:$0x2] =	stream.indirect_vreg.gather [hbm4b:s2+s29], $0x80, v3, vm0, $0xb8;
	[tilespmem:$0x10100] =	vst v63  }
0xae: {  	v3 =	vld [tilespmem:$0xC0];
	_ =	sdelay $0x4  }
0xaf: {  	v4 =	vshll.u32 v3, $0x1  }
0xb0: {  	v3 =	vand.u32 $0x7, v3;
	v4 =	vand.u32 $0xFFFFFFF0, v4  }
0xb1: {  	v3 =	vor.u32 v3, v4  }
0xb2: {  	v4 =	vperm.xlane v3, v0;
	_ =	sdelay $0x1  }
0xb3: {  	v3 =	vperm.xlane v3, v2;
	v4 =	vadd.s32 v1, v4;
	_ =	sdelay $0x1  }
0xb4: {  	v3 =	vadd.s32 v1, v3;
	_ =	sdelay $0x2  }
0xb5: {  	[tilespmem:s15], [sflag:$0x2] =	stream.indirect_vreg.gather [hbm4b:s2+s29], $0x80, v4, vm0, $0xb8;
	[tilespmem:$0x10100] =	vst v63  }
0xb6: {  	_ = 	snop  }
0xb7: {  	[tilespmem:s16], [sflag:$0x2] =	stream.indirect_vreg.gather [hbm4b:s2+s29], $0x80, v3, vm0, $0xb8;
	[tilespmem:$0x10100] =	vst v63  }
0xb8: {  	v3 =	vld [tilespmem:$0xD0];
	_ =	sdelay $0x4  }
0xb9: {  	v4 =	vshll.u32 v3, $0x1  }
0xba: {  	v3 =	vand.u32 $0x7, v3;
	v4 =	vand.u32 $0xFFFFFFF0, v4  }
0xbb: {  	v3 =	vor.u32 v3, v4  }
0xbc: {  	v4 =	vperm.xlane v3, v0;
	_ =	sdelay $0x1  }
0xbd: {  	v3 =	vperm.xlane v3, v2;
	v4 =	vadd.s32 v1, v4;
	_ =	sdelay $0x1  }
0xbe: {  	v3 =	vadd.s32 v1, v3;
	_ =	sdelay $0x2  }
0xbf: {  	[tilespmem:s17], [sflag:$0x2] =	stream.indirect_vreg.gather [hbm4b:s2+s29], $0x80, v4, vm0, $0xb8;
	[tilespmem:$0x10100] =	vst v63  }
0xc0: {  	_ = 	snop  }
0xc1: {  	[tilespmem:s18], [sflag:$0x2] =	stream.indirect_vreg.gather [hbm4b:s2+s29], $0x80, v3, vm0, $0xb8;
	[tilespmem:$0x10100] =	vst v63  }
0xc2: {  	v3 =	vld [tilespmem:$0xE0];
	_ =	sdelay $0x4  }
0xc3: {  	v4 =	vshll.u32 v3, $0x1  }
0xc4: {  	v3 =	vand.u32 $0x7, v3;
	v4 =	vand.u32 $0xFFFFFFF0, v4  }
0xc5: {  	v3 =	vor.u32 v3, v4  }
0xc6: {  	v4 =	vperm.xlane v3, v0;
	_ =	sdelay $0x1  }
0xc7: {  	v3 =	vperm.xlane v3, v2;
	v4 =	vadd.s32 v1, v4;
	_ =	sdelay $0x1  }
0xc8: {  	v3 =	vadd.s32 v1, v3;
	_ =	sdelay $0x2  }
0xc9: {  	[tilespmem:s19], [sflag:$0x2] =	stream.indirect_vreg.gather [hbm4b:s2+s29], $0x80, v4, vm0, $0xb8;
	[tilespmem:$0x10100] =	vst v63  }
0xca: {  	_ = 	snop  }
0xcb: {  	[tilespmem:s20], [sflag:$0x2] =	stream.indirect_vreg.gather [hbm4b:s2+s29], $0x80, v3, vm0, $0xb8;
	[tilespmem:$0x10100] =	vst v63  }
0xcc: {  	v3 =	vld [tilespmem:$0xF0];
	_ =	sdelay $0x4  }
0xcd: {  	v4 =	vshll.u32 v3, $0x1  }
0xce: {  	v3 =	vand.u32 $0x7, v3;
	v4 =	vand.u32 $0xFFFFFFF0, v4  }
0xcf: {  	v3 =	vor.u32 v3, v4  }
0xd0: {  	v4 =	vperm.xlane v3, v0;
	_ =	sdelay $0x1  }
0xd1: {  	v3 =	vperm.xlane v3, v2;
	v4 =	vadd.s32 v1, v4;
	_ =	sdelay $0x1  }
0xd2: {  	v3 =	vadd.s32 v1, v3;
	_ =	sdelay $0x2  }
0xd3: {  	[tilespmem:s21], [sflag:$0x2] =	stream.indirect_vreg.gather [hbm4b:s2+s29], $0x80, v4, vm0, $0xb8;
	[tilespmem:$0x10100] =	vst v63  }
0xd4: {  	_ = 	snop  }
0xd5: {  	[tilespmem:s22], [sflag:$0x2] =	stream.indirect_vreg.gather [hbm4b:s2+s29], $0x80, v3, vm0, $0xb8;
	[tilespmem:$0x10100] =	vst v63  }
0xd6: {  	_ =	swait.ge [sflag:s23], $0x8000  }
0xd7: {  	[sflag:s23] =	ssyncset.done $0x0  }
0xd8: {  	[sflag:s23] =	ssyncadd.s32 $0xFFFF8000  }
0xd9: {  	_ =	swait.ge [sflag:s24], $0x8000  }
0xda: {  	s30 =	sand.u32 $0x7800, s29;
	s29 =	sand.u32 $0x380, s29;
	[sflag:s24] =	ssyncset.done $0x0  }
0xdb: {  	s29 =	sor.u32 s29, s30;
	[sflag:s24] =	ssyncadd.s32 $0xFFFF8000  }
0xdc: {  	v10 =	vld [tilespmem:s29+$0x8100]  }
0xdd: {  	v11 =	vld [tilespmem:s29+$0x8110]  }
0xde: {  	v12 =	vld [tilespmem:s29+$0x8120]  }
0xdf: {  	v13 =	vld [tilespmem:s29+$0x8130]  }
0xe0: {  	v14 =	vld [tilespmem:s29+$0x8140]  }
0xe1: {  	v15 =	vld [tilespmem:s29+$0x8150]  }
0xe2: {  	v16 =	vld [tilespmem:s29+$0x8160]  }
0xe3: {  	v17 =	vld [tilespmem:s29+$0x8170]  }
0xe4: {  	v18 =	vld [tilespmem:s29+$0x8500]  }
0xe5: {  	v9 =	vld [tilespmem:s29+$0x8510]  }
0xe6: {  	v8 =	vld [tilespmem:s29+$0x8520]  }
0xe7: {  	v7 =	vld [tilespmem:s29+$0x8530]  }
0xe8: {  	v6 =	vld [tilespmem:s29+$0x8540]  }
0xe9: {  	v5 =	vld [tilespmem:s29+$0x8550]  }
0xea: {  	v4 =	vld [tilespmem:s29+$0x8560]  }
0xeb: {  	v3 =	vld [tilespmem:s29+$0x8570]  }
0xec: {  	v19 =	vld [tilespmem:s29+$0x100]  }
0xed: {  	v20 =	vld [tilespmem:s29+$0x110]  }
0xee: {  	v21 =	vld [tilespmem:s29+$0x120]  }
0xef: {  	v22 =	vld [tilespmem:s29+$0x130]  }
0xf0: {  	v23 =	vld [tilespmem:s29+$0x140]  }
0xf1: {  	v10 =	vadd.f32 v10, v19;
	v19 =	vld [tilespmem:s29+$0x150]  }
0xf2: {  	v61 =	vld [tilespmem:s29+$0x160];
	v11 =	vadd.f32 v11, v20  }
0xf3: {  	v62 =	vld [tilespmem:s29+$0x170];
	[tilespmem:s29+$0x100] =	vst v10;
	v10 =	vadd.f32 v12, v21  }
0xf4: {  	v63 =	vld [tilespmem:s29+$0x500];
	[tilespmem:s29+$0x110] =	vst v11;
	v11 =	vadd.f32 v13, v22  }
0xf5: {  	v13 =	vld [tilespmem:s29+$0x510];
	[tilespmem:s29+$0x120] =	vst v10;
	v10 =	vadd.f32 v14, v23  }
0xf6: {  	v12 =	vld [tilespmem:s29+$0x520];
	[tilespmem:s29+$0x130] =	vst v11;
	v11 =	vadd.f32 v15, v19  }
0xf7: {  	v14 =	vadd.f32 v16, v61;
	[tilespmem:s29+$0x140] =	vst v10;
	v10 =	vld [tilespmem:s29+$0x530]  }
0xf8: {  	v16 =	vadd.f32 v17, v62;
	[tilespmem:s29+$0x150] =	vst v11;
	v11 =	vld [tilespmem:s29+$0x540]  }
0xf9: {  	s31 =	simm.s32 $0x100;
	s30 =	simm.s32 $0x80;
	v15 =	vadd.f32 v18, v63;
	[tilespmem:s29+$0x160] =	vst v14;
	v14 =	vld [tilespmem:s29+$0x550]  }
.LBB2_4:
0xfa: {  	s0 =	sand.u32 $0x7800, s31;
	s3 =	sand.u32 $0x380, s30;
	p0 =	sne.s32 s31, $0x7F00;
	[tilespmem:s29+$0x170] =	vst v16;
	v9 =	vadd.f32 v9, v13;
	v13 =	vld [tilespmem:s29+$0x560]  }
0xfb: {  	s0 =	sor.u32 s3, s0;
	[tilespmem:s29+$0x500] =	vst v15;
	v8 =	vadd.f32 v8, v12;
	v12 =	vld [tilespmem:s29+$0x570]  }
0xfc: {  	v15 =	vld [tilespmem:s0+$0x8100];
	[tilespmem:s29+$0x510] =	vst v9;
	v7 =	vadd.f32 v7, v10  }
0xfd: {  	v10 =	vld [tilespmem:s0+$0x8110];
	[tilespmem:s29+$0x520] =	vst v8;
	v6 =	vadd.f32 v6, v11  }
0xfe: {  	v11 =	vld [tilespmem:s0+$0x8120];
	[tilespmem:s29+$0x530] =	vst v7;
	v5 =	vadd.f32 v5, v14  }
0xff: {  	v14 =	vld [tilespmem:s0+$0x8130];
	[tilespmem:s29+$0x540] =	vst v6;
	v4 =	vadd.f32 v4, v13  }
0x100: {  	v13 =	vld [tilespmem:s0+$0x8140];
	[tilespmem:s29+$0x550] =	vst v5;
	v3 =	vadd.f32 v3, v12  }
0x101: {  	v12 =	vld [tilespmem:s0+$0x8150];
	[tilespmem:s29+$0x560] =	vst v4  }
0x102: {  	v16 =	vld [tilespmem:s0+$0x8160];
	[tilespmem:s29+$0x570] =	vst v3;
	s29 =	smov.u32 s0  }
0x103: {  	v17 =	vld [tilespmem:s29+$0x8170]  }
0x104: {  	v18 =	vld [tilespmem:s29+$0x8500]  }
0x105: {  	v9 =	vld [tilespmem:s29+$0x8510]  }
0x106: {  	v8 =	vld [tilespmem:s29+$0x8520]  }
0x107: {  	v7 =	vld [tilespmem:s29+$0x8530]  }
0x108: {  	v6 =	vld [tilespmem:s29+$0x8540]  }
0x109: {  	v5 =	vld [tilespmem:s29+$0x8550]  }
0x10a: {  	v4 =	vld [tilespmem:s29+$0x8560]  }
0x10b: {  	v3 =	vld [tilespmem:s29+$0x8570]  }
0x10c: {  	v19 =	vld [tilespmem:s29+$0x100]  }
0x10d: {  	v20 =	vld [tilespmem:s29+$0x110]  }
0x10e: {  	v21 =	vld [tilespmem:s29+$0x120]  }
0x10f: {  	v22 =	vld [tilespmem:s29+$0x130]  }
0x110: {  	v23 =	vld [tilespmem:s29+$0x140]  }
0x111: {  	v15 =	vadd.f32 v15, v19;
	v19 =	vld [tilespmem:s29+$0x150]  }
0x112: {  	v10 =	vadd.f32 v10, v20;
	v20 =	vld [tilespmem:s29+$0x160]  }
0x113: {  	[tilespmem:s29+$0x100] =	vst v15;
	v11 =	vadd.f32 v11, v21;
	v15 =	vld [tilespmem:s29+$0x170]  }
0x114: {  	[tilespmem:s29+$0x110] =	vst v10;
	v10 =	vadd.f32 v14, v22;
	v14 =	vld [tilespmem:s29+$0x500]  }
.Ltmp5:
0x115: {  	[tilespmem:s29+$0x120] =	vst v11;
	v11 =	vadd.f32 v13, v23;
	v13 =	vld [tilespmem:s29+$0x510];
	(pc) =	sbr.rel @p0 .LBB2_4-.Ltmp5, $4  }
0x116: {  	[tilespmem:s29+$0x130] =	vst v10;
	v19 =	vadd.f32 v12, v19;
	v12 =	vld [tilespmem:s29+$0x520]  }
0x117: {  	[tilespmem:s29+$0x140] =	vst v11;
	v20 =	vadd.f32 v16, v20;
	v10 =	vld [tilespmem:s29+$0x530]  }
0x118: {  	[tilespmem:s29+$0x150] =	vst v19;
	v16 =	vadd.f32 v17, v15;
	v11 =	vld [tilespmem:s29+$0x540]  }
0x119: {  	s30 =	sadd.s32 $0x80, s30;
	s31 =	sadd.s32 $0x100, s31;
	[tilespmem:s29+$0x160] =	vst v20;
	v15 =	vadd.f32 v18, v14;
	v14 =	vld [tilespmem:s29+$0x550]  }
0x11a: {  	[tilespmem:s29+$0x170] =	vst v16;
	v9 =	vadd.f32 v9, v13;
	v62 =	vld [tilespmem:s29+$0x560]  }
0x11b: {  	v63 =	vld [tilespmem:s29+$0x570];
	[tilespmem:s29+$0x500] =	vst v15;
	v8 =	vadd.f32 v8, v12  }
0x11c: {  	[tilespmem:s29+$0x510] =	vst v9;
	v7 =	vadd.f32 v7, v10  }
0x11d: {  	[tilespmem:s29+$0x520] =	vst v8;
	v6 =	vadd.f32 v6, v11  }
0x11e: {  	[tilespmem:s29+$0x530] =	vst v7;
	v5 =	vadd.f32 v5, v14  }
0x11f: {  	[tilespmem:s29+$0x540] =	vst v6;
	v4 =	vadd.f32 v4, v62  }
0x120: {  	v3 =	vadd.f32 v3, v63;
	[tilespmem:s29+$0x550] =	vst v5  }
0x121: {  	s0 =	sshll.u32 s28, $0xC;
	[tilespmem:s29+$0x560] =	vst v4  }
.Ltmp6:
0x122: {  	s3 =	simm.s32 $0x0;
	s0 =	sadd.s32 s8, s0;
	[tilespmem:s29+$0x570] =	vst v3;
	(pc) =	sbr.rel .LBB2_6-.Ltmp6, $4  }
0x123: {  	[hbm4b:s0+s3] =	stream.linear.scatter [tilespmem:s13], [sflag:$0x3], $0x8000, $0x38;
	[tilespmem:$0x10100] =	vst v63  }
0x124: {  	_ =	swait.ge [sflag:s25], $0x8000  }
0x125: {  	[sflag:s25] =	ssyncset.done $0x0  }
0x126: {  	[sflag:s25] =	ssyncadd.s32 $0xFFFF8000  }
.LBB2_8:
0x127: {  	_ =	sfence.sel $0x180000  }
0x128: {  	[bflag:$0x0] =	sbarrier.arrive $0xFFFF  }
0x129: {  	_ =	strace $0x9000004A  }
0x12a: {  	s0 =	stileid.u32;
	[bflag:$0x2] =	sbarrier.arrive $0xFFFF  }
0x12b: {  	p0 =	sne.s32 s0, $0x0;
	s0 =	rddreg [dreg:$0x3]  }
0x12c: {  	s0 =	sadd.s32 @!p0 $0x100000, s0  }
0x12d: {  	[sflag:s0] =	ssyncadd.tile.s32 @!p0 $0x1;
	_ =	shalt  }
.Lfunc_end2:
_tile_overlayer_lowered:
.L_overlay_start_2:
0x12e: {  	(tag) =	ssettag $0x2  }
0x12f: {  	s0 =	rddreg [dreg:$0x0];
	s2 =	stileid.u32  }
0x130: {  	s1 =	rddreg [dreg:$0x1];
	p0 =	sne.s32 s2, $0x0  }
0x131: {  	s3 =	rddreg [dreg:$0x2];
	[bflag:$0x3] =	sbarrier.arrive $0xFFFF;
	s2 =	simm.s32 @!p0 $0x1C03  }
0x132: {  	[timem:s3], [sflag:s2] =	dma.local @!p0 [hbm:s0], s1  }
0x133: {  	s0 =	simm.s32 @!p0 $0x3  }
0x134: {  	_ =	swait.ge @!p0 [sflag:s0], s1  }
0x135: {  	s1 =	ssub.s32 @!p0 $0x0, s1;
	[sflag:s0] =	ssyncset.done @!p0 $0x0  }
0x136: {  	[sflag:s0] =	ssyncadd.s32 @!p0 s1  }
0x137: {  	[bflag:$0x3] =	sbarrier.arrive $0xFFFF  }
0x138: {  	_ =	shalt  }

// kernel: kernel.16.cloned.1.call-start
scs
__scs_entry_jumppad:
0x0: {  	(pc) =	sbr.rel $0x88, $3  }
0x1: {  	(tag) =	ssettag $0x0;
	lr =	simm.s32 $0x1  }
0x2: {  	[smem:$0x3F8E] =	sst lr;
	_ =	strace $0xD0000000  }
0x3: {  	_ = 	snop  }
0x4: {  	_ = 	snop  }
0x5: {  	_ = 	snop  }
0x6: {  	_ = 	snop  }
0x7: {  	_ = 	snop  }
__scs_overlays_trampoline_lowered:
0x8: {  	[smem:$0x3F9D] =	sst s0  }
0x9: {  	[smem:$0x3F9E] =	sst s1  }
0xa: {  	[smem:$0x3F9F] =	sst s2  }
0xb: {  	[smem:$0x3FA0] =	sst s3  }
0xc: {  	[smem:$0x3FA1] =	sst s4  }
0xd: {  	[smem:$0x3FA2] =	sst s5  }
0xe: {  	[smem:$0x3FA3] =	sst s6  }
0xf: {  	[smem:$0x3FA4] =	sst s7  }
0x10: {  	[smem:$0x3FA5] =	sst s8  }
0x11: {  	[smem:$0x3FA6] =	sst s9;
	s0 =	simm.s32 @!p0 $0x0  }
0x12: {  	s1 =	sld [smem:$0x3F8C];
	s0 =	simm.s32 @p0 $0x1  }
0x13: {  	[smem:$0x3FA7] =	sst s0;
	s0 =	simm.s32 @!p1 $0x0  }
0x14: {  	s2 =	sld [smem:$0x3F8B];
	s0 =	simm.s32 @p1 $0x1  }
0x15: {  	[smem:$0x3FA8] =	sst s0;
	s0 =	simm.s32 @!p2 $0x0  }
0x16: {  	s3 =	sld [smem:$0x3FDB];
	s0 =	simm.s32 @p2 $0x1  }
0x17: {  	s4 =	simm.s32 $0x1BF5;
	[smem:$0x3FAA] =	sst s0  }
0x18: {  	s0 =	sld [smem:$0x3F8D];
	_ =	swait.ge [sflag:s4], $0x0  }
0x19: {  	s7 =	sld [smem:$0x3F8E]  }
0x1a: {  	s8 =	sadd.s32 $0xFFFFE003, lr  }
0x1b: {  	s9 =	sadd.s32 $0xFFFFFEF7, lr;
	s5 =	simm.s32 $0xFFFFFFFF;
	p2 =	slt.u32 s8, $0xFFFFF086  }
0x1c: {  	p1 =	slt.u32 s9, $0xF7A;
	s5 =	simm.s32 @!p2 $0x0  }
0x1d: {  	s5 =	simm.s32 @p1 $0x1;
	p0 =	seq.s32 s7, s2  }
0x1e: {  	s7 =	smul.u32 @!p0 $0xF7A, s2;
	p2 =	seq.s32 @!p0 s5, $0x0  }
0x1f: {  	s9 =	smul.u32 $0xF7A, s1;
	s8 =	simm.s32 @!p0 $0x1BF5;
	p2 =	por !p2, p0  }
0x20: {  	[sflag:s8] =	ssyncset.s32 @!p0 $0xFFFFF086;
	s6 =	sadd.s32 @!p0 s3, s7;
	s7 =	simm.s32 @!p0 $0x108  }
0x21: {  	s3 =	sadd.s32 s3, s9;
	s6 =	sadd.s32 @!p0 $0x88, s6;
	s7 =	simm.s32 @p2 $0x1082  }
0x22: {  	[simem:s7], [sflag:s8] =	dma.local @!p0 [hbm:s6], $0xF7A  }
0x23: {  	s9 =	sor.u32 $0xD0000000, s2;
	s6 =	simm.s32 $0x108;
	_ =	swait.ge @!p0 [sflag:s8], $0x0  }
0x24: {  	s3 =	sadd.s32 $0x88, s3;
	s6 =	simm.s32 @!p1 $0x1082;
	[sflag:s4] =	ssyncset.s32 $0xFFFFF086  }
0x25: {  	[simem:s6], [sflag:s4] =	dma.local [hbm:s3], $0xF7A  }
0x26: {  	[smem:$0x3F8E] =	sst s1;
	(tag) =	ssettag s2;
	_ =	strace s9  }
0x27: {  	s1 =	sld [smem:$0x3F9E]  }
0x28: {  	s2 =	sld [smem:$0x3F9F]  }
0x29: {  	s4 =	sld [smem:$0x3FA1]  }
0x2a: {  	p0 =	seq.s32 s5, $0x0;
	s5 =	sld [smem:$0x3FA2]  }
0x2b: {  	s6 =	sld [smem:$0x3FA3]  }
0x2c: {  	s7 =	sld [smem:$0x3FA4]  }
0x2d: {  	s3 =	simm.s32 $0x108;
	s8 =	sld [smem:$0x3FA5]  }
0x2e: {  	s3 =	simm.s32 @!p0 $0x1082;
	s9 =	sld [smem:$0x3FA6]  }
0x2f: {  	lr =	sadd.s32 s0, s3;
	s0 =	sld [smem:$0x3F9D]  }
0x30: {  	s3 =	sld [smem:$0x3FA0]  }
0x31: {  	[smem:$0x3FA9] =	sst s10  }
0x32: {  	s10 =	sld [smem:$0x3FA7];
	_ =	sdelay $0x3  }
0x33: {  	p0 =	seq.s32 s10, $0x1;
	s10 =	sld [smem:$0x3FA9];
	_ =	sdelay $0x3  }
0x34: {  	[smem:$0x3FA9] =	sst s10  }
0x35: {  	s10 =	sld [smem:$0x3FA8];
	_ =	sdelay $0x3  }
0x36: {  	p1 =	seq.s32 s10, $0x1;
	s10 =	sld [smem:$0x3FA9];
	_ =	sdelay $0x3  }
0x37: {  	[smem:$0x3FA9] =	sst s10  }
0x38: {  	s10 =	sld [smem:$0x3FAA]  }
0x39: {  	_ = 	snop;
	(pc) =	sbr.ind lr, $3  }
0x3a: {  	_ = 	snop  }
0x3b: {  	_ = 	snop  }
0x3c: {  	p2 =	seq.s32 s10, $0x1;
	s10 =	sld [smem:$0x3FA9]  }
0x3d: {  	_ =	shalt  }
0x3e: {  	_ =	shalt  }
0x3f: {  	_ =	shalt  }
0x40: {  	_ =	shalt  }
0x41: {  	_ =	shalt  }
0x42: {  	_ =	shalt  }
0x43: {  	_ =	shalt  }
0x44: {  	_ =	shalt  }
0x45: {  	_ =	shalt  }
0x46: {  	_ =	shalt  }
0x47: {  	_ =	shalt  }
0x48: {  	_ =	shalt  }
0x49: {  	_ =	shalt  }
0x4a: {  	_ =	shalt  }
0x4b: {  	_ =	shalt  }
0x4c: {  	_ =	shalt  }
0x4d: {  	_ =	shalt  }
0x4e: {  	_ =	shalt  }
0x4f: {  	_ =	shalt  }
0x50: {  	_ =	shalt  }
0x51: {  	_ =	shalt  }
0x52: {  	_ =	shalt  }
0x53: {  	_ =	shalt  }
0x54: {  	_ =	shalt  }
0x55: {  	_ =	shalt  }
0x56: {  	_ =	shalt  }
0x57: {  	_ =	shalt  }
0x58: {  	_ =	shalt  }
0x59: {  	_ =	shalt  }
0x5a: {  	_ =	shalt  }
0x5b: {  	_ =	shalt  }
0x5c: {  	_ =	shalt  }
0x5d: {  	_ =	shalt  }
0x5e: {  	_ =	shalt  }
0x5f: {  	_ =	shalt  }
0x60: {  	_ =	shalt  }
0x61: {  	_ =	shalt  }
0x62: {  	_ =	shalt  }
0x63: {  	_ =	shalt  }
0x64: {  	_ =	shalt  }
0x65: {  	_ =	shalt  }
0x66: {  	_ =	shalt  }
0x67: {  	_ =	shalt  }
0x68: {  	_ =	shalt  }
0x69: {  	_ =	shalt  }
0x6a: {  	_ =	shalt  }
0x6b: {  	_ =	shalt  }
0x6c: {  	_ =	shalt  }
0x6d: {  	_ =	shalt  }
0x6e: {  	_ =	shalt  }
0x6f: {  	_ =	shalt  }
0x70: {  	_ =	shalt  }
0x71: {  	_ =	shalt  }
0x72: {  	_ =	shalt  }
0x73: {  	_ =	shalt  }
0x74: {  	_ =	shalt  }
0x75: {  	_ =	shalt  }
0x76: {  	_ =	shalt  }
0x77: {  	_ =	shalt  }
0x78: {  	_ =	shalt  }
0x79: {  	_ =	shalt  }
0x7a: {  	_ =	shalt  }
0x7b: {  	_ =	shalt  }
0x7c: {  	_ =	shalt  }
0x7d: {  	_ =	shalt  }
0x7e: {  	_ =	shalt  }
0x7f: {  	_ =	shalt  }
0x80: {  	_ =	shalt  }
0x81: {  	_ =	shalt  }
0x82: {  	_ =	shalt  }
0x83: {  	_ =	shalt  }
0x84: {  	_ =	shalt  }
0x85: {  	_ =	shalt  }
0x86: {  	_ =	shalt  }
0x87: {  	_ =	shalt  }
.Lfunc_end0:
.L_simem_size_0:
called_computation.2_lowered:
.L_overlay_start_0:
0x88: {  	s2 =	sld [smem:$0x3FD9]  }
0x89: {  	s3 =	sld [smem:$0x3FFE];
	_ =	sdelay $0x1  }
0x8a: {  	s1 =	srdreg.scid  }
0x8b: {  	s0 =	sand.u32 $0x1, s1  }
0x8c: {  	s17 =	sshll.u32 s0, $0xA;
	s2 =	sadd.s32 s3, s2  }
0x8d: {  	s2 =	sadd.s32 s2, s17  }
0x8e: {  	[smem:$0x3FB5] =	sst s2  }
0x8f: {  	_ = 	snop  }
0x90: {  	(tm) =	ssettm $0x1  }
0x91: {  	s18 =	sld [smem:$0x3FFB];
	_ =	sdelay $0x3  }
0x92: {  	_ =	strace s18  }
0x93: {  	s2 =	sld [smem:$0x3FFC];
	_ =	sdelay $0x3  }
0x94: {  	_ =	strace s2  }
0x95: {  	s2 =	sld [smem:$0x3FFD];
	_ =	sdelay $0x3  }
0x96: {  	_ =	strace s2  }
0x97: {  	_ =	strace $0x8FFFFFFF  }
0x98: {  	s19 =	sld [smem:$0x3FDB];
	_ =	sdelay $0x1  }
0x99: {  	s20 =	simm.s32 $_scs_section_size  }
0x9a: {  	s4 =	simm.s32 $_size__tile_overlayer_lowered;
	s5 =	simm.s32 $_tile_overlayer_lowered  }
0x9b: {  	s6 =	simm.s32 $0x1BFF;
	s21 =	sshll.u32 s5, $0x1;
	s3 =	sadd.s32 s20, s19  }
0x9c: {  	s22 =	simm.s32 $0x0;
	s4 =	sshll.u32 s4, $0x1;
	s5 =	sadd.s32 s21, s3  }
0x9d: {  	[timem:s22], [sflag:s6] =	dma.local [hbm:s5], s4  }
0x9e: {  	_ =	swait.ge [sflag:s6], s4  }
0x9f: {  	s4 =	ssub.s32 $0x0, s4;
	[sflag:s6] =	ssyncset.done $0x0  }
0xa0: {  	[sflag:s6] =	ssyncadd.s32 s4;
	_ =	sdelay $0x1  }
0xa1: {  	s23 =	simm.s32 $0x1B8B  }
0xa2: {  	_ =	swait.ge [sflag:s23], $0x1  }
0xa3: {  	[sflag:s23] =	ssyncset.done $0x0  }
0xa4: {  	[sflag:s23] =	ssyncadd.s32 $0xFFFFFFFF  }
0xa5: {  	s4 =	sld [smem:$0x0]  }
0xa6: {  	s5 =	sand.u32 $0xFFFFFFFE, s1  }
0xa7: {  	p0 =	sne.s32 s1, s5  }
0xa8: {  	s5 =	sshll.u32 @p0 s5, $0xE  }
0xa9: {  	s5 =	sadd.s32 @p0 $0x11B8D, s5;
	s6 =	sshll.u32 @p0 s4, $0x11  }
0xaa: {  	s5 =	sor.u32 @p0 s6, s5  }
0xab: {  	[sflag:s5] =	ssyncadd.remote.s32 @p0 $0x1;
	_ =	sdelay $0x1  }
0xac: {  	s5 =	simm.s32 @p0 $0x1B8D  }
0xad: {  	_ =	swait.eq @p0 [sflag:s5], $0x1  }
0xae: {  	[sflag:s5] =	ssyncadd.s32 @p0 $0xFFFFFFFF  }
0xaf: {  	s6 =	sshll.u32 @!p0 s1, $0xE  }
0xb0: {  	s6 =	sor.u32 @!p0 $0x4000, s6;
	s5 =	simm.s32 @!p0 $0x1B8D  }
0xb1: {  	s4 =	sshll.u32 @!p0 s4, $0x11;
	s6 =	sadd.s32 @!p0 $0x11B8D, s6;
	_ =	swait.eq @!p0 [sflag:s5], $0x1  }
0xb2: {  	s4 =	sor.u32 @!p0 s4, s6;
	[sflag:s5] =	ssyncadd.s32 @!p0 $0xFFFFFFFF  }
0xb3: {  	s25 =	simm.s32 $0x1B8E;
	s24 =	sld [smem:$0x3FFE];
	[sflag:s4] =	ssyncadd.remote.s32 @!p0 $0x1  }
0xb4: {  	s26 =	simm.s32 $execute0_lowered;
	[smem:$0x3FD2] =	sst s25  }
0xb5: {  	s5 =	sshll.u32 s26, $0x1;
	_ =	strace $0x8000004C;
	[dreg:$0x1] =	wrdreg $0xFFFFFFFF  }
0xb6: {  	s28 =	simm.s32 $_size_execute0_lowered;
	s3 =	sadd.s32 s3, s5;
	[dreg:$0x0] =	wrdreg $0x0  }
0xb7: {  	s5 =	sshll.u32 s28, $0x1;
	[dreg:$0x2] =	wrdreg s3  }
0xb8: {  	[dreg:$0x3] =	wrdreg s5  }
0xb9: {  	[dreg:$0x4] =	wrdreg $0xC0  }
0xba: {  	_ =	task [dreg:s22], $0x5FFFF  }
0xbb: {  	[dreg:$0x1] =	wrdreg $0xFFFFFFFF  }
0xbc: {  	[dreg:$0x0] =	wrdreg $0x60  }
0xbd: {  	[dreg:$0x2] =	wrdreg s24  }
0xbe: {  	[dreg:$0x3] =	wrdreg $0x40800  }
0xbf: {  	[dreg:$0x4] =	wrdreg $0xA  }
0xc0: {  	_ =	task.clear_ibuf [dreg:s22], $0x5FFFF;
	_ =	strace $0x9000004C  }
0xc1: {  	s29 =	simm.s32 $0xA;
	_ =	strace $0x8000004E  }
0xc2: {  	_ =	swait.ge [sflag:s29], $0x1  }
0xc3: {  	[sflag:s29] =	ssyncadd.s32 $0xFFFFFFFF  }
0xc4: {  	_ =	strace $0x9000004E  }
0xc5: {  	_ =	sfence  }
0xc6: {  	s30 =	sld [smem:$0x0];
	_ =	sdelay $0x2  }
0xc7: {  	s31 =	sshll.u32 s1, $0xD;
	s1 =	sshrl.u32 s1, $0x2  }
0xc8: {  	s4 =	sand.u32 $0x4000, s31;
	s1 =	sadd.s32 s1, s30  }
0xc9: {  	s0 =	sor.u32 s4, s0;
	s1 =	sshll.u32 s1, $0x11  }
0xca: {  	s0 =	sor.u32 s1, s0  }
0xcb: {  	s0 =	sadd.s32 $0x8F2B, s0  }
0xcc: {  	[sflag:s0] =	ssyncadd.remote.s32 $0x1  }
0xcd: {  	_ =	sfence.sel $0xFFFF  }
0xce: {  	[dreg:$0x0] =	wrdreg $0xFFFFFFFF;
	(pc) =	sbr.abs _section_cstart, $3  }
0xcf: {  	[dreg:$0x1] =	wrdreg $0xFFFFFFFF  }
0xd0: {  	_ =	task.clear_ibuf [dreg:s22], $0x2FFFF;
	_ =	strace $0x9FFFFFFF  }
0xd1: {  	(tm) =	ssettm $0x7FFFFFFF  }
tec
execute0_lowered:
.L_overlay_start_1:
0x0: {  	(tag) =	ssettag $0x1  }
0x1: {  	s4 =	rddreg [dreg:$0x0]  }
0x2: {  	s2 =	rddreg [dreg:$0x1]  }
0x3: {  	s3 =	srdreg.scid;
	s1 =	stileid.u32  }
0x4: {  	s0 =	rddreg [dreg:$0x2];
	s21 =	smul.u32 $0x278, s1  }
0x5: {  	s12 =	sand.u32 $0x1, s3;
	s3 =	simm.s32 $0x0;
	s23 =	smul.u32 $0x2780, s1  }
0x6: {  	s5 =	sshll.u32 s1, $0x5;
	s22 =	sshll.u32 s1, $0xC;
	s13 =	smul.u32 $0x4F000, s1  }
0x7: {  	s15 =	sshll.u32 s1, $0x1;
	s28 =	sshll.u32 s1, $0x6;
	s6 =	sshll.u32 s12, $0x4  }
0x8: {  	[smem:$0x7FF] =	sst s3;
	s9 =	smul.u32 $0x2780, s12;
	s11 =	sadd.s32 s22, s4  }
0x9: {  	s24 =	ssub.s32 $0x2, s12;
	s30 =	sshll.u32 s12, $0xB;
	s12 =	sor.u32 s12, s15  }
0xa: {  	s8 =	sor.u32 s6, s5;
	_ =	strace $0x8000004D;
	s25 =	sshrl.u32 s24, $0x1  }
0xb: {  	s6 =	sadd.s32 s23, s4;
	s26 =	sshrl.u32 s13, $0x2;
	s31 =	sadd.s32 s30, s11  }
0xc: {  	s7 =	sand.u32 $0x180, s8;
	s5 =	sadd.s32 s21, s9;
	s9 =	ssub.s32 s24, s25  }
0xd: {  	s16 =	sadd.s32 s26, s2;
	s29 =	sand.u32 $0x70, s8;
	s11 =	sadd.s32 $0xEBE600, s31  }
0xe: {  	s13 =	sadd.s32 $0x112F600, s31;
	s10 =	sadd.s32 s7, s4;
	s5 =	sshll.u32 s5, $0x4  }
0xf: {  	s9 =	smax.u32 s9, $0x1;
	s15 =	sshrl.u32 s16, $0x3;
	s16 =	simm.s32 $0x1  }
0x10: {  	s14 =	sadd.s32 s5, s4;
	s4 =	sadd.s32 $0xE000, s6;
	s5 =	sor.u32 $0x1C01, s28  }
0x11: {  	s10 =	sadd.s32 s29, s10;
	s6 =	sadd.s32 $0xD3800, s14;
	s7 =	sadd.s32 $0x35800, s14  }
0x12: {  	s8 =	sadd.s32 $0x84800, s14;
	s10 =	sadd.s32 $0x9000, s10;
	s14 =	sadd.s32 $0x13A0600, s31  }
.LBB2_1:
0x13: {  	[spmem:s15], [sflag:s5] =	dma.local [hbm:s4], $0x2780  }
0x14: {  	_ =	swait.ge [sflag:s16], $0x2780  }
0x15: {  	s17 =	sadd.s32 $0x0, s12;
	[sflag:s16] =	ssyncset.done $0x0  }
0x16: {  	p0 =	sgt.u32 s17, $0x4E1;
	[sflag:s16] =	ssyncadd.s32 $0xFFFFD880  }
0x17: {  	s17 =	simm.s32 @!p0 $0x0;
	s19 =	simm.s32 @!p0 $0x2;
	[bflag:$0x0] =	sbarrier.arrive $0xFFFF  }
0x18: {  	[tilespmem:s17], [sflag:$0x2] =	stream.linear.gather @!p0 [hbm4b:s10+s17], $0x80, $0x38;
	[tilespmem:$0x17C80] =	vst v63  }
0x19: {  	_ =	swait.ge @!p0 [sflag:s19], $0x80  }
0x1a: {  	[sflag:s19] =	ssyncset.done @!p0 $0x0;
	p0 =	por p0, p0  }
0x1b: {  	[sflag:s19] =	ssyncadd.s32 @!p0 $0xFFFFFF80;
	s21 =	simm.s32 @!p0 $0x80  }
0x1c: {  	[tilespmem:s21], [sflag:$0x2] =	stream.linear.gather @!p0 [hbm4b:s11+s17], $0x4000, $0x38;
	[tilespmem:$0x17C80] =	vst v63  }
0x1d: {  	_ =	swait.ge @!p0 [sflag:s19], $0x4000  }
0x1e: {  	[sflag:s19] =	ssyncset.done @!p0 $0x0  }
0x1f: {  	s31 =	sadd.s32 $0x20, s12;
	s20 =	simm.s32 @!p0 $0x1;
	[sflag:s19] =	ssyncadd.s32 @!p0 $0xFFFFC000  }
0x20: {  	[spmem:s2] =	stream.indirect.scatter.add.f32 @!p0 [tilespmem:s21], [sflag:$0x1], $0x80, s17, s21, $0xb8;
	[tilespmem:$0x17C80] =	vst v63  }
0x21: {  	s18 =	simm.s32 $0x40;
	p1 =	sgt.u32 s31, $0x4E1;
	_ =	swait.ge @!p0 [sflag:s20], $0x4000  }
0x22: {  	s19 =	sadd.s32 $0x200, s10;
	s17 =	sadd.s32 $0x10000, s11;
	[sflag:s20] =	ssyncset.done @!p0 $0x0  }
.LBB2_2:
0x23: {  	s21 =	simm.s32 @!p1 $0x0;
	s22 =	simm.s32 @!p1 $0x2;
	[sflag:s20] =	ssyncadd.s32 @!p0 $0xFFFFC000  }
0x24: {  	[tilespmem:s21], [sflag:$0x2] =	stream.linear.gather @!p1 [hbm4b:s19+s21], $0x80, $0x38;
	[tilespmem:$0x17C80] =	vst v63  }
0x25: {  	s23 =	smov.u32 s18;
	s18 =	sadd.s32 $0x20, s18;
	_ =	swait.ge @!p1 [sflag:s22], $0x80  }
0x26: {  	p0 =	por p1, p1;
	p2 =	sne.s32 s18, $0x500;
	[sflag:s22] =	ssyncset.done @!p1 $0x0  }
0x27: {  	s24 =	simm.s32 @!p0 $0x80;
	[sflag:s22] =	ssyncadd.s32 @!p0 $0xFFFFFF80  }
0x28: {  	[tilespmem:s24], [sflag:$0x2] =	stream.linear.gather @!p0 [hbm4b:s17+s21], $0x4000, $0x38;
	[tilespmem:$0x17C80] =	vst v63  }
0x29: {  	_ =	swait.ge @!p0 [sflag:s22], $0x4000  }
.Ltmp0:
0x2a: {  	[sflag:s22] =	ssyncset.done @!p0 $0x0;
	(pc) =	sbr.rel @p2 .LBB2_2-.Ltmp0, $4  }
0x2b: {  	s20 =	simm.s32 @!p0 $0x1;
	[sflag:s22] =	ssyncadd.s32 @!p0 $0xFFFFC000  }
0x2c: {  	[spmem:s2] =	stream.indirect.scatter.add.f32 @!p0 [tilespmem:s24], [sflag:$0x1], $0x80, s21, s24, $0xb8;
	[tilespmem:$0x17C80] =	vst v63  }
0x2d: {  	s17 =	sadd.s32 $0x10000, s17;
	s21 =	sadd.s32 s23, s12;
	_ =	swait.ge @!p0 [sflag:s20], $0x4000  }
0x2e: {  	s19 =	sadd.s32 $0x200, s19;
	p1 =	sgt.u32 s21, $0x4E1;
	[sflag:s20] =	ssyncset.done @!p0 $0x0  }
0x2f: {  	s18 =	simm.s32 @!p1 $0x0;
	s21 =	simm.s32 @!p1 $0x2;
	[sflag:s20] =	ssyncadd.s32 @!p0 $0xFFFFC000  }
0x30: {  	[tilespmem:s18], [sflag:$0x2] =	stream.linear.gather @!p1 [hbm4b:s19+s18], $0x80, $0x38;
	[tilespmem:$0x17C80] =	vst v63  }
0x31: {  	_ =	swait.ge @!p1 [sflag:s21], $0x80  }
0x32: {  	p0 =	por p1, p1;
	[sflag:s21] =	ssyncset.done @!p1 $0x0  }
0x33: {  	s19 =	simm.s32 @!p0 $0x80;
	[sflag:s21] =	ssyncadd.s32 @!p0 $0xFFFFFF80  }
0x34: {  	[tilespmem:s19], [sflag:$0x2] =	stream.linear.gather @!p0 [hbm4b:s17+s18], $0x4000, $0x38;
	[tilespmem:$0x17C80] =	vst v63  }
0x35: {  	_ =	swait.ge @!p0 [sflag:s21], $0x4000  }
0x36: {  	[sflag:s21] =	ssyncset.done @!p0 $0x0  }
0x37: {  	s17 =	simm.s32 @!p0 $0x1;
	[sflag:s21] =	ssyncadd.s32 @!p0 $0xFFFFC000  }
0x38: {  	[spmem:s2] =	stream.indirect.scatter.add.f32 @!p0 [tilespmem:s19], [sflag:$0x1], $0x80, s18, s19, $0xb8;
	[tilespmem:$0x17C80] =	vst v63  }
0x39: {  	_ =	swait.ge @!p0 [sflag:s17], $0x4000  }
0x3a: {  	[sflag:s17] =	ssyncset.done @!p0 $0x0  }
0x3b: {  	[sflag:s17] =	ssyncadd.s32 @!p0 $0xFFFFC000  }
0x3c: {  	[bflag:$0x0] =	sbarrier.arrive $0xFFFF  }
0x3d: {  	[hbm:s6], [sflag:s5] =	dma.local [spmem:s15], $0x2780  }
0x3e: {  	_ =	swait.ge [sflag:s16], $0x2780  }
0x3f: {  	[sflag:s16] =	ssyncset.done $0x0  }
0x40: {  	[sflag:s16] =	ssyncadd.s32 $0xFFFFD880  }
0x41: {  	[spmem:s15], [sflag:s5] =	dma.local [hbm:s4], $0x2780  }
0x42: {  	_ =	swait.ge [sflag:s16], $0x2780  }
0x43: {  	s30 =	sadd.s32 $0x0, s12;
	[sflag:s16] =	ssyncset.done $0x0  }
0x44: {  	p0 =	sgt.u32 s30, $0x4E1;
	[sflag:s16] =	ssyncadd.s32 $0xFFFFD880  }
0x45: {  	s17 =	simm.s32 @!p0 $0x0;
	s19 =	simm.s32 @!p0 $0x2;
	[bflag:$0x0] =	sbarrier.arrive $0xFFFF  }
0x46: {  	[tilespmem:s17], [sflag:$0x2] =	stream.linear.gather @!p0 [hbm4b:s10+s17], $0x80, $0x38;
	[tilespmem:$0x17C80] =	vst v63  }
0x47: {  	_ =	swait.ge @!p0 [sflag:s19], $0x80  }
0x48: {  	[sflag:s19] =	ssyncset.done @!p0 $0x0;
	p0 =	por p0, p0  }
0x49: {  	[sflag:s19] =	ssyncadd.s32 @!p0 $0xFFFFFF80;
	s21 =	simm.s32 @!p0 $0x80  }
0x4a: {  	[tilespmem:s21], [sflag:$0x2] =	stream.linear.gather @!p0 [hbm4b:s13+s17], $0x4000, $0x38;
	[tilespmem:$0x17C80] =	vst v63  }
0x4b: {  	_ =	swait.ge @!p0 [sflag:s19], $0x4000  }
0x4c: {  	[sflag:s19] =	ssyncset.done @!p0 $0x0  }
0x4d: {  	s31 =	sadd.s32 $0x20, s12;
	s20 =	simm.s32 @!p0 $0x1;
	[sflag:s19] =	ssyncadd.s32 @!p0 $0xFFFFC000  }
0x4e: {  	[spmem:s2] =	stream.indirect.scatter.add.f32 @!p0 [tilespmem:s21], [sflag:$0x1], $0x80, s17, s21, $0xb8;
	[tilespmem:$0x17C80] =	vst v63  }
0x4f: {  	p1 =	sgt.u32 s31, $0x4E1;
	s18 =	simm.s32 $0x40;
	_ =	swait.ge @!p0 [sflag:s20], $0x4000  }
0x50: {  	s19 =	sadd.s32 $0x200, s10;
	s17 =	sadd.s32 $0x10000, s13;
	[sflag:s20] =	ssyncset.done @!p0 $0x0  }
.LBB2_4:
0x51: {  	s21 =	simm.s32 @!p1 $0x0;
	s22 =	simm.s32 @!p1 $0x2;
	[sflag:s20] =	ssyncadd.s32 @!p0 $0xFFFFC000  }
0x52: {  	[tilespmem:s21], [sflag:$0x2] =	stream.linear.gather @!p1 [hbm4b:s19+s21], $0x80, $0x38;
	[tilespmem:$0x17C80] =	vst v63  }
0x53: {  	s23 =	smov.u32 s18;
	s18 =	sadd.s32 $0x20, s18;
	_ =	swait.ge @!p1 [sflag:s22], $0x80  }
0x54: {  	p0 =	por p1, p1;
	p2 =	sne.s32 s18, $0x500;
	[sflag:s22] =	ssyncset.done @!p1 $0x0  }
0x55: {  	s24 =	simm.s32 @!p0 $0x80;
	[sflag:s22] =	ssyncadd.s32 @!p0 $0xFFFFFF80  }
0x56: {  	[tilespmem:s24], [sflag:$0x2] =	stream.linear.gather @!p0 [hbm4b:s17+s21], $0x4000, $0x38;
	[tilespmem:$0x17C80] =	vst v63  }
0x57: {  	_ =	swait.ge @!p0 [sflag:s22], $0x4000  }
.Ltmp1:
0x58: {  	[sflag:s22] =	ssyncset.done @!p0 $0x0;
	(pc) =	sbr.rel @p2 .LBB2_4-.Ltmp1, $4  }
0x59: {  	s20 =	simm.s32 @!p0 $0x1;
	[sflag:s22] =	ssyncadd.s32 @!p0 $0xFFFFC000  }
0x5a: {  	[spmem:s2] =	stream.indirect.scatter.add.f32 @!p0 [tilespmem:s24], [sflag:$0x1], $0x80, s21, s24, $0xb8;
	[tilespmem:$0x17C80] =	vst v63  }
0x5b: {  	s17 =	sadd.s32 $0x10000, s17;
	s21 =	sadd.s32 s23, s12;
	_ =	swait.ge @!p0 [sflag:s20], $0x4000  }
0x5c: {  	s19 =	sadd.s32 $0x200, s19;
	p1 =	sgt.u32 s21, $0x4E1;
	[sflag:s20] =	ssyncset.done @!p0 $0x0  }
0x5d: {  	s18 =	simm.s32 @!p1 $0x0;
	s21 =	simm.s32 @!p1 $0x2;
	[sflag:s20] =	ssyncadd.s32 @!p0 $0xFFFFC000  }
0x5e: {  	[tilespmem:s18], [sflag:$0x2] =	stream.linear.gather @!p1 [hbm4b:s19+s18], $0x80, $0x38;
	[tilespmem:$0x17C80] =	vst v63  }
0x5f: {  	_ =	swait.ge @!p1 [sflag:s21], $0x80  }
0x60: {  	p0 =	por p1, p1;
	[sflag:s21] =	ssyncset.done @!p1 $0x0  }
0x61: {  	s19 =	simm.s32 @!p0 $0x80;
	[sflag:s21] =	ssyncadd.s32 @!p0 $0xFFFFFF80  }
0x62: {  	[tilespmem:s19], [sflag:$0x2] =	stream.linear.gather @!p0 [hbm4b:s17+s18], $0x4000, $0x38;
	[tilespmem:$0x17C80] =	vst v63  }
0x63: {  	_ =	swait.ge @!p0 [sflag:s21], $0x4000  }
0x64: {  	[sflag:s21] =	ssyncset.done @!p0 $0x0  }
0x65: {  	s17 =	simm.s32 @!p0 $0x1;
	[sflag:s21] =	ssyncadd.s32 @!p0 $0xFFFFC000  }
0x66: {  	[spmem:s2] =	stream.indirect.scatter.add.f32 @!p0 [tilespmem:s19], [sflag:$0x1], $0x80, s18, s19, $0xb8;
	[tilespmem:$0x17C80] =	vst v63  }
0x67: {  	_ =	swait.ge @!p0 [sflag:s17], $0x4000  }
0x68: {  	[sflag:s17] =	ssyncset.done @!p0 $0x0  }
0x69: {  	[sflag:s17] =	ssyncadd.s32 @!p0 $0xFFFFC000  }
0x6a: {  	[bflag:$0x0] =	sbarrier.arrive $0xFFFF  }
0x6b: {  	[hbm:s7], [sflag:s5] =	dma.local [spmem:s15], $0x2780  }
0x6c: {  	_ =	swait.ge [sflag:s16], $0x2780  }
0x6d: {  	[sflag:s16] =	ssyncset.done $0x0  }
0x6e: {  	[sflag:s16] =	ssyncadd.s32 $0xFFFFD880  }
0x6f: {  	[spmem:s15], [sflag:s5] =	dma.local [hbm:s4], $0x2780  }
0x70: {  	_ =	swait.ge [sflag:s16], $0x2780  }
0x71: {  	s30 =	sadd.s32 $0x0, s12;
	[sflag:s16] =	ssyncset.done $0x0  }
0x72: {  	p0 =	sgt.u32 s30, $0x4E1;
	[sflag:s16] =	ssyncadd.s32 $0xFFFFD880  }
0x73: {  	s17 =	simm.s32 @!p0 $0x0;
	s19 =	simm.s32 @!p0 $0x2;
	[bflag:$0x0] =	sbarrier.arrive $0xFFFF  }
0x74: {  	[tilespmem:s17], [sflag:$0x2] =	stream.linear.gather @!p0 [hbm4b:s10+s17], $0x80, $0x38;
	[tilespmem:$0x17C80] =	vst v63  }
0x75: {  	_ =	swait.ge @!p0 [sflag:s19], $0x80  }
0x76: {  	[sflag:s19] =	ssyncset.done @!p0 $0x0;
	p0 =	por p0, p0  }
0x77: {  	[sflag:s19] =	ssyncadd.s32 @!p0 $0xFFFFFF80;
	s21 =	simm.s32 @!p0 $0x80  }
0x78: {  	[tilespmem:s21], [sflag:$0x2] =	stream.linear.gather @!p0 [hbm4b:s14+s17], $0x4000, $0x38;
	[tilespmem:$0x17C80] =	vst v63  }
0x79: {  	_ =	swait.ge @!p0 [sflag:s19], $0x4000  }
0x7a: {  	[sflag:s19] =	ssyncset.done @!p0 $0x0  }
0x7b: {  	s31 =	sadd.s32 $0x20, s12;
	s20 =	simm.s32 @!p0 $0x1;
	[sflag:s19] =	ssyncadd.s32 @!p0 $0xFFFFC000  }
0x7c: {  	[spmem:s2] =	stream.indirect.scatter.add.f32 @!p0 [tilespmem:s21], [sflag:$0x1], $0x80, s17, s21, $0xb8;
	[tilespmem:$0x17C80] =	vst v63  }
0x7d: {  	p1 =	sgt.u32 s31, $0x4E1;
	s18 =	simm.s32 $0x40;
	_ =	swait.ge @!p0 [sflag:s20], $0x4000  }
0x7e: {  	s19 =	sadd.s32 $0x200, s10;
	s17 =	sadd.s32 $0x10000, s14;
	[sflag:s20] =	ssyncset.done @!p0 $0x0  }
.LBB2_6:
0x7f: {  	s21 =	simm.s32 @!p1 $0x0;
	s22 =	simm.s32 @!p1 $0x2;
	[sflag:s20] =	ssyncadd.s32 @!p0 $0xFFFFC000  }
0x80: {  	[tilespmem:s21], [sflag:$0x2] =	stream.linear.gather @!p1 [hbm4b:s19+s21], $0x80, $0x38;
	[tilespmem:$0x17C80] =	vst v63  }
0x81: {  	s23 =	smov.u32 s18;
	s18 =	sadd.s32 $0x20, s18;
	_ =	swait.ge @!p1 [sflag:s22], $0x80  }
0x82: {  	p0 =	por p1, p1;
	p2 =	sne.s32 s18, $0x500;
	[sflag:s22] =	ssyncset.done @!p1 $0x0  }
0x83: {  	s24 =	simm.s32 @!p0 $0x80;
	[sflag:s22] =	ssyncadd.s32 @!p0 $0xFFFFFF80  }
0x84: {  	[tilespmem:s24], [sflag:$0x2] =	stream.linear.gather @!p0 [hbm4b:s17+s21], $0x4000, $0x38;
	[tilespmem:$0x17C80] =	vst v63  }
0x85: {  	_ =	swait.ge @!p0 [sflag:s22], $0x4000  }
.Ltmp2:
0x86: {  	[sflag:s22] =	ssyncset.done @!p0 $0x0;
	(pc) =	sbr.rel @p2 .LBB2_6-.Ltmp2, $4  }
0x87: {  	s20 =	simm.s32 @!p0 $0x1;
	[sflag:s22] =	ssyncadd.s32 @!p0 $0xFFFFC000  }
0x88: {  	[spmem:s2] =	stream.indirect.scatter.add.f32 @!p0 [tilespmem:s24], [sflag:$0x1], $0x80, s21, s24, $0xb8;
	[tilespmem:$0x17C80] =	vst v63  }
0x89: {  	s17 =	sadd.s32 $0x10000, s17;
	s21 =	sadd.s32 s23, s12;
	_ =	swait.ge @!p0 [sflag:s20], $0x4000  }
0x8a: {  	s19 =	sadd.s32 $0x200, s19;
	p1 =	sgt.u32 s21, $0x4E1;
	[sflag:s20] =	ssyncset.done @!p0 $0x0  }
0x8b: {  	s18 =	simm.s32 @!p1 $0x0;
	s21 =	simm.s32 @!p1 $0x2;
	[sflag:s20] =	ssyncadd.s32 @!p0 $0xFFFFC000  }
0x8c: {  	[tilespmem:s18], [sflag:$0x2] =	stream.linear.gather @!p1 [hbm4b:s19+s18], $0x80, $0x38;
	[tilespmem:$0x17C80] =	vst v63  }
0x8d: {  	_ =	swait.ge @!p1 [sflag:s21], $0x80  }
0x8e: {  	p0 =	por p1, p1;
	[sflag:s21] =	ssyncset.done @!p1 $0x0  }
0x8f: {  	s19 =	simm.s32 @!p0 $0x80;
	[sflag:s21] =	ssyncadd.s32 @!p0 $0xFFFFFF80  }
0x90: {  	[tilespmem:s19], [sflag:$0x2] =	stream.linear.gather @!p0 [hbm4b:s17+s18], $0x4000, $0x38;
	[tilespmem:$0x17C80] =	vst v63  }
0x91: {  	_ =	swait.ge @!p0 [sflag:s21], $0x4000  }
0x92: {  	[sflag:s21] =	ssyncset.done @!p0 $0x0  }
0x93: {  	s17 =	simm.s32 @!p0 $0x1;
	[sflag:s21] =	ssyncadd.s32 @!p0 $0xFFFFC000  }
0x94: {  	[spmem:s2] =	stream.indirect.scatter.add.f32 @!p0 [tilespmem:s19], [sflag:$0x1], $0x80, s18, s19, $0xb8;
	[tilespmem:$0x17C80] =	vst v63  }
0x95: {  	_ =	swait.ge @!p0 [sflag:s17], $0x4000  }
0x96: {  	s3 =	sadd.s32 $0x1, s3;
	[sflag:s17] =	ssyncset.done @!p0 $0x0  }
0x97: {  	[sflag:s17] =	ssyncadd.s32 @!p0 $0xFFFFC000;
	p0 =	sne.s32 s3, s9  }
.Ltmp3:
0x98: {  	[bflag:$0x0] =	sbarrier.arrive $0xFFFF;
	(pc) =	sbr.rel @p0 .LBB2_1-.Ltmp3, $4  }
0x99: {  	[hbm:s8], [sflag:s5] =	dma.local [spmem:s15], $0x2780  }
0x9a: {  	_ =	swait.ge [sflag:s16], $0x2780  }
0x9b: {  	[sflag:s16] =	ssyncset.done $0x0  }
0x9c: {  	[sflag:s16] =	ssyncadd.s32 $0xFFFFD880  }
0x9d: {  	_ =	sfence.sel $0x180000  }
0x9e: {  	[bflag:$0x0] =	sbarrier.arrive $0xFFFF  }
0x9f: {  	p0 =	sne.s32 s1, $0x0;
	_ =	strace $0x9000004D  }
0xa0: {  	s0 =	sadd.s32 @!p0 $0x100000, s0;
	[bflag:$0x2] =	sbarrier.arrive $0xFFFF  }
0xa1: {  	[sflag:s0] =	ssyncadd.tile.s32 @!p0 $0x1;
	_ =	shalt  }
.Lfunc_end2:
_tile_overlayer_lowered:
.L_overlay_start_2:
0xa2: {  	(tag) =	ssettag $0x2  }
0xa3: {  	s0 =	rddreg [dreg:$0x0];
	s2 =	stileid.u32  }
0xa4: {  	s1 =	rddreg [dreg:$0x1];
	p0 =	sne.s32 s2, $0x0  }
0xa5: {  	s3 =	rddreg [dreg:$0x2];
	[bflag:$0x3] =	sbarrier.arrive $0xFFFF;
	s2 =	simm.s32 @!p0 $0x1C01  }
0xa6: {  	[timem:s3], [sflag:s2] =	dma.local @!p0 [hbm:s0], s1  }
0xa7: {  	s0 =	simm.s32 @!p0 $0x1  }
0xa8: {  	_ =	swait.ge @!p0 [sflag:s0], s1  }
0xa9: {  	s1 =	ssub.s32 @!p0 $0x0, s1;
	[sflag:s0] =	ssyncset.done @!p0 $0x0  }
0xaa: {  	[sflag:s0] =	ssyncadd.s32 @!p0 s1  }
0xab: {  	[bflag:$0x3] =	sbarrier.arrive $0xFFFF  }
0xac: {  	_ =	shalt  }

// kernel: kernel.19.cloned.1.call-start
scs
__scs_entry_jumppad:
0x0: {  	(pc) =	sbr.rel $0x88, $3  }
0x1: {  	(tag) =	ssettag $0x0;
	lr =	simm.s32 $0x1  }
0x2: {  	[smem:$0x3F8E] =	sst lr;
	_ =	strace $0xD0000000  }
0x3: {  	_ = 	snop  }
0x4: {  	_ = 	snop  }
0x5: {  	_ = 	snop  }
0x6: {  	_ = 	snop  }
0x7: {  	_ = 	snop  }
__scs_overlays_trampoline_lowered:
0x8: {  	[smem:$0x3F9D] =	sst s0  }
0x9: {  	[smem:$0x3F9E] =	sst s1  }
0xa: {  	[smem:$0x3F9F] =	sst s2  }
0xb: {  	[smem:$0x3FA0] =	sst s3  }
0xc: {  	[smem:$0x3FA1] =	sst s4  }
0xd: {  	[smem:$0x3FA2] =	sst s5  }
0xe: {  	[smem:$0x3FA3] =	sst s6  }
0xf: {  	[smem:$0x3FA4] =	sst s7  }
0x10: {  	[smem:$0x3FA5] =	sst s8  }
0x11: {  	[smem:$0x3FA6] =	sst s9;
	s0 =	simm.s32 @!p0 $0x0  }
0x12: {  	s1 =	sld [smem:$0x3F8C];
	s0 =	simm.s32 @p0 $0x1  }
0x13: {  	[smem:$0x3FA7] =	sst s0;
	s0 =	simm.s32 @!p1 $0x0  }
0x14: {  	s2 =	sld [smem:$0x3F8B];
	s0 =	simm.s32 @p1 $0x1  }
0x15: {  	[smem:$0x3FA8] =	sst s0;
	s0 =	simm.s32 @!p2 $0x0  }
0x16: {  	s3 =	sld [smem:$0x3FDB];
	s0 =	simm.s32 @p2 $0x1  }
0x17: {  	s4 =	simm.s32 $0x1BF5;
	[smem:$0x3FAA] =	sst s0  }
0x18: {  	s0 =	sld [smem:$0x3F8D];
	_ =	swait.ge [sflag:s4], $0x0  }
0x19: {  	s7 =	sld [smem:$0x3F8E]  }
0x1a: {  	s8 =	sadd.s32 $0xFFFFE003, lr  }
0x1b: {  	s9 =	sadd.s32 $0xFFFFFEF7, lr;
	s5 =	simm.s32 $0xFFFFFFFF;
	p2 =	slt.u32 s8, $0xFFFFF086  }
0x1c: {  	p1 =	slt.u32 s9, $0xF7A;
	s5 =	simm.s32 @!p2 $0x0  }
0x1d: {  	s5 =	simm.s32 @p1 $0x1;
	p0 =	seq.s32 s7, s2  }
0x1e: {  	s7 =	smul.u32 @!p0 $0xF7A, s2;
	p2 =	seq.s32 @!p0 s5, $0x0  }
0x1f: {  	s9 =	smul.u32 $0xF7A, s1;
	s8 =	simm.s32 @!p0 $0x1BF5;
	p2 =	por !p2, p0  }
0x20: {  	[sflag:s8] =	ssyncset.s32 @!p0 $0xFFFFF086;
	s6 =	sadd.s32 @!p0 s3, s7;
	s7 =	simm.s32 @!p0 $0x108  }
0x21: {  	s3 =	sadd.s32 s3, s9;
	s6 =	sadd.s32 @!p0 $0x88, s6;
	s7 =	simm.s32 @p2 $0x1082  }
0x22: {  	[simem:s7], [sflag:s8] =	dma.local @!p0 [hbm:s6], $0xF7A  }
0x23: {  	s9 =	sor.u32 $0xD0000000, s2;
	s6 =	simm.s32 $0x108;
	_ =	swait.ge @!p0 [sflag:s8], $0x0  }
0x24: {  	s3 =	sadd.s32 $0x88, s3;
	s6 =	simm.s32 @!p1 $0x1082;
	[sflag:s4] =	ssyncset.s32 $0xFFFFF086  }
0x25: {  	[simem:s6], [sflag:s4] =	dma.local [hbm:s3], $0xF7A  }
0x26: {  	[smem:$0x3F8E] =	sst s1;
	(tag) =	ssettag s2;
	_ =	strace s9  }
0x27: {  	s1 =	sld [smem:$0x3F9E]  }
0x28: {  	s2 =	sld [smem:$0x3F9F]  }
0x29: {  	s4 =	sld [smem:$0x3FA1]  }
0x2a: {  	p0 =	seq.s32 s5, $0x0;
	s5 =	sld [smem:$0x3FA2]  }
0x2b: {  	s6 =	sld [smem:$0x3FA3]  }
0x2c: {  	s7 =	sld [smem:$0x3FA4]  }
0x2d: {  	s3 =	simm.s32 $0x108;
	s8 =	sld [smem:$0x3FA5]  }
0x2e: {  	s3 =	simm.s32 @!p0 $0x1082;
	s9 =	sld [smem:$0x3FA6]  }
0x2f: {  	lr =	sadd.s32 s0, s3;
	s0 =	sld [smem:$0x3F9D]  }
0x30: {  	s3 =	sld [smem:$0x3FA0]  }
0x31: {  	[smem:$0x3FA9] =	sst s10  }
0x32: {  	s10 =	sld [smem:$0x3FA7];
	_ =	sdelay $0x3  }
0x33: {  	p0 =	seq.s32 s10, $0x1;
	s10 =	sld [smem:$0x3FA9];
	_ =	sdelay $0x3  }
0x34: {  	[smem:$0x3FA9] =	sst s10  }
0x35: {  	s10 =	sld [smem:$0x3FA8];
	_ =	sdelay $0x3  }
0x36: {  	p1 =	seq.s32 s10, $0x1;
	s10 =	sld [smem:$0x3FA9];
	_ =	sdelay $0x3  }
0x37: {  	[smem:$0x3FA9] =	sst s10  }
0x38: {  	s10 =	sld [smem:$0x3FAA]  }
0x39: {  	_ = 	snop;
	(pc) =	sbr.ind lr, $3  }
0x3a: {  	_ = 	snop  }
0x3b: {  	_ = 	snop  }
0x3c: {  	p2 =	seq.s32 s10, $0x1;
	s10 =	sld [smem:$0x3FA9]  }
0x3d: {  	_ =	shalt  }
0x3e: {  	_ =	shalt  }
0x3f: {  	_ =	shalt  }
0x40: {  	_ =	shalt  }
0x41: {  	_ =	shalt  }
0x42: {  	_ =	shalt  }
0x43: {  	_ =	shalt  }
0x44: {  	_ =	shalt  }
0x45: {  	_ =	shalt  }
0x46: {  	_ =	shalt  }
0x47: {  	_ =	shalt  }
0x48: {  	_ =	shalt  }
0x49: {  	_ =	shalt  }
0x4a: {  	_ =	shalt  }
0x4b: {  	_ =	shalt  }
0x4c: {  	_ =	shalt  }
0x4d: {  	_ =	shalt  }
0x4e: {  	_ =	shalt  }
0x4f: {  	_ =	shalt  }
0x50: {  	_ =	shalt  }
0x51: {  	_ =	shalt  }
0x52: {  	_ =	shalt  }
0x53: {  	_ =	shalt  }
0x54: {  	_ =	shalt  }
0x55: {  	_ =	shalt  }
0x56: {  	_ =	shalt  }
0x57: {  	_ =	shalt  }
0x58: {  	_ =	shalt  }
0x59: {  	_ =	shalt  }
0x5a: {  	_ =	shalt  }
0x5b: {  	_ =	shalt  }
0x5c: {  	_ =	shalt  }
0x5d: {  	_ =	shalt  }
0x5e: {  	_ =	shalt  }
0x5f: {  	_ =	shalt  }
0x60: {  	_ =	shalt  }
0x61: {  	_ =	shalt  }
0x62: {  	_ =	shalt  }
0x63: {  	_ =	shalt  }
0x64: {  	_ =	shalt  }
0x65: {  	_ =	shalt  }
0x66: {  	_ =	shalt  }
0x67: {  	_ =	shalt  }
0x68: {  	_ =	shalt  }
0x69: {  	_ =	shalt  }
0x6a: {  	_ =	shalt  }
0x6b: {  	_ =	shalt  }
0x6c: {  	_ =	shalt  }
0x6d: {  	_ =	shalt  }
0x6e: {  	_ =	shalt  }
0x6f: {  	_ =	shalt  }
0x70: {  	_ =	shalt  }
0x71: {  	_ =	shalt  }
0x72: {  	_ =	shalt  }
0x73: {  	_ =	shalt  }
0x74: {  	_ =	shalt  }
0x75: {  	_ =	shalt  }
0x76: {  	_ =	shalt  }
0x77: {  	_ =	shalt  }
0x78: {  	_ =	shalt  }
0x79: {  	_ =	shalt  }
0x7a: {  	_ =	shalt  }
0x7b: {  	_ =	shalt  }
0x7c: {  	_ =	shalt  }
0x7d: {  	_ =	shalt  }
0x7e: {  	_ =	shalt  }
0x7f: {  	_ =	shalt  }
0x80: {  	_ =	shalt  }
0x81: {  	_ =	shalt  }
0x82: {  	_ =	shalt  }
0x83: {  	_ =	shalt  }
0x84: {  	_ =	shalt  }
0x85: {  	_ =	shalt  }
0x86: {  	_ =	shalt  }
0x87: {  	_ =	shalt  }
.Lfunc_end0:
.L_simem_size_0:
called_computation.3_lowered:
.L_overlay_start_0:
0x88: {  	s2 =	sld [smem:$0x3FD9]  }
0x89: {  	s3 =	sld [smem:$0x3FFE];
	_ =	sdelay $0x1  }
0x8a: {  	s1 =	srdreg.scid  }
0x8b: {  	s0 =	sand.u32 $0x1, s1  }
0x8c: {  	s15 =	sshll.u32 s0, $0xA;
	s2 =	sadd.s32 s3, s2  }
0x8d: {  	s2 =	sadd.s32 s2, s15  }
0x8e: {  	[smem:$0x3FB5] =	sst s2  }
0x8f: {  	_ = 	snop  }
0x90: {  	s2 =	sld [smem:$0x3FD0];
	_ =	sdelay $0x2  }
0x91: {  	s16 =	simm.s32 $0xB;
	s4 =	simm.s32 $0x10  }
0x92: {  	[smem:s4], [sflag:s16] =	dma.local [hbm:s2], $0x1  }
0x93: {  	_ =	swait.eq [sflag:s16], $0x1  }
0x94: {  	[sflag:s16] =	ssyncset.done $0x0  }
0x95: {  	[sflag:s16] =	ssyncadd.s32 $0xFFFFFFFF  }
0x96: {  	s17 =	sld [smem:$0x11];
	(tm) =	ssettm $0x1  }
0x97: {  	s18 =	sld [smem:$0x3FFB];
	_ =	sdelay $0x3  }
0x98: {  	_ =	strace s18  }
0x99: {  	s2 =	sld [smem:$0x3FFC];
	_ =	sdelay $0x3  }
0x9a: {  	_ =	strace s2  }
0x9b: {  	s2 =	sld [smem:$0x3FFD];
	_ =	sdelay $0x3  }
0x9c: {  	_ =	strace s2  }
0x9d: {  	_ =	strace $0x8FFFFFFF  }
0x9e: {  	s19 =	sld [smem:$0x3FDB];
	_ =	sdelay $0x1  }
0x9f: {  	s20 =	simm.s32 $_scs_section_size  }
0xa0: {  	s5 =	simm.s32 $_size__tile_overlayer_lowered;
	s6 =	simm.s32 $_tile_overlayer_lowered  }
0xa1: {  	s7 =	simm.s32 $0x1BFF;
	s21 =	sshll.u32 s6, $0x1;
	s4 =	sadd.s32 s20, s19  }
0xa2: {  	s22 =	simm.s32 $0x0;
	s5 =	sshll.u32 s5, $0x1;
	s6 =	sadd.s32 s21, s4  }
0xa3: {  	[timem:s22], [sflag:s7] =	dma.local [hbm:s6], s5  }
0xa4: {  	_ =	swait.ge [sflag:s7], s5  }
0xa5: {  	s5 =	ssub.s32 $0x0, s5;
	[sflag:s7] =	ssyncset.done $0x0  }
0xa6: {  	[sflag:s7] =	ssyncadd.s32 s5;
	_ =	sdelay $0x1  }
0xa7: {  	s23 =	simm.s32 $0x1B8B  }
0xa8: {  	_ =	swait.ge [sflag:s23], $0x1  }
0xa9: {  	[sflag:s23] =	ssyncset.done $0x0  }
0xaa: {  	[sflag:s23] =	ssyncadd.s32 $0xFFFFFFFF  }
0xab: {  	s5 =	sld [smem:$0x0]  }
0xac: {  	s6 =	sand.u32 $0xFFFFFFFE, s1  }
0xad: {  	p0 =	sne.s32 s1, s6  }
0xae: {  	s6 =	sshll.u32 @p0 s6, $0xE  }
0xaf: {  	s6 =	sadd.s32 @p0 $0x11B8D, s6;
	s7 =	sshll.u32 @p0 s5, $0x11  }
0xb0: {  	s6 =	sor.u32 @p0 s7, s6  }
0xb1: {  	[sflag:s6] =	ssyncadd.remote.s32 @p0 $0x1;
	_ =	sdelay $0x1  }
0xb2: {  	s6 =	simm.s32 @p0 $0x1B8D  }
0xb3: {  	_ =	swait.eq @p0 [sflag:s6], $0x1  }
0xb4: {  	[sflag:s6] =	ssyncadd.s32 @p0 $0xFFFFFFFF  }
0xb5: {  	s7 =	sshll.u32 @!p0 s1, $0xE  }
0xb6: {  	s7 =	sor.u32 @!p0 $0x4000, s7;
	s6 =	simm.s32 @!p0 $0x1B8D  }
0xb7: {  	s5 =	sshll.u32 @!p0 s5, $0x11;
	s7 =	sadd.s32 @!p0 $0x11B8D, s7;
	_ =	swait.eq @!p0 [sflag:s6], $0x1  }
0xb8: {  	s5 =	sor.u32 @!p0 s5, s7;
	[sflag:s6] =	ssyncadd.s32 @!p0 $0xFFFFFFFF  }
0xb9: {  	s25 =	simm.s32 $0x1B8E;
	s24 =	sld [smem:$0x3FFE];
	[sflag:s5] =	ssyncadd.remote.s32 @!p0 $0x1  }
0xba: {  	s26 =	simm.s32 $execute0_lowered;
	[smem:$0x3FD2] =	sst s25  }
0xbb: {  	s6 =	sshll.u32 s26, $0x1;
	_ =	strace $0x8000004F;
	[dreg:$0x1] =	wrdreg $0xFFFFFFFF  }
0xbc: {  	s28 =	simm.s32 $_size_execute0_lowered;
	s4 =	sadd.s32 s4, s6;
	[dreg:$0x0] =	wrdreg $0x0  }
0xbd: {  	s6 =	sshll.u32 s28, $0x1;
	[dreg:$0x2] =	wrdreg s4  }
0xbe: {  	[dreg:$0x3] =	wrdreg s6  }
0xbf: {  	[dreg:$0x4] =	wrdreg $0xC0  }
0xc0: {  	_ =	task [dreg:s22], $0x5FFFF  }
0xc1: {  	[dreg:$0x1] =	wrdreg $0xFFFFFFFF  }
0xc2: {  	[dreg:$0x0] =	wrdreg $0x60  }
0xc3: {  	[dreg:$0x2] =	wrdreg s17  }
0xc4: {  	[dreg:$0x3] =	wrdreg s24  }
0xc5: {  	[dreg:$0x4] =	wrdreg $0x40800  }
0xc6: {  	[dreg:$0x5] =	wrdreg $0x9  }
0xc7: {  	_ =	task.clear_ibuf [dreg:s22], $0x6FFFF;
	_ =	strace $0x9000004F  }
0xc8: {  	s29 =	simm.s32 $0x9;
	_ =	strace $0x80000051  }
0xc9: {  	_ =	swait.ge [sflag:s29], $0x1  }
0xca: {  	[sflag:s29] =	ssyncadd.s32 $0xFFFFFFFF  }
0xcb: {  	_ =	strace $0x90000051  }
0xcc: {  	_ =	sfence  }
0xcd: {  	s30 =	sld [smem:$0x0];
	_ =	sdelay $0x2  }
0xce: {  	s31 =	sshll.u32 s1, $0xD;
	s1 =	sshrl.u32 s1, $0x2  }
0xcf: {  	s4 =	sand.u32 $0x4000, s31;
	s1 =	sadd.s32 s1, s30  }
0xd0: {  	s0 =	sor.u32 s4, s0;
	s1 =	sshll.u32 s1, $0x11  }
0xd1: {  	s0 =	sor.u32 s1, s0  }
0xd2: {  	s0 =	sadd.s32 $0x8F2B, s0  }
0xd3: {  	[sflag:s0] =	ssyncadd.remote.s32 $0x1  }
0xd4: {  	_ =	sfence.sel $0xFFFF  }
0xd5: {  	[dreg:$0x0] =	wrdreg $0xFFFFFFFF;
	(pc) =	sbr.abs _section_cstart, $3  }
0xd6: {  	[dreg:$0x1] =	wrdreg $0xFFFFFFFF  }
0xd7: {  	_ =	task.clear_ibuf [dreg:s22], $0x2FFFF;
	_ =	strace $0x9FFFFFFF  }
0xd8: {  	(tm) =	ssettm $0x7FFFFFFF  }
0xd9: {  	_ =	shalt  }
tec
execute0_lowered:
.L_overlay_start_1:
0x0: {  	(tag) =	ssettag $0x1  }
0x1: {  	s7 =	rddreg [dreg:$0x0]  }
0x2: {  	s4 =	rddreg [dreg:$0x1];
	s0 =	srdreg.scid  }
0x3: {  	s2 =	rddreg [dreg:$0x2];
	s1 =	stileid.u32;
	s3 =	simm.s32 $0x0  }
0x4: {  	s10 =	sand.u32 $0x1, s0;
	s0 =	rddreg [dreg:$0x3];
	s25 =	smul.u32 $0x2780, s1  }
0x5: {  	s5 =	sshll.u32 s1, $0x5;
	[smem:$0x7FF] =	sst s3;
	s11 =	smul.u32 $0x4F000, s1  }
0x6: {  	s13 =	sshll.u32 s1, $0x1;
	s29 =	sshll.u32 s1, $0x6;
	s30 =	sshll.u32 s1, $0xC  }
0x7: {  	s6 =	sshll.u32 s10, $0x4;
	s9 =	smul.u32 $0x27800, s10;
	_ =	strace $0x80000050  }
0x8: {  	s26 =	ssub.s32 $0x2, s10;
	s31 =	sshll.u32 s10, $0xB;
	s10 =	sor.u32 s10, s13  }
0x9: {  	s5 =	sor.u32 s6, s5;
	s12 =	sadd.s32 s25, s4;
	s28 =	sshrl.u32 s26, $0x1  }
0xa: {  	s11 =	sshrl.u32 s11, $0x2;
	s8 =	sand.u32 $0x180, s5;
	s6 =	sadd.s32 s25, s9  }
0xb: {  	s9 =	ssub.s32 s26, s28;
	s11 =	sadd.s32 s11, s2;
	s14 =	sand.u32 $0x70, s5  }
0xc: {  	s5 =	sor.u32 $0x1C01, s29;
	s8 =	sadd.s32 s8, s4;
	s6 =	sadd.s32 s6, s4  }
0xd: {  	s4 =	sadd.s32 $0xE000, s12;
	s12 =	sadd.s32 s30, s7;
	s7 =	smax.u32 s9, $0x1  }
0xe: {  	s11 =	sshrl.u32 s11, $0x3;
	s8 =	sadd.s32 s14, s8;
	s6 =	sadd.s32 $0x9DC600, s6  }
0xf: {  	s9 =	sadd.s32 s31, s12;
	s12 =	simm.s32 $0x1;
	s8 =	sadd.s32 $0x9D7600, s8  }
.LBB2_1:
0x10: {  	[spmem:s11], [sflag:s5] =	dma.local [hbm:s4], $0x2780  }
0x11: {  	_ =	swait.ge [sflag:s12], $0x2780  }
0x12: {  	s13 =	sadd.s32 $0x0, s10;
	[sflag:s12] =	ssyncset.done $0x0  }
0x13: {  	p0 =	sgt.u32 s13, $0x4E1;
	[sflag:s12] =	ssyncadd.s32 $0xFFFFD880  }
0x14: {  	s13 =	simm.s32 @!p0 $0x0;
	s15 =	simm.s32 @!p0 $0x2;
	[bflag:$0x0] =	sbarrier.arrive $0xFFFF  }
0x15: {  	[tilespmem:s13], [sflag:$0x2] =	stream.linear.gather @!p0 [hbm4b:s8+s13], $0x80, $0x38;
	[tilespmem:$0x17C80] =	vst v63  }
0x16: {  	_ =	swait.ge @!p0 [sflag:s15], $0x80  }
0x17: {  	[sflag:s15] =	ssyncset.done @!p0 $0x0;
	p0 =	por p0, p0  }
0x18: {  	[sflag:s15] =	ssyncadd.s32 @!p0 $0xFFFFFF80;
	s17 =	simm.s32 @!p0 $0x80  }
0x19: {  	[tilespmem:s17], [sflag:$0x2] =	stream.linear.gather @!p0 [hbm4b:s9+s13], $0x4000, $0x38;
	[tilespmem:$0x17C80] =	vst v63  }
0x1a: {  	_ =	swait.ge @!p0 [sflag:s15], $0x4000  }
0x1b: {  	[sflag:s15] =	ssyncset.done @!p0 $0x0  }
0x1c: {  	s31 =	sadd.s32 $0x20, s10;
	s16 =	simm.s32 @!p0 $0x1;
	[sflag:s15] =	ssyncadd.s32 @!p0 $0xFFFFC000  }
0x1d: {  	[spmem:s2] =	stream.indirect.scatter.add.f32 @!p0 [tilespmem:s17], [sflag:$0x1], $0x80, s13, s17, $0xb8;
	[tilespmem:$0x17C80] =	vst v63  }
0x1e: {  	s14 =	simm.s32 $0x40;
	p1 =	sgt.u32 s31, $0x4E1;
	_ =	swait.ge @!p0 [sflag:s16], $0x4000  }
0x1f: {  	s15 =	sadd.s32 $0x200, s8;
	s13 =	sadd.s32 $0x10000, s9;
	[sflag:s16] =	ssyncset.done @!p0 $0x0  }
.LBB2_2:
0x20: {  	s17 =	simm.s32 @!p1 $0x0;
	s18 =	simm.s32 @!p1 $0x2;
	[sflag:s16] =	ssyncadd.s32 @!p0 $0xFFFFC000  }
0x21: {  	[tilespmem:s17], [sflag:$0x2] =	stream.linear.gather @!p1 [hbm4b:s15+s17], $0x80, $0x38;
	[tilespmem:$0x17C80] =	vst v63  }
0x22: {  	s19 =	smov.u32 s14;
	s14 =	sadd.s32 $0x20, s14;
	_ =	swait.ge @!p1 [sflag:s18], $0x80  }
0x23: {  	p0 =	por p1, p1;
	p2 =	sne.s32 s14, $0x500;
	[sflag:s18] =	ssyncset.done @!p1 $0x0  }
0x24: {  	s20 =	simm.s32 @!p0 $0x80;
	[sflag:s18] =	ssyncadd.s32 @!p0 $0xFFFFFF80  }
0x25: {  	[tilespmem:s20], [sflag:$0x2] =	stream.linear.gather @!p0 [hbm4b:s13+s17], $0x4000, $0x38;
	[tilespmem:$0x17C80] =	vst v63  }
0x26: {  	_ =	swait.ge @!p0 [sflag:s18], $0x4000  }
.Ltmp0:
0x27: {  	[sflag:s18] =	ssyncset.done @!p0 $0x0;
	(pc) =	sbr.rel @p2 .LBB2_2-.Ltmp0, $4  }
0x28: {  	s16 =	simm.s32 @!p0 $0x1;
	[sflag:s18] =	ssyncadd.s32 @!p0 $0xFFFFC000  }
0x29: {  	[spmem:s2] =	stream.indirect.scatter.add.f32 @!p0 [tilespmem:s20], [sflag:$0x1], $0x80, s17, s20, $0xb8;
	[tilespmem:$0x17C80] =	vst v63  }
0x2a: {  	s13 =	sadd.s32 $0x10000, s13;
	s17 =	sadd.s32 s19, s10;
	_ =	swait.ge @!p0 [sflag:s16], $0x4000  }
0x2b: {  	s15 =	sadd.s32 $0x200, s15;
	p1 =	sgt.u32 s17, $0x4E1;
	[sflag:s16] =	ssyncset.done @!p0 $0x0  }
0x2c: {  	s14 =	simm.s32 @!p1 $0x0;
	s17 =	simm.s32 @!p1 $0x2;
	[sflag:s16] =	ssyncadd.s32 @!p0 $0xFFFFC000  }
0x2d: {  	[tilespmem:s14], [sflag:$0x2] =	stream.linear.gather @!p1 [hbm4b:s15+s14], $0x80, $0x38;
	[tilespmem:$0x17C80] =	vst v63  }
0x2e: {  	_ =	swait.ge @!p1 [sflag:s17], $0x80  }
0x2f: {  	p0 =	por p1, p1;
	[sflag:s17] =	ssyncset.done @!p1 $0x0  }
0x30: {  	s15 =	simm.s32 @!p0 $0x80;
	[sflag:s17] =	ssyncadd.s32 @!p0 $0xFFFFFF80  }
0x31: {  	[tilespmem:s15], [sflag:$0x2] =	stream.linear.gather @!p0 [hbm4b:s13+s14], $0x4000, $0x38;
	[tilespmem:$0x17C80] =	vst v63  }
0x32: {  	_ =	swait.ge @!p0 [sflag:s17], $0x4000  }
0x33: {  	[sflag:s17] =	ssyncset.done @!p0 $0x0  }
0x34: {  	s13 =	simm.s32 @!p0 $0x1;
	[sflag:s17] =	ssyncadd.s32 @!p0 $0xFFFFC000  }
0x35: {  	[spmem:s2] =	stream.indirect.scatter.add.f32 @!p0 [tilespmem:s15], [sflag:$0x1], $0x80, s14, s15, $0xb8;
	[tilespmem:$0x17C80] =	vst v63  }
0x36: {  	_ =	swait.ge @!p0 [sflag:s13], $0x4000  }
0x37: {  	s3 =	sadd.s32 $0x1, s3;
	[sflag:s13] =	ssyncset.done @!p0 $0x0  }
0x38: {  	[sflag:s13] =	ssyncadd.s32 @!p0 $0xFFFFC000;
	p0 =	sne.s32 s3, s7  }
.Ltmp1:
0x39: {  	[bflag:$0x0] =	sbarrier.arrive $0xFFFF;
	(pc) =	sbr.rel @p0 .LBB2_1-.Ltmp1, $4  }
0x3a: {  	[hbm:s6], [sflag:s5] =	dma.local [spmem:s11], $0x2780  }
0x3b: {  	_ =	swait.ge [sflag:s12], $0x2780  }
0x3c: {  	[sflag:s12] =	ssyncset.done $0x0  }
0x3d: {  	[sflag:s12] =	ssyncadd.s32 $0xFFFFD880  }
0x3e: {  	_ =	sfence.sel $0x180000  }
0x3f: {  	[bflag:$0x0] =	sbarrier.arrive $0xFFFF  }
0x40: {  	p0 =	sne.s32 s1, $0x0;
	_ =	strace $0x90000050  }
0x41: {  	s0 =	sadd.s32 @!p0 $0x100000, s0;
	[bflag:$0x2] =	sbarrier.arrive $0xFFFF  }
0x42: {  	[sflag:s0] =	ssyncadd.tile.s32 @!p0 $0x1;
	_ =	shalt  }
.Lfunc_end2:
_tile_overlayer_lowered:
.L_overlay_start_2:
0x43: {  	(tag) =	ssettag $0x2  }
0x44: {  	s0 =	rddreg [dreg:$0x0];
	s2 =	stileid.u32  }
0x45: {  	s1 =	rddreg [dreg:$0x1];
	p0 =	sne.s32 s2, $0x0  }
0x46: {  	s3 =	rddreg [dreg:$0x2];
	[bflag:$0x3] =	sbarrier.arrive $0xFFFF;
	s2 =	simm.s32 @!p0 $0x1C01  }
0x47: {  	[timem:s3], [sflag:s2] =	dma.local @!p0 [hbm:s0], s1  }
0x48: {  	s0 =	simm.s32 @!p0 $0x1  }
0x49: {  	_ =	swait.ge @!p0 [sflag:s0], s1  }
0x4a: {  	s1 =	ssub.s32 @!p0 $0x0, s1;
	[sflag:s0] =	ssyncset.done @!p0 $0x0  }
0x4b: {  	[sflag:s0] =	ssyncadd.s32 @!p0 s1  }
0x4c: {  	[bflag:$0x3] =	sbarrier.arrive $0xFFFF  }
0x4d: {  	_ =	shalt  }

</sc_bundles>
